<compile_context>
chip_gen: v7x
topology: tpu7x:2x2x1
jax: 0.10.2.dev20260603
libtpu: 0.0.44.dev20260713+nightly
codegen_flags: <defaults>
</compile_context>

<pallas_src>
import jax
import jax.numpy as jnp
from jax import lax
from jax.experimental import pallas as pl
from jax.experimental.pallas import tpu as pltpu
from jax.experimental.pallas import tpu_sc as plsc

B, T = 16384, 200
STEPS_PER_DAY = 288
EMB = 16
OUT_D = 2 * EMB
N = B * T
NW = 32
CB = 1024
NCHUNK = N // CB
CPW = NCHUNK // NW
GPC = CB // 16
DOW_BASE = EMB * STEPS_PER_DAY
DOW_D = 7 * 16
CTAB_LEN = DOW_BASE + EMB * DOW_D


def _body(tod_hbm, dow_hbm, ctab_hbm, out_hbm, ctab_v,
          tod_v0, tod_v1, dow_v0, dow_v1, out_v0, out_v1,
          st0, st1, sd0, sd1, so0, so1):
    wid = lax.axis_index("s") * 2 + lax.axis_index("c")
    cid0 = wid * CPW
    pltpu.sync_copy(ctab_hbm, ctab_v)
    lane = lax.iota(jnp.int32, 16)
    tod_b = (tod_v0, tod_v1)
    dow_b = (dow_v0, dow_v1)
    out_b = (out_v0, out_v1)
    sin_t = (st0, st1)
    sin_d = (sd0, sd1)
    sout = (so0, so1)

    def start_in(cid, b):
        pltpu.async_copy(tod_hbm.at[pl.ds(cid * CB, CB)], tod_b[b], sin_t[b])
        pltpu.async_copy(dow_hbm.at[pl.ds(cid * CB, CB)], dow_b[b], sin_d[b])

    def wait_in(b):
        pltpu.make_async_copy(tod_hbm.at[pl.ds(0, CB)], tod_b[b], sin_t[b]).wait()
        pltpu.make_async_copy(dow_hbm.at[pl.ds(0, CB)], dow_b[b], sin_d[b]).wait()

    def start_out(cid, b):
        t = cid >> 4
        bq = cid & 15
        for dt in range(4):
            pltpu.async_copy(
                out_b[b].at[dt], out_hbm.at[t, dt, pl.ds(bq * 8, 8)], sout[b])

    def wait_out(b):
        for dt in range(4):
            pltpu.make_async_copy(
                out_b[b].at[dt], out_hbm.at[0, 0, pl.ds(0, 8)], sout[b]).wait()

    def compute_chunk(b):
        tod_v, dow_v, out_v = tod_b[b], dow_b[b], out_b[b]

        @plsc.parallel_loop(0, GPC, 1, unroll=2)
        def group_body(g):
            btl = g >> 3
            j16 = (g & 7) * 16
            tv = tod_v[pl.ds(g * 16, 16)]
            dv = dow_v[pl.ds(g * 16, 16)]
            ti = (tv * jnp.float32(STEPS_PER_DAY)).astype(jnp.int32)
            ti = jnp.minimum(jnp.maximum(ti, 0), STEPS_PER_DAY - 1)
            di = jnp.minimum(jnp.maximum(dv, 0), 6)
            dbase = di * 16 + lane + DOW_BASE
            tvals = [plsc.load_gather(ctab_v, [ti + d * STEPS_PER_DAY])
                     for d in range(EMB)]
            dvals = [plsc.load_gather(ctab_v, [dbase + d * DOW_D])
                     for d in range(EMB)]
            for d in range(OUT_D):
                val = tvals[d] if d < EMB else dvals[d - EMB]
                out_v[d // 8, btl, d % 8, pl.ds(j16, 16)] = val

    start_in(cid0, 0)
    start_in(cid0 + 1, 1)

    def chunk_pair(k, _):
        for b in range(2):
            ci = cid0 + 2 * k + b
            wait_in(b)

            @pl.when(k >= 1)
            def _():
                wait_out(b)

            compute_chunk(b)
            start_out(ci, b)

            @pl.when(k < CPW // 2 - 1)
            def _():
                start_in(ci + 2, b)

        return 0

    lax.fori_loop(0, CPW // 2, chunk_pair, 0)
    wait_out(0)
    wait_out(1)


@jax.jit
def _emb(tod_f, dow_f, ctab):
    mesh = plsc.VectorSubcoreMesh(core_axis_name="c", subcore_axis_name="s")
    f = pl.kernel(
        _body,
        mesh=mesh,
        compiler_params=pltpu.CompilerParams(needs_layout_passes=False),
        out_type=jax.ShapeDtypeStruct((T, 4, 128, 8, 128), jnp.float32),
        scratch_types=[
            pltpu.VMEM((CTAB_LEN,), jnp.float32),
            pltpu.VMEM((CB,), jnp.float32),
            pltpu.VMEM((CB,), jnp.float32),
            pltpu.VMEM((CB,), jnp.int32),
            pltpu.VMEM((CB,), jnp.int32),
            pltpu.VMEM((4, 8, 8, 128), jnp.float32),
            pltpu.VMEM((4, 8, 8, 128), jnp.float32),
            pltpu.SemaphoreType.DMA,
            pltpu.SemaphoreType.DMA,
            pltpu.SemaphoreType.DMA,
            pltpu.SemaphoreType.DMA,
            pltpu.SemaphoreType.DMA,
            pltpu.SemaphoreType.DMA,
        ],
    )
    return f(tod_f, dow_f, ctab)


def kernel(tod, dow, tod_table, dow_table):
    tpart = tod_table.T.reshape(-1)
    dpart = jnp.broadcast_to(
        dow_table.T[:, :, None], (EMB, 7, 16)).reshape(-1)
    ctab = jnp.concatenate([tpart, dpart])
    tod_f = tod.T.reshape(-1)
    dow_f = dow.T.reshape(-1).astype(jnp.int32)
    out = _emb(tod_f, dow_f, ctab)
    return out.transpose(2, 4, 0, 1, 3).reshape(B, T, OUT_D)

# --- scband reference (transcript-rebuilt; emitter-appended) ---
"""Pipeline reference for scband-time-embedding-4870492914007 (READ-ONLY COPY).

The authoritative reference and input builder live on the scoring server;
editing this copy changes nothing except your own understanding.
"""

import jax, jax.numpy as jnp
import numpy as np

STEPS_PER_DAY = 288
TOD_EMB_DIM = 16
DOW_EMB_DIM = 16
B, T = 16384, 200


def setup_inputs(seed: int = 0) -> dict:
    key = jax.random.key(seed)
    k1, k2, k3, k4 = jax.random.split(key, 4)
    tod = jax.random.uniform(k1, (B, T), dtype=jnp.float32)  # in [0, 1)
    dow = jax.random.randint(k2, (B, T), 0, 7, dtype=jnp.int32)
    tod_table = jax.random.normal(k3, (STEPS_PER_DAY, TOD_EMB_DIM), dtype=jnp.float32)
    dow_table = jax.random.normal(k4, (7, DOW_EMB_DIM), dtype=jnp.float32)
    return {"tod": tod, "dow": dow, "tod_table": tod_table, "dow_table": dow_table}


def reference(tod, dow, tod_table, dow_table):
    # tod_emb = self.tod_embedding((tod * steps_per_day).long())
    tod_idx = (tod * STEPS_PER_DAY).astype(jnp.int32)
    tod_emb = jnp.take(tod_table, tod_idx, axis=0)
    # dow_emb = self.dow_embedding(dow.long())
    dow_emb = jnp.take(dow_table, dow.astype(jnp.int32), axis=0)
    # time_emb = cat([tod_emb, dow_emb], dim=-1)
    time_emb = jnp.concatenate([tod_emb, dow_emb], axis=-1)
    return time_emb

if __name__ == "__main__":
    import jax
    _d = setup_inputs()
    print(jax.jit(kernel)(*tuple(_d.values())))

</pallas_src>

<mosaic_0001>
#map = affine_map<(d0, d1) -> (0)>
#map1 = affine_map<(d0, d1) -> (0, 0, 0, 0, 0)>
module attributes {stable_mosaic.version = 14 : i64} {
  func.func @_body(%arg0: i32, %arg1: i32, %arg2: memref<3276800xf32, #tpu.memory_space<hbm>>, %arg3: memref<3276800xi32, #tpu.memory_space<hbm>>, %arg4: memref<6400xf32, #tpu.memory_space<hbm>>, %arg5: memref<200x4x128x8x128xf32, #tpu.memory_space<hbm>>, %arg6: memref<6400xf32, #tpu.memory_space<vmem>>, %arg7: memref<1024xf32, #tpu.memory_space<vmem>>, %arg8: memref<1024xf32, #tpu.memory_space<vmem>>, %arg9: memref<1024xi32, #tpu.memory_space<vmem>>, %arg10: memref<1024xi32, #tpu.memory_space<vmem>>, %arg11: memref<4x8x8x128xf32, #tpu.memory_space<vmem>>, %arg12: memref<4x8x8x128xf32, #tpu.memory_space<vmem>>, %arg13: memref<!tpu.dma_semaphore, #tpu.memory_space<semaphore_mem>>, %arg14: memref<!tpu.dma_semaphore, #tpu.memory_space<semaphore_mem>>, %arg15: memref<!tpu.dma_semaphore, #tpu.memory_space<semaphore_mem>>, %arg16: memref<!tpu.dma_semaphore, #tpu.memory_space<semaphore_mem>>, %arg17: memref<!tpu.dma_semaphore, #tpu.memory_space<semaphore_mem>>, %arg18: memref<!tpu.dma_semaphore, #tpu.memory_space<semaphore_mem>>) attributes {dimension_semantics = [#tpu.dimension_semantics<core_parallel>, #tpu.dimension_semantics<subcore_parallel>], iteration_bounds = array<i64: 2, 16>, scalar_prefetch = 0 : i64, scratch_operands = 13 : i64, tpu.core_type = #tpu.core_type<sc_vector_subcore>, window_params = [{transform_indices = #map}, {transform_indices = #map}, {transform_indices = #map}, {transform_indices = #map1}]} {
    %mul3A = arith.constant 2 : i32
    %mul3A_0 = arith.muli %arg1, %mul3A : i32
    %add3A = arith.addi %mul3A_0, %arg0 : i32
    %mul3A_1 = arith.constant 100 : i32
    %mul3A_2 = arith.muli %add3A, %mul3A_1 : i32
    "tpu.region"() ({
      %run_scoped3A = tpu.sem_alloc : memref<!tpu.dma_semaphore, #tpu.memory_space<semaphore_mem>>
      tpu.enqueue_dma source(%arg4 : memref<6400xf32, #tpu.memory_space<hbm>>) target(%arg6 : memref<6400xf32, #tpu.memory_space<vmem>>) target_semaphore(%run_scoped3A : memref<!tpu.dma_semaphore, #tpu.memory_space<semaphore_mem>>)
      tpu.wait_dma2 semaphore(%run_scoped3A : memref<!tpu.dma_semaphore, #tpu.memory_space<semaphore_mem>>) src(%arg4 : memref<6400xf32, #tpu.memory_space<hbm>>) dst(%arg6 : memref<6400xf32, #tpu.memory_space<vmem>>)
      tpu.yield
    }) : () -> ()
    %iota3A = tpu.iota {dimensions = array<i32: 0>} : vector<16xi32>
    %mul3A_3 = arith.constant 1024 : i32
    %mul3A_4 = arith.muli %mul3A_2, %mul3A_3 : i32
    %dma_start3A = tpu.memref_slice %arg2[%mul3A_4] : memref<3276800xf32, #tpu.memory_space<hbm>> -> memref<1024xf32, #tpu.memory_space<hbm>>
    %dma_start3A_5 = tpu.memref_slice %arg2[%mul3A_4] : memref<3276800xf32, #tpu.memory_space<hbm>> -> memref<1024xf32, #tpu.memory_space<hbm>>
    tpu.enqueue_dma source(%dma_start3A_5 : memref<1024xf32, #tpu.memory_space<hbm>>) target(%arg7 : memref<1024xf32, #tpu.memory_space<vmem>>) target_semaphore(%arg13 : memref<!tpu.dma_semaphore, #tpu.memory_space<semaphore_mem>>)
    %mul3A_6 = arith.constant 1024 : i32
    %mul3A_7 = arith.muli %mul3A_2, %mul3A_6 : i32
    %dma_start3A_8 = tpu.memref_slice %arg3[%mul3A_7] : memref<3276800xi32, #tpu.memory_space<hbm>> -> memref<1024xi32, #tpu.memory_space<hbm>>
    %dma_start3A_9 = tpu.memref_slice %arg3[%mul3A_7] : memref<3276800xi32, #tpu.memory_space<hbm>> -> memref<1024xi32, #tpu.memory_space<hbm>>
    tpu.enqueue_dma source(%dma_start3A_9 : memref<1024xi32, #tpu.memory_space<hbm>>) target(%arg9 : memref<1024xi32, #tpu.memory_space<vmem>>) target_semaphore(%arg15 : memref<!tpu.dma_semaphore, #tpu.memory_space<semaphore_mem>>)
    %add3A_10 = arith.constant 1 : i32
    %add3A_11 = arith.addi %mul3A_2, %add3A_10 : i32
    %mul3A_12 = arith.constant 1024 : i32
    %mul3A_13 = arith.muli %add3A_11, %mul3A_12 : i32
    %dma_start3A_14 = tpu.memref_slice %arg2[%mul3A_13] : memref<3276800xf32, #tpu.memory_space<hbm>> -> memref<1024xf32, #tpu.memory_space<hbm>>
    %dma_start3A_15 = tpu.memref_slice %arg2[%mul3A_13] : memref<3276800xf32, #tpu.memory_space<hbm>> -> memref<1024xf32, #tpu.memory_space<hbm>>
    tpu.enqueue_dma source(%dma_start3A_15 : memref<1024xf32, #tpu.memory_space<hbm>>) target(%arg8 : memref<1024xf32, #tpu.memory_space<vmem>>) target_semaphore(%arg14 : memref<!tpu.dma_semaphore, #tpu.memory_space<semaphore_mem>>)
    %mul3A_16 = arith.constant 1024 : i32
    %mul3A_17 = arith.muli %add3A_11, %mul3A_16 : i32
    %dma_start3A_18 = tpu.memref_slice %arg3[%mul3A_17] : memref<3276800xi32, #tpu.memory_space<hbm>> -> memref<1024xi32, #tpu.memory_space<hbm>>
    %dma_start3A_19 = tpu.memref_slice %arg3[%mul3A_17] : memref<3276800xi32, #tpu.memory_space<hbm>> -> memref<1024xi32, #tpu.memory_space<hbm>>
    tpu.enqueue_dma source(%dma_start3A_19 : memref<1024xi32, #tpu.memory_space<hbm>>) target(%arg10 : memref<1024xi32, #tpu.memory_space<vmem>>) target_semaphore(%arg16 : memref<!tpu.dma_semaphore, #tpu.memory_space<semaphore_mem>>)
    %scan3A = arith.constant 0 : i32
    %scan3A_20 = arith.constant 0 : i32
    %scan3A_21 = arith.constant 50 : i32
    %scan3A_22 = arith.addi %scan3A_20, %scan3A_21 : i32
    %scan3A_23 = arith.constant 1 : i32
    %scan3A_24 = scf.for %scan3A_209 = %scan3A_20 to %scan3A_22 step %scan3A_23 iter_args(%scan3A_210 = %scan3A) -> (i32)  : i32 {
      %mul3A_211 = arith.constant 2 : i32
      %mul3A_212 = arith.muli %mul3A_211, %scan3A_209 : i32
      %add3A_213 = arith.addi %mul3A_2, %mul3A_212 : i32
      %add3A_214 = arith.constant 0 : i32
      %add3A_215 = arith.addi %add3A_213, %add3A_214 : i32
      %dma_wait3A_216 = arith.constant 0 : i32
      %dma_wait3A_217 = tpu.memref_slice %arg2[%dma_wait3A_216] : memref<3276800xf32, #tpu.memory_space<hbm>> -> memref<1024xf32, #tpu.memory_space<hbm>>
      %dma_wait3A_218 = arith.constant 0 : i32
      %dma_wait3A_219 = tpu.memref_slice %arg2[%dma_wait3A_218] : memref<3276800xf32, #tpu.memory_space<hbm>> -> memref<1024xf32, #tpu.memory_space<hbm>>
      tpu.wait_dma2 semaphore(%arg13 : memref<!tpu.dma_semaphore, #tpu.memory_space<semaphore_mem>>) src(%dma_wait3A_219 : memref<1024xf32, #tpu.memory_space<hbm>>) dst(%arg7 : memref<1024xf32, #tpu.memory_space<vmem>>)
      %dma_wait3A_220 = arith.constant 0 : i32
      %dma_wait3A_221 = tpu.memref_slice %arg3[%dma_wait3A_220] : memref<3276800xi32, #tpu.memory_space<hbm>> -> memref<1024xi32, #tpu.memory_space<hbm>>
      %dma_wait3A_222 = arith.constant 0 : i32
      %dma_wait3A_223 = tpu.memref_slice %arg3[%dma_wait3A_222] : memref<3276800xi32, #tpu.memory_space<hbm>> -> memref<1024xi32, #tpu.memory_space<hbm>>
      tpu.wait_dma2 semaphore(%arg15 : memref<!tpu.dma_semaphore, #tpu.memory_space<semaphore_mem>>) src(%dma_wait3A_223 : memref<1024xi32, #tpu.memory_space<hbm>>) dst(%arg9 : memref<1024xi32, #tpu.memory_space<vmem>>)
      %ge3A = arith.constant 1 : i32
      %ge3A_224 = arith.cmpi sge, %scan3A_209, %ge3A : i32
      %convert_element_type3A = arith.extui %ge3A_224 : i1 to i32
      %cond3A = arith.constant 0 : i32
      %cond3A_225 = arith.cmpi ne, %convert_element_type3A, %cond3A : i32
      scf.if %cond3A_225 {
        %dma_wait3A_441 = arith.constant 0 : i32
        %dma_wait3A_442 = arith.constant 0 : i32
        %dma_wait3A_443 = arith.constant 0 : i32
        %dma_wait3A_444 = arith.constant 0 : i32
        %dma_wait3A_445 = arith.constant 0 : i32
        %dma_wait3A_446 = arith.constant 0 : i32
        %dma_wait3A_447 = tpu.memref_slice %arg11[%dma_wait3A_441, %dma_wait3A_444, %dma_wait3A_445, %dma_wait3A_446] : memref<4x8x8x128xf32, #tpu.memory_space<vmem>> -> memref<1x8x8x128xf32, #tpu.memory_space<vmem>>
        %dma_wait3A_448 = tpu.memref_squeeze %dma_wait3A_447 : memref<1x8x8x128xf32, #tpu.memory_space<vmem>> -> memref<8x8x128xf32, #tpu.memory_space<vmem>>
        %dma_wait3A_449 = arith.constant 0 : i32
        %dma_wait3A_450 = arith.constant 0 : i32
        %dma_wait3A_451 = arith.constant 0 : i32
        %dma_wait3A_452 = tpu.memref_slice %arg5[%dma_wait3A_442, %dma_wait3A_443, %dma_wait3A_449, %dma_wait3A_450, %dma_wait3A_451] : memref<200x4x128x8x128xf32, #tpu.memory_space<hbm>> -> memref<1x1x8x8x128xf32, #tpu.memory_space<hbm>>
        %dma_wait3A_453 = tpu.memref_squeeze %dma_wait3A_452 : memref<1x1x8x8x128xf32, #tpu.memory_space<hbm>> -> memref<8x8x128xf32, #tpu.memory_space<hbm>>
        %dma_wait3A_454 = arith.constant 0 : i32
        %dma_wait3A_455 = arith.constant 0 : i32
        %dma_wait3A_456 = arith.constant 0 : i32
        %dma_wait3A_457 = tpu.memref_slice %arg5[%dma_wait3A_442, %dma_wait3A_443, %dma_wait3A_454, %dma_wait3A_455, %dma_wait3A_456] : memref<200x4x128x8x128xf32, #tpu.memory_space<hbm>> -> memref<1x1x8x8x128xf32, #tpu.memory_space<hbm>>
        %dma_wait3A_458 = tpu.memref_squeeze %dma_wait3A_457 : memref<1x1x8x8x128xf32, #tpu.memory_space<hbm>> -> memref<8x8x128xf32, #tpu.memory_space<hbm>>
        %dma_wait3A_459 = arith.constant 0 : i32
        %dma_wait3A_460 = arith.constant 0 : i32
        %dma_wait3A_461 = arith.constant 0 : i32
        %dma_wait3A_462 = tpu.memref_slice %arg11[%dma_wait3A_441, %dma_wait3A_459, %dma_wait3A_460, %dma_wait3A_461] : memref<4x8x8x128xf32, #tpu.memory_space<vmem>> -> memref<1x8x8x128xf32, #tpu.memory_space<vmem>>
        %dma_wait3A_463 = tpu.memref_squeeze %dma_wait3A_462 : memref<1x8x8x128xf32, #tpu.memory_space<vmem>> -> memref<8x8x128xf32, #tpu.memory_space<vmem>>
        tpu.wait_dma2 semaphore(%arg17 : memref<!tpu.dma_semaphore, #tpu.memory_space<semaphore_mem>>) src(%dma_wait3A_463 : memref<8x8x128xf32, #tpu.memory_space<vmem>>) dst(%dma_wait3A_458 : memref<8x8x128xf32, #tpu.memory_space<hbm>>)
        %dma_wait3A_464 = arith.constant 1 : i32
        %dma_wait3A_465 = arith.constant 0 : i32
        %dma_wait3A_466 = arith.constant 0 : i32
        %dma_wait3A_467 = arith.constant 0 : i32
        %dma_wait3A_468 = arith.constant 0 : i32
        %dma_wait3A_469 = arith.constant 0 : i32
        %dma_wait3A_470 = tpu.memref_slice %arg11[%dma_wait3A_464, %dma_wait3A_467, %dma_wait3A_468, %dma_wait3A_469] : memref<4x8x8x128xf32, #tpu.memory_space<vmem>> -> memref<1x8x8x128xf32, #tpu.memory_space<vmem>>
        %dma_wait3A_471 = tpu.memref_squeeze %dma_wait3A_470 : memref<1x8x8x128xf32, #tpu.memory_space<vmem>> -> memref<8x8x128xf32, #tpu.memory_space<vmem>>
        %dma_wait3A_472 = arith.constant 0 : i32
        %dma_wait3A_473 = arith.constant 0 : i32
        %dma_wait3A_474 = arith.constant 0 : i32
        %dma_wait3A_475 = tpu.memref_slice %arg5[%dma_wait3A_465, %dma_wait3A_466, %dma_wait3A_472, %dma_wait3A_473, %dma_wait3A_474] : memref<200x4x128x8x128xf32, #tpu.memory_space<hbm>> -> memref<1x1x8x8x128xf32, #tpu.memory_space<hbm>>
        %dma_wait3A_476 = tpu.memref_squeeze %dma_wait3A_475 : memref<1x1x8x8x128xf32, #tpu.memory_space<hbm>> -> memref<8x8x128xf32, #tpu.memory_space<hbm>>
        %dma_wait3A_477 = arith.constant 0 : i32
        %dma_wait3A_478 = arith.constant 0 : i32
        %dma_wait3A_479 = arith.constant 0 : i32
        %dma_wait3A_480 = tpu.memref_slice %arg5[%dma_wait3A_465, %dma_wait3A_466, %dma_wait3A_477, %dma_wait3A_478, %dma_wait3A_479] : memref<200x4x128x8x128xf32, #tpu.memory_space<hbm>> -> memref<1x1x8x8x128xf32, #tpu.memory_space<hbm>>
        %dma_wait3A_481 = tpu.memref_squeeze %dma_wait3A_480 : memref<1x1x8x8x128xf32, #tpu.memory_space<hbm>> -> memref<8x8x128xf32, #tpu.memory_space<hbm>>
        %dma_wait3A_482 = arith.constant 0 : i32
        %dma_wait3A_483 = arith.constant 0 : i32
        %dma_wait3A_484 = arith.constant 0 : i32
        %dma_wait3A_485 = tpu.memref_slice %arg11[%dma_wait3A_464, %dma_wait3A_482, %dma_wait3A_483, %dma_wait3A_484] : memref<4x8x8x128xf32, #tpu.memory_space<vmem>> -> memref<1x8x8x128xf32, #tpu.memory_space<vmem>>
        %dma_wait3A_486 = tpu.memref_squeeze %dma_wait3A_485 : memref<1x8x8x128xf32, #tpu.memory_space<vmem>> -> memref<8x8x128xf32, #tpu.memory_space<vmem>>
        tpu.wait_dma2 semaphore(%arg17 : memref<!tpu.dma_semaphore, #tpu.memory_space<semaphore_mem>>) src(%dma_wait3A_486 : memref<8x8x128xf32, #tpu.memory_space<vmem>>) dst(%dma_wait3A_481 : memref<8x8x128xf32, #tpu.memory_space<hbm>>)
        %dma_wait3A_487 = arith.constant 2 : i32
        %dma_wait3A_488 = arith.constant 0 : i32
        %dma_wait3A_489 = arith.constant 0 : i32
        %dma_wait3A_490 = arith.constant 0 : i32
        %dma_wait3A_491 = arith.constant 0 : i32
        %dma_wait3A_492 = arith.constant 0 : i32
        %dma_wait3A_493 = tpu.memref_slice %arg11[%dma_wait3A_487, %dma_wait3A_490, %dma_wait3A_491, %dma_wait3A_492] : memref<4x8x8x128xf32, #tpu.memory_space<vmem>> -> memref<1x8x8x128xf32, #tpu.memory_space<vmem>>
        %dma_wait3A_494 = tpu.memref_squeeze %dma_wait3A_493 : memref<1x8x8x128xf32, #tpu.memory_space<vmem>> -> memref<8x8x128xf32, #tpu.memory_space<vmem>>
        %dma_wait3A_495 = arith.constant 0 : i32
        %dma_wait3A_496 = arith.constant 0 : i32
        %dma_wait3A_497 = arith.constant 0 : i32
        %dma_wait3A_498 = tpu.memref_slice %arg5[%dma_wait3A_488, %dma_wait3A_489, %dma_wait3A_495, %dma_wait3A_496, %dma_wait3A_497] : memref<200x4x128x8x128xf32, #tpu.memory_space<hbm>> -> memref<1x1x8x8x128xf32, #tpu.memory_space<hbm>>
        %dma_wait3A_499 = tpu.memref_squeeze %dma_wait3A_498 : memref<1x1x8x8x128xf32, #tpu.memory_space<hbm>> -> memref<8x8x128xf32, #tpu.memory_space<hbm>>
        %dma_wait3A_500 = arith.constant 0 : i32
        %dma_wait3A_501 = arith.constant 0 : i32
        %dma_wait3A_502 = arith.constant 0 : i32
        %dma_wait3A_503 = tpu.memref_slice %arg5[%dma_wait3A_488, %dma_wait3A_489, %dma_wait3A_500, %dma_wait3A_501, %dma_wait3A_502] : memref<200x4x128x8x128xf32, #tpu.memory_space<hbm>> -> memref<1x1x8x8x128xf32, #tpu.memory_space<hbm>>
        %dma_wait3A_504 = tpu.memref_squeeze %dma_wait3A_503 : memref<1x1x8x8x128xf32, #tpu.memory_space<hbm>> -> memref<8x8x128xf32, #tpu.memory_space<hbm>>
        %dma_wait3A_505 = arith.constant 0 : i32
        %dma_wait3A_506 = arith.constant 0 : i32
        %dma_wait3A_507 = arith.constant 0 : i32
        %dma_wait3A_508 = tpu.memref_slice %arg11[%dma_wait3A_487, %dma_wait3A_505, %dma_wait3A_506, %dma_wait3A_507] : memref<4x8x8x128xf32, #tpu.memory_space<vmem>> -> memref<1x8x8x128xf32, #tpu.memory_space<vmem>>
        %dma_wait3A_509 = tpu.memref_squeeze %dma_wait3A_508 : memref<1x8x8x128xf32, #tpu.memory_space<vmem>> -> memref<8x8x128xf32, #tpu.memory_space<vmem>>
        tpu.wait_dma2 semaphore(%arg17 : memref<!tpu.dma_semaphore, #tpu.memory_space<semaphore_mem>>) src(%dma_wait3A_509 : memref<8x8x128xf32, #tpu.memory_space<vmem>>) dst(%dma_wait3A_504 : memref<8x8x128xf32, #tpu.memory_space<hbm>>)
        %dma_wait3A_510 = arith.constant 3 : i32
        %dma_wait3A_511 = arith.constant 0 : i32
        %dma_wait3A_512 = arith.constant 0 : i32
        %dma_wait3A_513 = arith.constant 0 : i32
        %dma_wait3A_514 = arith.constant 0 : i32
        %dma_wait3A_515 = arith.constant 0 : i32
        %dma_wait3A_516 = tpu.memref_slice %arg11[%dma_wait3A_510, %dma_wait3A_513, %dma_wait3A_514, %dma_wait3A_515] : memref<4x8x8x128xf32, #tpu.memory_space<vmem>> -> memref<1x8x8x128xf32, #tpu.memory_space<vmem>>
        %dma_wait3A_517 = tpu.memref_squeeze %dma_wait3A_516 : memref<1x8x8x128xf32, #tpu.memory_space<vmem>> -> memref<8x8x128xf32, #tpu.memory_space<vmem>>
        %dma_wait3A_518 = arith.constant 0 : i32
        %dma_wait3A_519 = arith.constant 0 : i32
        %dma_wait3A_520 = arith.constant 0 : i32
        %dma_wait3A_521 = tpu.memref_slice %arg5[%dma_wait3A_511, %dma_wait3A_512, %dma_wait3A_518, %dma_wait3A_519, %dma_wait3A_520] : memref<200x4x128x8x128xf32, #tpu.memory_space<hbm>> -> memref<1x1x8x8x128xf32, #tpu.memory_space<hbm>>
        %dma_wait3A_522 = tpu.memref_squeeze %dma_wait3A_521 : memref<1x1x8x8x128xf32, #tpu.memory_space<hbm>> -> memref<8x8x128xf32, #tpu.memory_space<hbm>>
        %dma_wait3A_523 = arith.constant 0 : i32
        %dma_wait3A_524 = arith.constant 0 : i32
        %dma_wait3A_525 = arith.constant 0 : i32
        %dma_wait3A_526 = tpu.memref_slice %arg5[%dma_wait3A_511, %dma_wait3A_512, %dma_wait3A_523, %dma_wait3A_524, %dma_wait3A_525] : memref<200x4x128x8x128xf32, #tpu.memory_space<hbm>> -> memref<1x1x8x8x128xf32, #tpu.memory_space<hbm>>
        %dma_wait3A_527 = tpu.memref_squeeze %dma_wait3A_526 : memref<1x1x8x8x128xf32, #tpu.memory_space<hbm>> -> memref<8x8x128xf32, #tpu.memory_space<hbm>>
        %dma_wait3A_528 = arith.constant 0 : i32
        %dma_wait3A_529 = arith.constant 0 : i32
        %dma_wait3A_530 = arith.constant 0 : i32
        %dma_wait3A_531 = tpu.memref_slice %arg11[%dma_wait3A_510, %dma_wait3A_528, %dma_wait3A_529, %dma_wait3A_530] : memref<4x8x8x128xf32, #tpu.memory_space<vmem>> -> memref<1x8x8x128xf32, #tpu.memory_space<vmem>>
        %dma_wait3A_532 = tpu.memref_squeeze %dma_wait3A_531 : memref<1x8x8x128xf32, #tpu.memory_space<vmem>> -> memref<8x8x128xf32, #tpu.memory_space<vmem>>
        tpu.wait_dma2 semaphore(%arg17 : memref<!tpu.dma_semaphore, #tpu.memory_space<semaphore_mem>>) src(%dma_wait3A_532 : memref<8x8x128xf32, #tpu.memory_space<vmem>>) dst(%dma_wait3A_527 : memref<8x8x128xf32, #tpu.memory_space<hbm>>)
      } else {
      }
      %parallel_loop3A = arith.constant 0 : i32
      %parallel_loop3A_226 = arith.constant 64 : i32
      %parallel_loop3A_227 = arith.constant 1 : i32
      scf.for %parallel_loop3A_441 = %parallel_loop3A to %parallel_loop3A_226 step %parallel_loop3A_227  : i32 {
        %parallel_loop3A_442 = arith.constant 3 : i32
        %parallel_loop3A_443 = arith.shrsi %parallel_loop3A_441, %parallel_loop3A_442 : i32
        %parallel_loop3A_444 = arith.constant 7 : i32
        %parallel_loop3A_445 = arith.andi %parallel_loop3A_441, %parallel_loop3A_444 : i32
        %parallel_loop3A_446 = arith.constant 16 : i32
        %parallel_loop3A_447 = arith.muli %parallel_loop3A_445, %parallel_loop3A_446 : i32
        %parallel_loop3A_448 = arith.constant 16 : i32
        %parallel_loop3A_449 = arith.muli %parallel_loop3A_441, %parallel_loop3A_448 : i32
        %parallel_loop3A_450 = arith.index_cast %parallel_loop3A_449 : i32 to index
        %parallel_loop3A_451 = tpu.vector_load %arg7[%parallel_loop3A_450] {strides = array<i32>} : memref<1024xf32, #tpu.memory_space<vmem>>, vector<16xf32>,
        %parallel_loop3A_452 = arith.constant 16 : i32
        %parallel_loop3A_453 = arith.muli %parallel_loop3A_441, %parallel_loop3A_452 : i32
        %parallel_loop3A_454 = arith.index_cast %parallel_loop3A_453 : i32 to index
        %parallel_loop3A_455 = tpu.vector_load %arg9[%parallel_loop3A_454] {strides = array<i32>} : memref<1024xi32, #tpu.memory_space<vmem>>, vector<16xi32>,
        %parallel_loop3A_456 = arith.constant 2.880000e+02 : f32
        %parallel_loop3A_457 = vector.broadcast %parallel_loop3A_456 : f32 to vector<16xf32>
        %parallel_loop3A_458 = arith.mulf %parallel_loop3A_451, %parallel_loop3A_457 : vector<16xf32>
        %parallel_loop3A_459 = arith.fptosi %parallel_loop3A_458 : vector<16xf32> to vector<16xi32>
        %parallel_loop3A_460 = arith.constant 0 : i32
        %parallel_loop3A_461 = vector.broadcast %parallel_loop3A_460 : i32 to vector<16xi32>
        %parallel_loop3A_462 = arith.maxsi %parallel_loop3A_459, %parallel_loop3A_461 : vector<16xi32>
        %parallel_loop3A_463 = arith.constant 287 : i32
        %parallel_loop3A_464 = vector.broadcast %parallel_loop3A_463 : i32 to vector<16xi32>
        %parallel_loop3A_465 = arith.minsi %parallel_loop3A_462, %parallel_loop3A_464 : vector<16xi32>
        %parallel_loop3A_466 = arith.constant 0 : i32
        %parallel_loop3A_467 = vector.broadcast %parallel_loop3A_466 : i32 to vector<16xi32>
        %parallel_loop3A_468 = arith.maxsi %parallel_loop3A_455, %parallel_loop3A_467 : vector<16xi32>
        %parallel_loop3A_469 = arith.constant 6 : i32
        %parallel_loop3A_470 = vector.broadcast %parallel_loop3A_469 : i32 to vector<16xi32>
        %parallel_loop3A_471 = arith.minsi %parallel_loop3A_468, %parallel_loop3A_470 : vector<16xi32>
        %parallel_loop3A_472 = arith.constant 16 : i32
        %parallel_loop3A_473 = vector.broadcast %parallel_loop3A_472 : i32 to vector<16xi32>
        %parallel_loop3A_474 = arith.muli %parallel_loop3A_471, %parallel_loop3A_473 : vector<16xi32>
        %parallel_loop3A_475 = arith.addi %parallel_loop3A_474, %iota3A : vector<16xi32>
        %parallel_loop3A_476 = arith.constant 4608 : i32
        %parallel_loop3A_477 = vector.broadcast %parallel_loop3A_476 : i32 to vector<16xi32>
        %parallel_loop3A_478 = arith.addi %parallel_loop3A_475, %parallel_loop3A_477 : vector<16xi32>
        %parallel_loop3A_479 = arith.constant 0 : i32
        %parallel_loop3A_480 = vector.broadcast %parallel_loop3A_479 : i32 to vector<16xi32>
        %parallel_loop3A_481 = arith.addi %parallel_loop3A_465, %parallel_loop3A_480 : vector<16xi32>
        %parallel_loop3A_482 = tpu.vector_load_idx %arg6[%parallel_loop3A_481] : memref<6400xf32, #tpu.memory_space<vmem>>[vector<16xi32>], vector<16xf32>,
        %parallel_loop3A_483 = arith.constant 288 : i32
        %parallel_loop3A_484 = vector.broadcast %parallel_loop3A_483 : i32 to vector<16xi32>
        %parallel_loop3A_485 = arith.addi %parallel_loop3A_465, %parallel_loop3A_484 : vector<16xi32>
        %parallel_loop3A_486 = tpu.vector_load_idx %arg6[%parallel_loop3A_485] : memref<6400xf32, #tpu.memory_space<vmem>>[vector<16xi32>], vector<16xf32>,
        %parallel_loop3A_487 = arith.constant 576 : i32
        %parallel_loop3A_488 = vector.broadcast %parallel_loop3A_487 : i32 to vector<16xi32>
        %parallel_loop3A_489 = arith.addi %parallel_loop3A_465, %parallel_loop3A_488 : vector<16xi32>
        %parallel_loop3A_490 = tpu.vector_load_idx %arg6[%parallel_loop3A_489] : memref<6400xf32, #tpu.memory_space<vmem>>[vector<16xi32>], vector<16xf32>,
        %parallel_loop3A_491 = arith.constant 864 : i32
        %parallel_loop3A_492 = vector.broadcast %parallel_loop3A_491 : i32 to vector<16xi32>
        %parallel_loop3A_493 = arith.addi %parallel_loop3A_465, %parallel_loop3A_492 : vector<16xi32>
        %parallel_loop3A_494 = tpu.vector_load_idx %arg6[%parallel_loop3A_493] : memref<6400xf32, #tpu.memory_space<vmem>>[vector<16xi32>], vector<16xf32>,
        %parallel_loop3A_495 = arith.constant 1152 : i32
        %parallel_loop3A_496 = vector.broadcast %parallel_loop3A_495 : i32 to vector<16xi32>
        %parallel_loop3A_497 = arith.addi %parallel_loop3A_465, %parallel_loop3A_496 : vector<16xi32>
        %parallel_loop3A_498 = tpu.vector_load_idx %arg6[%parallel_loop3A_497] : memref<6400xf32, #tpu.memory_space<vmem>>[vector<16xi32>], vector<16xf32>,
        %parallel_loop3A_499 = arith.constant 1440 : i32
        %parallel_loop3A_500 = vector.broadcast %parallel_loop3A_499 : i32 to vector<16xi32>
        %parallel_loop3A_501 = arith.addi %parallel_loop3A_465, %parallel_loop3A_500 : vector<16xi32>
        %parallel_loop3A_502 = tpu.vector_load_idx %arg6[%parallel_loop3A_501] : memref<6400xf32, #tpu.memory_space<vmem>>[vector<16xi32>], vector<16xf32>,
        %parallel_loop3A_503 = arith.constant 1728 : i32
        %parallel_loop3A_504 = vector.broadcast %parallel_loop3A_503 : i32 to vector<16xi32>
        %parallel_loop3A_505 = arith.addi %parallel_loop3A_465, %parallel_loop3A_504 : vector<16xi32>
        %parallel_loop3A_506 = tpu.vector_load_idx %arg6[%parallel_loop3A_505] : memref<6400xf32, #tpu.memory_space<vmem>>[vector<16xi32>], vector<16xf32>,
        %parallel_loop3A_507 = arith.constant 2016 : i32
        %parallel_loop3A_508 = vector.broadcast %parallel_loop3A_507 : i32 to vector<16xi32>
        %parallel_loop3A_509 = arith.addi %parallel_loop3A_465, %parallel_loop3A_508 : vector<16xi32>
        %parallel_loop3A_510 = tpu.vector_load_idx %arg6[%parallel_loop3A_509] : memref<6400xf32, #tpu.memory_space<vmem>>[vector<16xi32>], vector<16xf32>,
        %parallel_loop3A_511 = arith.constant 2304 : i32
        %parallel_loop3A_512 = vector.broadcast %parallel_loop3A_511 : i32 to vector<16xi32>
        %parallel_loop3A_513 = arith.addi %parallel_loop3A_465, %parallel_loop3A_512 : vector<16xi32>
        %parallel_loop3A_514 = tpu.vector_load_idx %arg6[%parallel_loop3A_513] : memref<6400xf32, #tpu.memory_space<vmem>>[vector<16xi32>], vector<16xf32>,
        %parallel_loop3A_515 = arith.constant 2592 : i32
        %parallel_loop3A_516 = vector.broadcast %parallel_loop3A_515 : i32 to vector<16xi32>
        %parallel_loop3A_517 = arith.addi %parallel_loop3A_465, %parallel_loop3A_516 : vector<16xi32>
        %parallel_loop3A_518 = tpu.vector_load_idx %arg6[%parallel_loop3A_517] : memref<6400xf32, #tpu.memory_space<vmem>>[vector<16xi32>], vector<16xf32>,
        %parallel_loop3A_519 = arith.constant 2880 : i32
        %parallel_loop3A_520 = vector.broadcast %parallel_loop3A_519 : i32 to vector<16xi32>
        %parallel_loop3A_521 = arith.addi %parallel_loop3A_465, %parallel_loop3A_520 : vector<16xi32>
        %parallel_loop3A_522 = tpu.vector_load_idx %arg6[%parallel_loop3A_521] : memref<6400xf32, #tpu.memory_space<vmem>>[vector<16xi32>], vector<16xf32>,
        %parallel_loop3A_523 = arith.constant 3168 : i32
        %parallel_loop3A_524 = vector.broadcast %parallel_loop3A_523 : i32 to vector<16xi32>
        %parallel_loop3A_525 = arith.addi %parallel_loop3A_465, %parallel_loop3A_524 : vector<16xi32>
        %parallel_loop3A_526 = tpu.vector_load_idx %arg6[%parallel_loop3A_525] : memref<6400xf32, #tpu.memory_space<vmem>>[vector<16xi32>], vector<16xf32>,
        %parallel_loop3A_527 = arith.constant 3456 : i32
        %parallel_loop3A_528 = vector.broadcast %parallel_loop3A_527 : i32 to vector<16xi32>
        %parallel_loop3A_529 = arith.addi %parallel_loop3A_465, %parallel_loop3A_528 : vector<16xi32>
        %parallel_loop3A_530 = tpu.vector_load_idx %arg6[%parallel_loop3A_529] : memref<6400xf32, #tpu.memory_space<vmem>>[vector<16xi32>], vector<16xf32>,
        %parallel_loop3A_531 = arith.constant 3744 : i32
        %parallel_loop3A_532 = vector.broadcast %parallel_loop3A_531 : i32 to vector<16xi32>
        %parallel_loop3A_533 = arith.addi %parallel_loop3A_465, %parallel_loop3A_532 : vector<16xi32>
        %parallel_loop3A_534 = tpu.vector_load_idx %arg6[%parallel_loop3A_533] : memref<6400xf32, #tpu.memory_space<vmem>>[vector<16xi32>], vector<16xf32>,
        %parallel_loop3A_535 = arith.constant 4032 : i32
        %parallel_loop3A_536 = vector.broadcast %parallel_loop3A_535 : i32 to vector<16xi32>
        %parallel_loop3A_537 = arith.addi %parallel_loop3A_465, %parallel_loop3A_536 : vector<16xi32>
        %parallel_loop3A_538 = tpu.vector_load_idx %arg6[%parallel_loop3A_537] : memref<6400xf32, #tpu.memory_space<vmem>>[vector<16xi32>], vector<16xf32>,
        %parallel_loop3A_539 = arith.constant 4320 : i32
        %parallel_loop3A_540 = vector.broadcast %parallel_loop3A_539 : i32 to vector<16xi32>
        %parallel_loop3A_541 = arith.addi %parallel_loop3A_465, %parallel_loop3A_540 : vector<16xi32>
        %parallel_loop3A_542 = tpu.vector_load_idx %arg6[%parallel_loop3A_541] : memref<6400xf32, #tpu.memory_space<vmem>>[vector<16xi32>], vector<16xf32>,
        %parallel_loop3A_543 = arith.constant 0 : i32
        %parallel_loop3A_544 = vector.broadcast %parallel_loop3A_543 : i32 to vector<16xi32>
        %parallel_loop3A_545 = arith.addi %parallel_loop3A_478, %parallel_loop3A_544 : vector<16xi32>
        %parallel_loop3A_546 = tpu.vector_load_idx %arg6[%parallel_loop3A_545] : memref<6400xf32, #tpu.memory_space<vmem>>[vector<16xi32>], vector<16xf32>,
        %parallel_loop3A_547 = arith.constant 112 : i32
        %parallel_loop3A_548 = vector.broadcast %parallel_loop3A_547 : i32 to vector<16xi32>
        %parallel_loop3A_549 = arith.addi %parallel_loop3A_478, %parallel_loop3A_548 : vector<16xi32>
        %parallel_loop3A_550 = tpu.vector_load_idx %arg6[%parallel_loop3A_549] : memref<6400xf32, #tpu.memory_space<vmem>>[vector<16xi32>], vector<16xf32>,
        %parallel_loop3A_551 = arith.constant 224 : i32
        %parallel_loop3A_552 = vector.broadcast %parallel_loop3A_551 : i32 to vector<16xi32>
        %parallel_loop3A_553 = arith.addi %parallel_loop3A_478, %parallel_loop3A_552 : vector<16xi32>
        %parallel_loop3A_554 = tpu.vector_load_idx %arg6[%parallel_loop3A_553] : memref<6400xf32, #tpu.memory_space<vmem>>[vector<16xi32>], vector<16xf32>,
        %parallel_loop3A_555 = arith.constant 336 : i32
        %parallel_loop3A_556 = vector.broadcast %parallel_loop3A_555 : i32 to vector<16xi32>
        %parallel_loop3A_557 = arith.addi %parallel_loop3A_478, %parallel_loop3A_556 : vector<16xi32>
        %parallel_loop3A_558 = tpu.vector_load_idx %arg6[%parallel_loop3A_557] : memref<6400xf32, #tpu.memory_space<vmem>>[vector<16xi32>], vector<16xf32>,
        %parallel_loop3A_559 = arith.constant 448 : i32
        %parallel_loop3A_560 = vector.broadcast %parallel_loop3A_559 : i32 to vector<16xi32>
        %parallel_loop3A_561 = arith.addi %parallel_loop3A_478, %parallel_loop3A_560 : vector<16xi32>
        %parallel_loop3A_562 = tpu.vector_load_idx %arg6[%parallel_loop3A_561] : memref<6400xf32, #tpu.memory_space<vmem>>[vector<16xi32>], vector<16xf32>,
        %parallel_loop3A_563 = arith.constant 560 : i32
        %parallel_loop3A_564 = vector.broadcast %parallel_loop3A_563 : i32 to vector<16xi32>
        %parallel_loop3A_565 = arith.addi %parallel_loop3A_478, %parallel_loop3A_564 : vector<16xi32>
        %parallel_loop3A_566 = tpu.vector_load_idx %arg6[%parallel_loop3A_565] : memref<6400xf32, #tpu.memory_space<vmem>>[vector<16xi32>], vector<16xf32>,
        %parallel_loop3A_567 = arith.constant 672 : i32
        %parallel_loop3A_568 = vector.broadcast %parallel_loop3A_567 : i32 to vector<16xi32>
        %parallel_loop3A_569 = arith.addi %parallel_loop3A_478, %parallel_loop3A_568 : vector<16xi32>
        %parallel_loop3A_570 = tpu.vector_load_idx %arg6[%parallel_loop3A_569] : memref<6400xf32, #tpu.memory_space<vmem>>[vector<16xi32>], vector<16xf32>,
        %parallel_loop3A_571 = arith.constant 784 : i32
        %parallel_loop3A_572 = vector.broadcast %parallel_loop3A_571 : i32 to vector<16xi32>
        %parallel_loop3A_573 = arith.addi %parallel_loop3A_478, %parallel_loop3A_572 : vector<16xi32>
        %parallel_loop3A_574 = tpu.vector_load_idx %arg6[%parallel_loop3A_573] : memref<6400xf32, #tpu.memory_space<vmem>>[vector<16xi32>], vector<16xf32>,
        %parallel_loop3A_575 = arith.constant 896 : i32
        %parallel_loop3A_576 = vector.broadcast %parallel_loop3A_575 : i32 to vector<16xi32>
        %parallel_loop3A_577 = arith.addi %parallel_loop3A_478, %parallel_loop3A_576 : vector<16xi32>
        %parallel_loop3A_578 = tpu.vector_load_idx %arg6[%parallel_loop3A_577] : memref<6400xf32, #tpu.memory_space<vmem>>[vector<16xi32>], vector<16xf32>,
        %parallel_loop3A_579 = arith.constant 1008 : i32
        %parallel_loop3A_580 = vector.broadcast %parallel_loop3A_579 : i32 to vector<16xi32>
        %parallel_loop3A_581 = arith.addi %parallel_loop3A_478, %parallel_loop3A_580 : vector<16xi32>
        %parallel_loop3A_582 = tpu.vector_load_idx %arg6[%parallel_loop3A_581] : memref<6400xf32, #tpu.memory_space<vmem>>[vector<16xi32>], vector<16xf32>,
        %parallel_loop3A_583 = arith.constant 1120 : i32
        %parallel_loop3A_584 = vector.broadcast %parallel_loop3A_583 : i32 to vector<16xi32>
        %parallel_loop3A_585 = arith.addi %parallel_loop3A_478, %parallel_loop3A_584 : vector<16xi32>
        %parallel_loop3A_586 = tpu.vector_load_idx %arg6[%parallel_loop3A_585] : memref<6400xf32, #tpu.memory_space<vmem>>[vector<16xi32>], vector<16xf32>,
        %parallel_loop3A_587 = arith.constant 1232 : i32
        %parallel_loop3A_588 = vector.broadcast %parallel_loop3A_587 : i32 to vector<16xi32>
        %parallel_loop3A_589 = arith.addi %parallel_loop3A_478, %parallel_loop3A_588 : vector<16xi32>
        %parallel_loop3A_590 = tpu.vector_load_idx %arg6[%parallel_loop3A_589] : memref<6400xf32, #tpu.memory_space<vmem>>[vector<16xi32>], vector<16xf32>,
        %parallel_loop3A_591 = arith.constant 1344 : i32
        %parallel_loop3A_592 = vector.broadcast %parallel_loop3A_591 : i32 to vector<16xi32>
        %parallel_loop3A_593 = arith.addi %parallel_loop3A_478, %parallel_loop3A_592 : vector<16xi32>
        %parallel_loop3A_594 = tpu.vector_load_idx %arg6[%parallel_loop3A_593] : memref<6400xf32, #tpu.memory_space<vmem>>[vector<16xi32>], vector<16xf32>,
        %parallel_loop3A_595 = arith.constant 1456 : i32
        %parallel_loop3A_596 = vector.broadcast %parallel_loop3A_595 : i32 to vector<16xi32>
        %parallel_loop3A_597 = arith.addi %parallel_loop3A_478, %parallel_loop3A_596 : vector<16xi32>
        %parallel_loop3A_598 = tpu.vector_load_idx %arg6[%parallel_loop3A_597] : memref<6400xf32, #tpu.memory_space<vmem>>[vector<16xi32>], vector<16xf32>,
        %parallel_loop3A_599 = arith.constant 1568 : i32
        %parallel_loop3A_600 = vector.broadcast %parallel_loop3A_599 : i32 to vector<16xi32>
        %parallel_loop3A_601 = arith.addi %parallel_loop3A_478, %parallel_loop3A_600 : vector<16xi32>
        %parallel_loop3A_602 = tpu.vector_load_idx %arg6[%parallel_loop3A_601] : memref<6400xf32, #tpu.memory_space<vmem>>[vector<16xi32>], vector<16xf32>,
        %parallel_loop3A_603 = arith.constant 1680 : i32
        %parallel_loop3A_604 = vector.broadcast %parallel_loop3A_603 : i32 to vector<16xi32>
        %parallel_loop3A_605 = arith.addi %parallel_loop3A_478, %parallel_loop3A_604 : vector<16xi32>
        %parallel_loop3A_606 = tpu.vector_load_idx %arg6[%parallel_loop3A_605] : memref<6400xf32, #tpu.memory_space<vmem>>[vector<16xi32>], vector<16xf32>,
        %parallel_loop3A_607 = arith.constant 0 : i32
        %parallel_loop3A_608 = arith.constant 0 : i32
        %parallel_loop3A_609 = arith.index_cast %parallel_loop3A_607 : i32 to index
        %parallel_loop3A_610 = arith.index_cast %parallel_loop3A_443 : i32 to index
        %parallel_loop3A_611 = arith.index_cast %parallel_loop3A_608 : i32 to index
        %parallel_loop3A_612 = arith.index_cast %parallel_loop3A_447 : i32 to index
        %parallel_loop3A_613 = tpu.vector_load %arg11[%parallel_loop3A_609, %parallel_loop3A_610, %parallel_loop3A_611, %parallel_loop3A_612] {strides = array<i32>} : memref<4x8x8x128xf32, #tpu.memory_space<vmem>>, vector<16xf32>,
        tpu.vector_store %arg11[%parallel_loop3A_609, %parallel_loop3A_610, %parallel_loop3A_611, %parallel_loop3A_612], %parallel_loop3A_482 {strides = array<i32>} : memref<4x8x8x128xf32, #tpu.memory_space<vmem>>, vector<16xf32>,
        %parallel_loop3A_614 = arith.constant 0 : i32
        %parallel_loop3A_615 = arith.constant 1 : i32
        %parallel_loop3A_616 = arith.index_cast %parallel_loop3A_614 : i32 to index
        %parallel_loop3A_617 = arith.index_cast %parallel_loop3A_443 : i32 to index
        %parallel_loop3A_618 = arith.index_cast %parallel_loop3A_615 : i32 to index
        %parallel_loop3A_619 = arith.index_cast %parallel_loop3A_447 : i32 to index
        %parallel_loop3A_620 = tpu.vector_load %arg11[%parallel_loop3A_616, %parallel_loop3A_617, %parallel_loop3A_618, %parallel_loop3A_619] {strides = array<i32>} : memref<4x8x8x128xf32, #tpu.memory_space<vmem>>, vector<16xf32>,
        tpu.vector_store %arg11[%parallel_loop3A_616, %parallel_loop3A_617, %parallel_loop3A_618, %parallel_loop3A_619], %parallel_loop3A_486 {strides = array<i32>} : memref<4x8x8x128xf32, #tpu.memory_space<vmem>>, vector<16xf32>,
        %parallel_loop3A_621 = arith.constant 0 : i32
        %parallel_loop3A_622 = arith.constant 2 : i32
        %parallel_loop3A_623 = arith.index_cast %parallel_loop3A_621 : i32 to index
        %parallel_loop3A_624 = arith.index_cast %parallel_loop3A_443 : i32 to index
        %parallel_loop3A_625 = arith.index_cast %parallel_loop3A_622 : i32 to index
        %parallel_loop3A_626 = arith.index_cast %parallel_loop3A_447 : i32 to index
        %parallel_loop3A_627 = tpu.vector_load %arg11[%parallel_loop3A_623, %parallel_loop3A_624, %parallel_loop3A_625, %parallel_loop3A_626] {strides = array<i32>} : memref<4x8x8x128xf32, #tpu.memory_space<vmem>>, vector<16xf32>,
        tpu.vector_store %arg11[%parallel_loop3A_623, %parallel_loop3A_624, %parallel_loop3A_625, %parallel_loop3A_626], %parallel_loop3A_490 {strides = array<i32>} : memref<4x8x8x128xf32, #tpu.memory_space<vmem>>, vector<16xf32>,
        %parallel_loop3A_628 = arith.constant 0 : i32
        %parallel_loop3A_629 = arith.constant 3 : i32
        %parallel_loop3A_630 = arith.index_cast %parallel_loop3A_628 : i32 to index
        %parallel_loop3A_631 = arith.index_cast %parallel_loop3A_443 : i32 to index
        %parallel_loop3A_632 = arith.index_cast %parallel_loop3A_629 : i32 to index
        %parallel_loop3A_633 = arith.index_cast %parallel_loop3A_447 : i32 to index
        %parallel_loop3A_634 = tpu.vector_load %arg11[%parallel_loop3A_630, %parallel_loop3A_631, %parallel_loop3A_632, %parallel_loop3A_633] {strides = array<i32>} : memref<4x8x8x128xf32, #tpu.memory_space<vmem>>, vector<16xf32>,
        tpu.vector_store %arg11[%parallel_loop3A_630, %parallel_loop3A_631, %parallel_loop3A_632, %parallel_loop3A_633], %parallel_loop3A_494 {strides = array<i32>} : memref<4x8x8x128xf32, #tpu.memory_space<vmem>>, vector<16xf32>,
        %parallel_loop3A_635 = arith.constant 0 : i32
        %parallel_loop3A_636 = arith.constant 4 : i32
        %parallel_loop3A_637 = arith.index_cast %parallel_loop3A_635 : i32 to index
        %parallel_loop3A_638 = arith.index_cast %parallel_loop3A_443 : i32 to index
        %parallel_loop3A_639 = arith.index_cast %parallel_loop3A_636 : i32 to index
        %parallel_loop3A_640 = arith.index_cast %parallel_loop3A_447 : i32 to index
        %parallel_loop3A_641 = tpu.vector_load %arg11[%parallel_loop3A_637, %parallel_loop3A_638, %parallel_loop3A_639, %parallel_loop3A_640] {strides = array<i32>} : memref<4x8x8x128xf32, #tpu.memory_space<vmem>>, vector<16xf32>,
        tpu.vector_store %arg11[%parallel_loop3A_637, %parallel_loop3A_638, %parallel_loop3A_639, %parallel_loop3A_640], %parallel_loop3A_498 {strides = array<i32>} : memref<4x8x8x128xf32, #tpu.memory_space<vmem>>, vector<16xf32>,
        %parallel_loop3A_642 = arith.constant 0 : i32
        %parallel_loop3A_643 = arith.constant 5 : i32
        %parallel_loop3A_644 = arith.index_cast %parallel_loop3A_642 : i32 to index
        %parallel_loop3A_645 = arith.index_cast %parallel_loop3A_443 : i32 to index
        %parallel_loop3A_646 = arith.index_cast %parallel_loop3A_643 : i32 to index
        %parallel_loop3A_647 = arith.index_cast %parallel_loop3A_447 : i32 to index
        %parallel_loop3A_648 = tpu.vector_load %arg11[%parallel_loop3A_644, %parallel_loop3A_645, %parallel_loop3A_646, %parallel_loop3A_647] {strides = array<i32>} : memref<4x8x8x128xf32, #tpu.memory_space<vmem>>, vector<16xf32>,
        tpu.vector_store %arg11[%parallel_loop3A_644, %parallel_loop3A_645, %parallel_loop3A_646, %parallel_loop3A_647], %parallel_loop3A_502 {strides = array<i32>} : memref<4x8x8x128xf32, #tpu.memory_space<vmem>>, vector<16xf32>,
        %parallel_loop3A_649 = arith.constant 0 : i32
        %parallel_loop3A_650 = arith.constant 6 : i32
        %parallel_loop3A_651 = arith.index_cast %parallel_loop3A_649 : i32 to index
        %parallel_loop3A_652 = arith.index_cast %parallel_loop3A_443 : i32 to index
        %parallel_loop3A_653 = arith.index_cast %parallel_loop3A_650 : i32 to index
        %parallel_loop3A_654 = arith.index_cast %parallel_loop3A_447 : i32 to index
        %parallel_loop3A_655 = tpu.vector_load %arg11[%parallel_loop3A_651, %parallel_loop3A_652, %parallel_loop3A_653, %parallel_loop3A_654] {strides = array<i32>} : memref<4x8x8x128xf32, #tpu.memory_space<vmem>>, vector<16xf32>,
        tpu.vector_store %arg11[%parallel_loop3A_651, %parallel_loop3A_652, %parallel_loop3A_653, %parallel_loop3A_654], %parallel_loop3A_506 {strides = array<i32>} : memref<4x8x8x128xf32, #tpu.memory_space<vmem>>, vector<16xf32>,
        %parallel_loop3A_656 = arith.constant 0 : i32
        %parallel_loop3A_657 = arith.constant 7 : i32
        %parallel_loop3A_658 = arith.index_cast %parallel_loop3A_656 : i32 to index
        %parallel_loop3A_659 = arith.index_cast %parallel_loop3A_443 : i32 to index
        %parallel_loop3A_660 = arith.index_cast %parallel_loop3A_657 : i32 to index
        %parallel_loop3A_661 = arith.index_cast %parallel_loop3A_447 : i32 to index
        %parallel_loop3A_662 = tpu.vector_load %arg11[%parallel_loop3A_658, %parallel_loop3A_659, %parallel_loop3A_660, %parallel_loop3A_661] {strides = array<i32>} : memref<4x8x8x128xf32, #tpu.memory_space<vmem>>, vector<16xf32>,
        tpu.vector_store %arg11[%parallel_loop3A_658, %parallel_loop3A_659, %parallel_loop3A_660, %parallel_loop3A_661], %parallel_loop3A_510 {strides = array<i32>} : memref<4x8x8x128xf32, #tpu.memory_space<vmem>>, vector<16xf32>,
        %parallel_loop3A_663 = arith.constant 1 : i32
        %parallel_loop3A_664 = arith.constant 0 : i32
        %parallel_loop3A_665 = arith.index_cast %parallel_loop3A_663 : i32 to index
        %parallel_loop3A_666 = arith.index_cast %parallel_loop3A_443 : i32 to index
        %parallel_loop3A_667 = arith.index_cast %parallel_loop3A_664 : i32 to index
        %parallel_loop3A_668 = arith.index_cast %parallel_loop3A_447 : i32 to index
        %parallel_loop3A_669 = tpu.vector_load %arg11[%parallel_loop3A_665, %parallel_loop3A_666, %parallel_loop3A_667, %parallel_loop3A_668] {strides = array<i32>} : memref<4x8x8x128xf32, #tpu.memory_space<vmem>>, vector<16xf32>,
        tpu.vector_store %arg11[%parallel_loop3A_665, %parallel_loop3A_666, %parallel_loop3A_667, %parallel_loop3A_668], %parallel_loop3A_514 {strides = array<i32>} : memref<4x8x8x128xf32, #tpu.memory_space<vmem>>, vector<16xf32>,
        %parallel_loop3A_670 = arith.constant 1 : i32
        %parallel_loop3A_671 = arith.constant 1 : i32
        %parallel_loop3A_672 = arith.index_cast %parallel_loop3A_670 : i32 to index
        %parallel_loop3A_673 = arith.index_cast %parallel_loop3A_443 : i32 to index
        %parallel_loop3A_674 = arith.index_cast %parallel_loop3A_671 : i32 to index
        %parallel_loop3A_675 = arith.index_cast %parallel_loop3A_447 : i32 to index
        %parallel_loop3A_676 = tpu.vector_load %arg11[%parallel_loop3A_672, %parallel_loop3A_673, %parallel_loop3A_674, %parallel_loop3A_675] {strides = array<i32>} : memref<4x8x8x128xf32, #tpu.memory_space<vmem>>, vector<16xf32>,
        tpu.vector_store %arg11[%parallel_loop3A_672, %parallel_loop3A_673, %parallel_loop3A_674, %parallel_loop3A_675], %parallel_loop3A_518 {strides = array<i32>} : memref<4x8x8x128xf32, #tpu.memory_space<vmem>>, vector<16xf32>,
        %parallel_loop3A_677 = arith.constant 1 : i32
        %parallel_loop3A_678 = arith.constant 2 : i32
        %parallel_loop3A_679 = arith.index_cast %parallel_loop3A_677 : i32 to index
        %parallel_loop3A_680 = arith.index_cast %parallel_loop3A_443 : i32 to index
        %parallel_loop3A_681 = arith.index_cast %parallel_loop3A_678 : i32 to index
        %parallel_loop3A_682 = arith.index_cast %parallel_loop3A_447 : i32 to index
        %parallel_loop3A_683 = tpu.vector_load %arg11[%parallel_loop3A_679, %parallel_loop3A_680, %parallel_loop3A_681, %parallel_loop3A_682] {strides = array<i32>} : memref<4x8x8x128xf32, #tpu.memory_space<vmem>>, vector<16xf32>,
        tpu.vector_store %arg11[%parallel_loop3A_679, %parallel_loop3A_680, %parallel_loop3A_681, %parallel_loop3A_682], %parallel_loop3A_522 {strides = array<i32>} : memref<4x8x8x128xf32, #tpu.memory_space<vmem>>, vector<16xf32>,
        %parallel_loop3A_684 = arith.constant 1 : i32
        %parallel_loop3A_685 = arith.constant 3 : i32
        %parallel_loop3A_686 = arith.index_cast %parallel_loop3A_684 : i32 to index
        %parallel_loop3A_687 = arith.index_cast %parallel_loop3A_443 : i32 to index
        %parallel_loop3A_688 = arith.index_cast %parallel_loop3A_685 : i32 to index
        %parallel_loop3A_689 = arith.index_cast %parallel_loop3A_447 : i32 to index
        %parallel_loop3A_690 = tpu.vector_load %arg11[%parallel_loop3A_686, %parallel_loop3A_687, %parallel_loop3A_688, %parallel_loop3A_689] {strides = array<i32>} : memref<4x8x8x128xf32, #tpu.memory_space<vmem>>, vector<16xf32>,
        tpu.vector_store %arg11[%parallel_loop3A_686, %parallel_loop3A_687, %parallel_loop3A_688, %parallel_loop3A_689], %parallel_loop3A_526 {strides = array<i32>} : memref<4x8x8x128xf32, #tpu.memory_space<vmem>>, vector<16xf32>,
        %parallel_loop3A_691 = arith.constant 1 : i32
        %parallel_loop3A_692 = arith.constant 4 : i32
        %parallel_loop3A_693 = arith.index_cast %parallel_loop3A_691 : i32 to index
        %parallel_loop3A_694 = arith.index_cast %parallel_loop3A_443 : i32 to index
        %parallel_loop3A_695 = arith.index_cast %parallel_loop3A_692 : i32 to index
        %parallel_loop3A_696 = arith.index_cast %parallel_loop3A_447 : i32 to index
        %parallel_loop3A_697 = tpu.vector_load %arg11[%parallel_loop3A_693, %parallel_loop3A_694, %parallel_loop3A_695, %parallel_loop3A_696] {strides = array<i32>} : memref<4x8x8x128xf32, #tpu.memory_space<vmem>>, vector<16xf32>,
        tpu.vector_store %arg11[%parallel_loop3A_693, %parallel_loop3A_694, %parallel_loop3A_695, %parallel_loop3A_696], %parallel_loop3A_530 {strides = array<i32>} : memref<4x8x8x128xf32, #tpu.memory_space<vmem>>, vector<16xf32>,
        %parallel_loop3A_698 = arith.constant 1 : i32
        %parallel_loop3A_699 = arith.constant 5 : i32
        %parallel_loop3A_700 = arith.index_cast %parallel_loop3A_698 : i32 to index
        %parallel_loop3A_701 = arith.index_cast %parallel_loop3A_443 : i32 to index
        %parallel_loop3A_702 = arith.index_cast %parallel_loop3A_699 : i32 to index
        %parallel_loop3A_703 = arith.index_cast %parallel_loop3A_447 : i32 to index
        %parallel_loop3A_704 = tpu.vector_load %arg11[%parallel_loop3A_700, %parallel_loop3A_701, %parallel_loop3A_702, %parallel_loop3A_703] {strides = array<i32>} : memref<4x8x8x128xf32, #tpu.memory_space<vmem>>, vector<16xf32>,
        tpu.vector_store %arg11[%parallel_loop3A_700, %parallel_loop3A_701, %parallel_loop3A_702, %parallel_loop3A_703], %parallel_loop3A_534 {strides = array<i32>} : memref<4x8x8x128xf32, #tpu.memory_space<vmem>>, vector<16xf32>,
        %parallel_loop3A_705 = arith.constant 1 : i32
        %parallel_loop3A_706 = arith.constant 6 : i32
        %parallel_loop3A_707 = arith.index_cast %parallel_loop3A_705 : i32 to index
        %parallel_loop3A_708 = arith.index_cast %parallel_loop3A_443 : i32 to index
        %parallel_loop3A_709 = arith.index_cast %parallel_loop3A_706 : i32 to index
        %parallel_loop3A_710 = arith.index_cast %parallel_loop3A_447 : i32 to index
        %parallel_loop3A_711 = tpu.vector_load %arg11[%parallel_loop3A_707, %parallel_loop3A_708, %parallel_loop3A_709, %parallel_loop3A_710] {strides = array<i32>} : memref<4x8x8x128xf32, #tpu.memory_space<vmem>>, vector<16xf32>,
        tpu.vector_store %arg11[%parallel_loop3A_707, %parallel_loop3A_708, %parallel_loop3A_709, %parallel_loop3A_710], %parallel_loop3A_538 {strides = array<i32>} : memref<4x8x8x128xf32, #tpu.memory_space<vmem>>, vector<16xf32>,
        %parallel_loop3A_712 = arith.constant 1 : i32
        %parallel_loop3A_713 = arith.constant 7 : i32
        %parallel_loop3A_714 = arith.index_cast %parallel_loop3A_712 : i32 to index
        %parallel_loop3A_715 = arith.index_cast %parallel_loop3A_443 : i32 to index
        %parallel_loop3A_716 = arith.index_cast %parallel_loop3A_713 : i32 to index
        %parallel_loop3A_717 = arith.index_cast %parallel_loop3A_447 : i32 to index
        %parallel_loop3A_718 = tpu.vector_load %arg11[%parallel_loop3A_714, %parallel_loop3A_715, %parallel_loop3A_716, %parallel_loop3A_717] {strides = array<i32>} : memref<4x8x8x128xf32, #tpu.memory_space<vmem>>, vector<16xf32>,
        tpu.vector_store %arg11[%parallel_loop3A_714, %parallel_loop3A_715, %parallel_loop3A_716, %parallel_loop3A_717], %parallel_loop3A_542 {strides = array<i32>} : memref<4x8x8x128xf32, #tpu.memory_space<vmem>>, vector<16xf32>,
        %parallel_loop3A_719 = arith.constant 2 : i32
        %parallel_loop3A_720 = arith.constant 0 : i32
        %parallel_loop3A_721 = arith.index_cast %parallel_loop3A_719 : i32 to index
        %parallel_loop3A_722 = arith.index_cast %parallel_loop3A_443 : i32 to index
        %parallel_loop3A_723 = arith.index_cast %parallel_loop3A_720 : i32 to index
        %parallel_loop3A_724 = arith.index_cast %parallel_loop3A_447 : i32 to index
        %parallel_loop3A_725 = tpu.vector_load %arg11[%parallel_loop3A_721, %parallel_loop3A_722, %parallel_loop3A_723, %parallel_loop3A_724] {strides = array<i32>} : memref<4x8x8x128xf32, #tpu.memory_space<vmem>>, vector<16xf32>,
        tpu.vector_store %arg11[%parallel_loop3A_721, %parallel_loop3A_722, %parallel_loop3A_723, %parallel_loop3A_724], %parallel_loop3A_546 {strides = array<i32>} : memref<4x8x8x128xf32, #tpu.memory_space<vmem>>, vector<16xf32>,
        %parallel_loop3A_726 = arith.constant 2 : i32
        %parallel_loop3A_727 = arith.constant 1 : i32
        %parallel_loop3A_728 = arith.index_cast %parallel_loop3A_726 : i32 to index
        %parallel_loop3A_729 = arith.index_cast %parallel_loop3A_443 : i32 to index
        %parallel_loop3A_730 = arith.index_cast %parallel_loop3A_727 : i32 to index
        %parallel_loop3A_731 = arith.index_cast %parallel_loop3A_447 : i32 to index
        %parallel_loop3A_732 = tpu.vector_load %arg11[%parallel_loop3A_728, %parallel_loop3A_729, %parallel_loop3A_730, %parallel_loop3A_731] {strides = array<i32>} : memref<4x8x8x128xf32, #tpu.memory_space<vmem>>, vector<16xf32>,
        tpu.vector_store %arg11[%parallel_loop3A_728, %parallel_loop3A_729, %parallel_loop3A_730, %parallel_loop3A_731], %parallel_loop3A_550 {strides = array<i32>} : memref<4x8x8x128xf32, #tpu.memory_space<vmem>>, vector<16xf32>,
        %parallel_loop3A_733 = arith.constant 2 : i32
        %parallel_loop3A_734 = arith.constant 2 : i32
        %parallel_loop3A_735 = arith.index_cast %parallel_loop3A_733 : i32 to index
        %parallel_loop3A_736 = arith.index_cast %parallel_loop3A_443 : i32 to index
        %parallel_loop3A_737 = arith.index_cast %parallel_loop3A_734 : i32 to index
        %parallel_loop3A_738 = arith.index_cast %parallel_loop3A_447 : i32 to index
        %parallel_loop3A_739 = tpu.vector_load %arg11[%parallel_loop3A_735, %parallel_loop3A_736, %parallel_loop3A_737, %parallel_loop3A_738] {strides = array<i32>} : memref<4x8x8x128xf32, #tpu.memory_space<vmem>>, vector<16xf32>,
        tpu.vector_store %arg11[%parallel_loop3A_735, %parallel_loop3A_736, %parallel_loop3A_737, %parallel_loop3A_738], %parallel_loop3A_554 {strides = array<i32>} : memref<4x8x8x128xf32, #tpu.memory_space<vmem>>, vector<16xf32>,
        %parallel_loop3A_740 = arith.constant 2 : i32
        %parallel_loop3A_741 = arith.constant 3 : i32
        %parallel_loop3A_742 = arith.index_cast %parallel_loop3A_740 : i32 to index
        %parallel_loop3A_743 = arith.index_cast %parallel_loop3A_443 : i32 to index
        %parallel_loop3A_744 = arith.index_cast %parallel_loop3A_741 : i32 to index
        %parallel_loop3A_745 = arith.index_cast %parallel_loop3A_447 : i32 to index
        %parallel_loop3A_746 = tpu.vector_load %arg11[%parallel_loop3A_742, %parallel_loop3A_743, %parallel_loop3A_744, %parallel_loop3A_745] {strides = array<i32>} : memref<4x8x8x128xf32, #tpu.memory_space<vmem>>, vector<16xf32>,
        tpu.vector_store %arg11[%parallel_loop3A_742, %parallel_loop3A_743, %parallel_loop3A_744, %parallel_loop3A_745], %parallel_loop3A_558 {strides = array<i32>} : memref<4x8x8x128xf32, #tpu.memory_space<vmem>>, vector<16xf32>,
        %parallel_loop3A_747 = arith.constant 2 : i32
        %parallel_loop3A_748 = arith.constant 4 : i32
        %parallel_loop3A_749 = arith.index_cast %parallel_loop3A_747 : i32 to index
        %parallel_loop3A_750 = arith.index_cast %parallel_loop3A_443 : i32 to index
        %parallel_loop3A_751 = arith.index_cast %parallel_loop3A_748 : i32 to index
        %parallel_loop3A_752 = arith.index_cast %parallel_loop3A_447 : i32 to index
        %parallel_loop3A_753 = tpu.vector_load %arg11[%parallel_loop3A_749, %parallel_loop3A_750, %parallel_loop3A_751, %parallel_loop3A_752] {strides = array<i32>} : memref<4x8x8x128xf32, #tpu.memory_space<vmem>>, vector<16xf32>,
        tpu.vector_store %arg11[%parallel_loop3A_749, %parallel_loop3A_750, %parallel_loop3A_751, %parallel_loop3A_752], %parallel_loop3A_562 {strides = array<i32>} : memref<4x8x8x128xf32, #tpu.memory_space<vmem>>, vector<16xf32>,
        %parallel_loop3A_754 = arith.constant 2 : i32
        %parallel_loop3A_755 = arith.constant 5 : i32
        %parallel_loop3A_756 = arith.index_cast %parallel_loop3A_754 : i32 to index
        %parallel_loop3A_757 = arith.index_cast %parallel_loop3A_443 : i32 to index
        %parallel_loop3A_758 = arith.index_cast %parallel_loop3A_755 : i32 to index
        %parallel_loop3A_759 = arith.index_cast %parallel_loop3A_447 : i32 to index
        %parallel_loop3A_760 = tpu.vector_load %arg11[%parallel_loop3A_756, %parallel_loop3A_757, %parallel_loop3A_758, %parallel_loop3A_759] {strides = array<i32>} : memref<4x8x8x128xf32, #tpu.memory_space<vmem>>, vector<16xf32>,
        tpu.vector_store %arg11[%parallel_loop3A_756, %parallel_loop3A_757, %parallel_loop3A_758, %parallel_loop3A_759], %parallel_loop3A_566 {strides = array<i32>} : memref<4x8x8x128xf32, #tpu.memory_space<vmem>>, vector<16xf32>,
        %parallel_loop3A_761 = arith.constant 2 : i32
        %parallel_loop3A_762 = arith.constant 6 : i32
        %parallel_loop3A_763 = arith.index_cast %parallel_loop3A_761 : i32 to index
        %parallel_loop3A_764 = arith.index_cast %parallel_loop3A_443 : i32 to index
        %parallel_loop3A_765 = arith.index_cast %parallel_loop3A_762 : i32 to index
        %parallel_loop3A_766 = arith.index_cast %parallel_loop3A_447 : i32 to index
        %parallel_loop3A_767 = tpu.vector_load %arg11[%parallel_loop3A_763, %parallel_loop3A_764, %parallel_loop3A_765, %parallel_loop3A_766] {strides = array<i32>} : memref<4x8x8x128xf32, #tpu.memory_space<vmem>>, vector<16xf32>,
        tpu.vector_store %arg11[%parallel_loop3A_763, %parallel_loop3A_764, %parallel_loop3A_765, %parallel_loop3A_766], %parallel_loop3A_570 {strides = array<i32>} : memref<4x8x8x128xf32, #tpu.memory_space<vmem>>, vector<16xf32>,
        %parallel_loop3A_768 = arith.constant 2 : i32
        %parallel_loop3A_769 = arith.constant 7 : i32
        %parallel_loop3A_770 = arith.index_cast %parallel_loop3A_768 : i32 to index
        %parallel_loop3A_771 = arith.index_cast %parallel_loop3A_443 : i32 to index
        %parallel_loop3A_772 = arith.index_cast %parallel_loop3A_769 : i32 to index
        %parallel_loop3A_773 = arith.index_cast %parallel_loop3A_447 : i32 to index
        %parallel_loop3A_774 = tpu.vector_load %arg11[%parallel_loop3A_770, %parallel_loop3A_771, %parallel_loop3A_772, %parallel_loop3A_773] {strides = array<i32>} : memref<4x8x8x128xf32, #tpu.memory_space<vmem>>, vector<16xf32>,
        tpu.vector_store %arg11[%parallel_loop3A_770, %parallel_loop3A_771, %parallel_loop3A_772, %parallel_loop3A_773], %parallel_loop3A_574 {strides = array<i32>} : memref<4x8x8x128xf32, #tpu.memory_space<vmem>>, vector<16xf32>,
        %parallel_loop3A_775 = arith.constant 3 : i32
        %parallel_loop3A_776 = arith.constant 0 : i32
        %parallel_loop3A_777 = arith.index_cast %parallel_loop3A_775 : i32 to index
        %parallel_loop3A_778 = arith.index_cast %parallel_loop3A_443 : i32 to index
        %parallel_loop3A_779 = arith.index_cast %parallel_loop3A_776 : i32 to index
        %parallel_loop3A_780 = arith.index_cast %parallel_loop3A_447 : i32 to index
        %parallel_loop3A_781 = tpu.vector_load %arg11[%parallel_loop3A_777, %parallel_loop3A_778, %parallel_loop3A_779, %parallel_loop3A_780] {strides = array<i32>} : memref<4x8x8x128xf32, #tpu.memory_space<vmem>>, vector<16xf32>,
        tpu.vector_store %arg11[%parallel_loop3A_777, %parallel_loop3A_778, %parallel_loop3A_779, %parallel_loop3A_780], %parallel_loop3A_578 {strides = array<i32>} : memref<4x8x8x128xf32, #tpu.memory_space<vmem>>, vector<16xf32>,
        %parallel_loop3A_782 = arith.constant 3 : i32
        %parallel_loop3A_783 = arith.constant 1 : i32
        %parallel_loop3A_784 = arith.index_cast %parallel_loop3A_782 : i32 to index
        %parallel_loop3A_785 = arith.index_cast %parallel_loop3A_443 : i32 to index
        %parallel_loop3A_786 = arith.index_cast %parallel_loop3A_783 : i32 to index
        %parallel_loop3A_787 = arith.index_cast %parallel_loop3A_447 : i32 to index
        %parallel_loop3A_788 = tpu.vector_load %arg11[%parallel_loop3A_784, %parallel_loop3A_785, %parallel_loop3A_786, %parallel_loop3A_787] {strides = array<i32>} : memref<4x8x8x128xf32, #tpu.memory_space<vmem>>, vector<16xf32>,
        tpu.vector_store %arg11[%parallel_loop3A_784, %parallel_loop3A_785, %parallel_loop3A_786, %parallel_loop3A_787], %parallel_loop3A_582 {strides = array<i32>} : memref<4x8x8x128xf32, #tpu.memory_space<vmem>>, vector<16xf32>,
        %parallel_loop3A_789 = arith.constant 3 : i32
        %parallel_loop3A_790 = arith.constant 2 : i32
        %parallel_loop3A_791 = arith.index_cast %parallel_loop3A_789 : i32 to index
        %parallel_loop3A_792 = arith.index_cast %parallel_loop3A_443 : i32 to index
        %parallel_loop3A_793 = arith.index_cast %parallel_loop3A_790 : i32 to index
        %parallel_loop3A_794 = arith.index_cast %parallel_loop3A_447 : i32 to index
        %parallel_loop3A_795 = tpu.vector_load %arg11[%parallel_loop3A_791, %parallel_loop3A_792, %parallel_loop3A_793, %parallel_loop3A_794] {strides = array<i32>} : memref<4x8x8x128xf32, #tpu.memory_space<vmem>>, vector<16xf32>,
        tpu.vector_store %arg11[%parallel_loop3A_791, %parallel_loop3A_792, %parallel_loop3A_793, %parallel_loop3A_794], %parallel_loop3A_586 {strides = array<i32>} : memref<4x8x8x128xf32, #tpu.memory_space<vmem>>, vector<16xf32>,
        %parallel_loop3A_796 = arith.constant 3 : i32
        %parallel_loop3A_797 = arith.constant 3 : i32
        %parallel_loop3A_798 = arith.index_cast %parallel_loop3A_796 : i32 to index
        %parallel_loop3A_799 = arith.index_cast %parallel_loop3A_443 : i32 to index
        %parallel_loop3A_800 = arith.index_cast %parallel_loop3A_797 : i32 to index
        %parallel_loop3A_801 = arith.index_cast %parallel_loop3A_447 : i32 to index
        %parallel_loop3A_802 = tpu.vector_load %arg11[%parallel_loop3A_798, %parallel_loop3A_799, %parallel_loop3A_800, %parallel_loop3A_801] {strides = array<i32>} : memref<4x8x8x128xf32, #tpu.memory_space<vmem>>, vector<16xf32>,
        tpu.vector_store %arg11[%parallel_loop3A_798, %parallel_loop3A_799, %parallel_loop3A_800, %parallel_loop3A_801], %parallel_loop3A_590 {strides = array<i32>} : memref<4x8x8x128xf32, #tpu.memory_space<vmem>>, vector<16xf32>,
        %parallel_loop3A_803 = arith.constant 3 : i32
        %parallel_loop3A_804 = arith.constant 4 : i32
        %parallel_loop3A_805 = arith.index_cast %parallel_loop3A_803 : i32 to index
        %parallel_loop3A_806 = arith.index_cast %parallel_loop3A_443 : i32 to index
        %parallel_loop3A_807 = arith.index_cast %parallel_loop3A_804 : i32 to index
        %parallel_loop3A_808 = arith.index_cast %parallel_loop3A_447 : i32 to index
        %parallel_loop3A_809 = tpu.vector_load %arg11[%parallel_loop3A_805, %parallel_loop3A_806, %parallel_loop3A_807, %parallel_loop3A_808] {strides = array<i32>} : memref<4x8x8x128xf32, #tpu.memory_space<vmem>>, vector<16xf32>,
        tpu.vector_store %arg11[%parallel_loop3A_805, %parallel_loop3A_806, %parallel_loop3A_807, %parallel_loop3A_808], %parallel_loop3A_594 {strides = array<i32>} : memref<4x8x8x128xf32, #tpu.memory_space<vmem>>, vector<16xf32>,
        %parallel_loop3A_810 = arith.constant 3 : i32
        %parallel_loop3A_811 = arith.constant 5 : i32
        %parallel_loop3A_812 = arith.index_cast %parallel_loop3A_810 : i32 to index
        %parallel_loop3A_813 = arith.index_cast %parallel_loop3A_443 : i32 to index
        %parallel_loop3A_814 = arith.index_cast %parallel_loop3A_811 : i32 to index
        %parallel_loop3A_815 = arith.index_cast %parallel_loop3A_447 : i32 to index
        %parallel_loop3A_816 = tpu.vector_load %arg11[%parallel_loop3A_812, %parallel_loop3A_813, %parallel_loop3A_814, %parallel_loop3A_815] {strides = array<i32>} : memref<4x8x8x128xf32, #tpu.memory_space<vmem>>, vector<16xf32>,
        tpu.vector_store %arg11[%parallel_loop3A_812, %parallel_loop3A_813, %parallel_loop3A_814, %parallel_loop3A_815], %parallel_loop3A_598 {strides = array<i32>} : memref<4x8x8x128xf32, #tpu.memory_space<vmem>>, vector<16xf32>,
        %parallel_loop3A_817 = arith.constant 3 : i32
        %parallel_loop3A_818 = arith.constant 6 : i32
        %parallel_loop3A_819 = arith.index_cast %parallel_loop3A_817 : i32 to index
        %parallel_loop3A_820 = arith.index_cast %parallel_loop3A_443 : i32 to index
        %parallel_loop3A_821 = arith.index_cast %parallel_loop3A_818 : i32 to index
        %parallel_loop3A_822 = arith.index_cast %parallel_loop3A_447 : i32 to index
        %parallel_loop3A_823 = tpu.vector_load %arg11[%parallel_loop3A_819, %parallel_loop3A_820, %parallel_loop3A_821, %parallel_loop3A_822] {strides = array<i32>} : memref<4x8x8x128xf32, #tpu.memory_space<vmem>>, vector<16xf32>,
        tpu.vector_store %arg11[%parallel_loop3A_819, %parallel_loop3A_820, %parallel_loop3A_821, %parallel_loop3A_822], %parallel_loop3A_602 {strides = array<i32>} : memref<4x8x8x128xf32, #tpu.memory_space<vmem>>, vector<16xf32>,
        %parallel_loop3A_824 = arith.constant 3 : i32
        %parallel_loop3A_825 = arith.constant 7 : i32
        %parallel_loop3A_826 = arith.index_cast %parallel_loop3A_824 : i32 to index
        %parallel_loop3A_827 = arith.index_cast %parallel_loop3A_443 : i32 to index
        %parallel_loop3A_828 = arith.index_cast %parallel_loop3A_825 : i32 to index
        %parallel_loop3A_829 = arith.index_cast %parallel_loop3A_447 : i32 to index
        %parallel_loop3A_830 = tpu.vector_load %arg11[%parallel_loop3A_826, %parallel_loop3A_827, %parallel_loop3A_828, %parallel_loop3A_829] {strides = array<i32>} : memref<4x8x8x128xf32, #tpu.memory_space<vmem>>, vector<16xf32>,
        tpu.vector_store %arg11[%parallel_loop3A_826, %parallel_loop3A_827, %parallel_loop3A_828, %parallel_loop3A_829], %parallel_loop3A_606 {strides = array<i32>} : memref<4x8x8x128xf32, #tpu.memory_space<vmem>>, vector<16xf32>,
      } {sc.loop_unroll_factor = 2 : i64, sc.parallel_access}
      %shift_right_arithmetic3A = arith.constant 4 : i32
      %shift_right_arithmetic3A_228 = arith.shrsi %add3A_215, %shift_right_arithmetic3A : i32
      %and3A = arith.constant 15 : i32
      %and3A_229 = arith.andi %add3A_215, %and3A : i32
      %mul3A_230 = arith.constant 8 : i32
      %mul3A_231 = arith.muli %and3A_229, %mul3A_230 : i32
      %dma_start3A_232 = arith.constant 0 : i32
      %dma_start3A_233 = arith.constant 0 : i32
      %dma_start3A_234 = arith.constant 0 : i32
      %dma_start3A_235 = arith.constant 0 : i32
      %dma_start3A_236 = arith.constant 0 : i32
      %dma_start3A_237 = tpu.memref_slice %arg11[%dma_start3A_232, %dma_start3A_234, %dma_start3A_235, %dma_start3A_236] : memref<4x8x8x128xf32, #tpu.memory_space<vmem>> -> memref<1x8x8x128xf32, #tpu.memory_space<vmem>>
      %dma_start3A_238 = tpu.memref_squeeze %dma_start3A_237 : memref<1x8x8x128xf32, #tpu.memory_space<vmem>> -> memref<8x8x128xf32, #tpu.memory_space<vmem>>
      %dma_start3A_239 = arith.constant 0 : i32
      %dma_start3A_240 = arith.constant 0 : i32
      %dma_start3A_241 = tpu.memref_slice %arg5[%shift_right_arithmetic3A_228, %dma_start3A_233, %mul3A_231, %dma_start3A_239, %dma_start3A_240] : memref<200x4x128x8x128xf32, #tpu.memory_space<hbm>> -> memref<1x1x8x8x128xf32, #tpu.memory_space<hbm>>
      %dma_start3A_242 = tpu.memref_squeeze %dma_start3A_241 : memref<1x1x8x8x128xf32, #tpu.memory_space<hbm>> -> memref<8x8x128xf32, #tpu.memory_space<hbm>>
      %dma_start3A_243 = arith.constant 0 : i32
      %dma_start3A_244 = arith.constant 0 : i32
      %dma_start3A_245 = tpu.memref_slice %arg5[%shift_right_arithmetic3A_228, %dma_start3A_233, %mul3A_231, %dma_start3A_243, %dma_start3A_244] : memref<200x4x128x8x128xf32, #tpu.memory_space<hbm>> -> memref<1x1x8x8x128xf32, #tpu.memory_space<hbm>>
      %dma_start3A_246 = tpu.memref_squeeze %dma_start3A_245 : memref<1x1x8x8x128xf32, #tpu.memory_space<hbm>> -> memref<8x8x128xf32, #tpu.memory_space<hbm>>
      %dma_start3A_247 = arith.constant 0 : i32
      %dma_start3A_248 = arith.constant 0 : i32
      %dma_start3A_249 = arith.constant 0 : i32
      %dma_start3A_250 = tpu.memref_slice %arg11[%dma_start3A_232, %dma_start3A_247, %dma_start3A_248, %dma_start3A_249] : memref<4x8x8x128xf32, #tpu.memory_space<vmem>> -> memref<1x8x8x128xf32, #tpu.memory_space<vmem>>
      %dma_start3A_251 = tpu.memref_squeeze %dma_start3A_250 : memref<1x8x8x128xf32, #tpu.memory_space<vmem>> -> memref<8x8x128xf32, #tpu.memory_space<vmem>>
      tpu.enqueue_dma source(%dma_start3A_251 : memref<8x8x128xf32, #tpu.memory_space<vmem>>) target(%dma_start3A_246 : memref<8x8x128xf32, #tpu.memory_space<hbm>>) target_semaphore(%arg17 : memref<!tpu.dma_semaphore, #tpu.memory_space<semaphore_mem>>)
      %mul3A_252 = arith.constant 8 : i32
      %mul3A_253 = arith.muli %and3A_229, %mul3A_252 : i32
      %dma_start3A_254 = arith.constant 1 : i32
      %dma_start3A_255 = arith.constant 1 : i32
      %dma_start3A_256 = arith.constant 0 : i32
      %dma_start3A_257 = arith.constant 0 : i32
      %dma_start3A_258 = arith.constant 0 : i32
      %dma_start3A_259 = tpu.memref_slice %arg11[%dma_start3A_254, %dma_start3A_256, %dma_start3A_257, %dma_start3A_258] : memref<4x8x8x128xf32, #tpu.memory_space<vmem>> -> memref<1x8x8x128xf32, #tpu.memory_space<vmem>>
      %dma_start3A_260 = tpu.memref_squeeze %dma_start3A_259 : memref<1x8x8x128xf32, #tpu.memory_space<vmem>> -> memref<8x8x128xf32, #tpu.memory_space<vmem>>
      %dma_start3A_261 = arith.constant 0 : i32
      %dma_start3A_262 = arith.constant 0 : i32
      %dma_start3A_263 = tpu.memref_slice %arg5[%shift_right_arithmetic3A_228, %dma_start3A_255, %mul3A_253, %dma_start3A_261, %dma_start3A_262] : memref<200x4x128x8x128xf32, #tpu.memory_space<hbm>> -> memref<1x1x8x8x128xf32, #tpu.memory_space<hbm>>
      %dma_start3A_264 = tpu.memref_squeeze %dma_start3A_263 : memref<1x1x8x8x128xf32, #tpu.memory_space<hbm>> -> memref<8x8x128xf32, #tpu.memory_space<hbm>>
      %dma_start3A_265 = arith.constant 0 : i32
      %dma_start3A_266 = arith.constant 0 : i32
      %dma_start3A_267 = tpu.memref_slice %arg5[%shift_right_arithmetic3A_228, %dma_start3A_255, %mul3A_253, %dma_start3A_265, %dma_start3A_266] : memref<200x4x128x8x128xf32, #tpu.memory_space<hbm>> -> memref<1x1x8x8x128xf32, #tpu.memory_space<hbm>>
      %dma_start3A_268 = tpu.memref_squeeze %dma_start3A_267 : memref<1x1x8x8x128xf32, #tpu.memory_space<hbm>> -> memref<8x8x128xf32, #tpu.memory_space<hbm>>
      %dma_start3A_269 = arith.constant 0 : i32
      %dma_start3A_270 = arith.constant 0 : i32
      %dma_start3A_271 = arith.constant 0 : i32
      %dma_start3A_272 = tpu.memref_slice %arg11[%dma_start3A_254, %dma_start3A_269, %dma_start3A_270, %dma_start3A_271] : memref<4x8x8x128xf32, #tpu.memory_space<vmem>> -> memref<1x8x8x128xf32, #tpu.memory_space<vmem>>
      %dma_start3A_273 = tpu.memref_squeeze %dma_start3A_272 : memref<1x8x8x128xf32, #tpu.memory_space<vmem>> -> memref<8x8x128xf32, #tpu.memory_space<vmem>>
      tpu.enqueue_dma source(%dma_start3A_273 : memref<8x8x128xf32, #tpu.memory_space<vmem>>) target(%dma_start3A_268 : memref<8x8x128xf32, #tpu.memory_space<hbm>>) target_semaphore(%arg17 : memref<!tpu.dma_semaphore, #tpu.memory_space<semaphore_mem>>)
      %mul3A_274 = arith.constant 8 : i32
      %mul3A_275 = arith.muli %and3A_229, %mul3A_274 : i32
      %dma_start3A_276 = arith.constant 2 : i32
      %dma_start3A_277 = arith.constant 2 : i32
      %dma_start3A_278 = arith.constant 0 : i32
      %dma_start3A_279 = arith.constant 0 : i32
      %dma_start3A_280 = arith.constant 0 : i32
      %dma_start3A_281 = tpu.memref_slice %arg11[%dma_start3A_276, %dma_start3A_278, %dma_start3A_279, %dma_start3A_280] : memref<4x8x8x128xf32, #tpu.memory_space<vmem>> -> memref<1x8x8x128xf32, #tpu.memory_space<vmem>>
      %dma_start3A_282 = tpu.memref_squeeze %dma_start3A_281 : memref<1x8x8x128xf32, #tpu.memory_space<vmem>> -> memref<8x8x128xf32, #tpu.memory_space<vmem>>
      %dma_start3A_283 = arith.constant 0 : i32
      %dma_start3A_284 = arith.constant 0 : i32
      %dma_start3A_285 = tpu.memref_slice %arg5[%shift_right_arithmetic3A_228, %dma_start3A_277, %mul3A_275, %dma_start3A_283, %dma_start3A_284] : memref<200x4x128x8x128xf32, #tpu.memory_space<hbm>> -> memref<1x1x8x8x128xf32, #tpu.memory_space<hbm>>
      %dma_start3A_286 = tpu.memref_squeeze %dma_start3A_285 : memref<1x1x8x8x128xf32, #tpu.memory_space<hbm>> -> memref<8x8x128xf32, #tpu.memory_space<hbm>>
      %dma_start3A_287 = arith.constant 0 : i32
      %dma_start3A_288 = arith.constant 0 : i32
      %dma_start3A_289 = tpu.memref_slice %arg5[%shift_right_arithmetic3A_228, %dma_start3A_277, %mul3A_275, %dma_start3A_287, %dma_start3A_288] : memref<200x4x128x8x128xf32, #tpu.memory_space<hbm>> -> memref<1x1x8x8x128xf32, #tpu.memory_space<hbm>>
      %dma_start3A_290 = tpu.memref_squeeze %dma_start3A_289 : memref<1x1x8x8x128xf32, #tpu.memory_space<hbm>> -> memref<8x8x128xf32, #tpu.memory_space<hbm>>
      %dma_start3A_291 = arith.constant 0 : i32
      %dma_start3A_292 = arith.constant 0 : i32
      %dma_start3A_293 = arith.constant 0 : i32
      %dma_start3A_294 = tpu.memref_slice %arg11[%dma_start3A_276, %dma_start3A_291, %dma_start3A_292, %dma_start3A_293] : memref<4x8x8x128xf32, #tpu.memory_space<vmem>> -> memref<1x8x8x128xf32, #tpu.memory_space<vmem>>
      %dma_start3A_295 = tpu.memref_squeeze %dma_start3A_294 : memref<1x8x8x128xf32, #tpu.memory_space<vmem>> -> memref<8x8x128xf32, #tpu.memory_space<vmem>>
      tpu.enqueue_dma source(%dma_start3A_295 : memref<8x8x128xf32, #tpu.memory_space<vmem>>) target(%dma_start3A_290 : memref<8x8x128xf32, #tpu.memory_space<hbm>>) target_semaphore(%arg17 : memref<!tpu.dma_semaphore, #tpu.memory_space<semaphore_mem>>)
      %mul3A_296 = arith.constant 8 : i32
      %mul3A_297 = arith.muli %and3A_229, %mul3A_296 : i32
      %dma_start3A_298 = arith.constant 3 : i32
      %dma_start3A_299 = arith.constant 3 : i32
      %dma_start3A_300 = arith.constant 0 : i32
      %dma_start3A_301 = arith.constant 0 : i32
      %dma_start3A_302 = arith.constant 0 : i32
      %dma_start3A_303 = tpu.memref_slice %arg11[%dma_start3A_298, %dma_start3A_300, %dma_start3A_301, %dma_start3A_302] : memref<4x8x8x128xf32, #tpu.memory_space<vmem>> -> memref<1x8x8x128xf32, #tpu.memory_space<vmem>>
      %dma_start3A_304 = tpu.memref_squeeze %dma_start3A_303 : memref<1x8x8x128xf32, #tpu.memory_space<vmem>> -> memref<8x8x128xf32, #tpu.memory_space<vmem>>
      %dma_start3A_305 = arith.constant 0 : i32
      %dma_start3A_306 = arith.constant 0 : i32
      %dma_start3A_307 = tpu.memref_slice %arg5[%shift_right_arithmetic3A_228, %dma_start3A_299, %mul3A_297, %dma_start3A_305, %dma_start3A_306] : memref<200x4x128x8x128xf32, #tpu.memory_space<hbm>> -> memref<1x1x8x8x128xf32, #tpu.memory_space<hbm>>
      %dma_start3A_308 = tpu.memref_squeeze %dma_start3A_307 : memref<1x1x8x8x128xf32, #tpu.memory_space<hbm>> -> memref<8x8x128xf32, #tpu.memory_space<hbm>>
      %dma_start3A_309 = arith.constant 0 : i32
      %dma_start3A_310 = arith.constant 0 : i32
      %dma_start3A_311 = tpu.memref_slice %arg5[%shift_right_arithmetic3A_228, %dma_start3A_299, %mul3A_297, %dma_start3A_309, %dma_start3A_310] : memref<200x4x128x8x128xf32, #tpu.memory_space<hbm>> -> memref<1x1x8x8x128xf32, #tpu.memory_space<hbm>>
      %dma_start3A_312 = tpu.memref_squeeze %dma_start3A_311 : memref<1x1x8x8x128xf32, #tpu.memory_space<hbm>> -> memref<8x8x128xf32, #tpu.memory_space<hbm>>
      %dma_start3A_313 = arith.constant 0 : i32
      %dma_start3A_314 = arith.constant 0 : i32
      %dma_start3A_315 = arith.constant 0 : i32
      %dma_start3A_316 = tpu.memref_slice %arg11[%dma_start3A_298, %dma_start3A_313, %dma_start3A_314, %dma_start3A_315] : memref<4x8x8x128xf32, #tpu.memory_space<vmem>> -> memref<1x8x8x128xf32, #tpu.memory_space<vmem>>
      %dma_start3A_317 = tpu.memref_squeeze %dma_start3A_316 : memref<1x8x8x128xf32, #tpu.memory_space<vmem>> -> memref<8x8x128xf32, #tpu.memory_space<vmem>>
      tpu.enqueue_dma source(%dma_start3A_317 : memref<8x8x128xf32, #tpu.memory_space<vmem>>) target(%dma_start3A_312 : memref<8x8x128xf32, #tpu.memory_space<hbm>>) target_semaphore(%arg17 : memref<!tpu.dma_semaphore, #tpu.memory_space<semaphore_mem>>)
      %lt3A = arith.constant 49 : i32
      %lt3A_318 = arith.cmpi slt, %scan3A_209, %lt3A : i32
      %convert_element_type3A_319 = arith.extui %lt3A_318 : i1 to i32
      %cond3A_320 = arith.constant 0 : i32
      %cond3A_321 = arith.cmpi ne, %convert_element_type3A_319, %cond3A_320 : i32
      scf.if %cond3A_321 {
        %add3A_441 = arith.constant 2 : i32
        %add3A_442 = arith.addi %add3A_215, %add3A_441 : i32
        %mul3A_443 = arith.constant 1024 : i32
        %mul3A_444 = arith.muli %add3A_442, %mul3A_443 : i32
        %dma_start3A_445 = tpu.memref_slice %arg2[%mul3A_444] : memref<3276800xf32, #tpu.memory_space<hbm>> -> memref<1024xf32, #tpu.memory_space<hbm>>
        %dma_start3A_446 = tpu.memref_slice %arg2[%mul3A_444] : memref<3276800xf32, #tpu.memory_space<hbm>> -> memref<1024xf32, #tpu.memory_space<hbm>>
        tpu.enqueue_dma source(%dma_start3A_446 : memref<1024xf32, #tpu.memory_space<hbm>>) target(%arg7 : memref<1024xf32, #tpu.memory_space<vmem>>) target_semaphore(%arg13 : memref<!tpu.dma_semaphore, #tpu.memory_space<semaphore_mem>>)
        %mul3A_447 = arith.constant 1024 : i32
        %mul3A_448 = arith.muli %add3A_442, %mul3A_447 : i32
        %dma_start3A_449 = tpu.memref_slice %arg3[%mul3A_448] : memref<3276800xi32, #tpu.memory_space<hbm>> -> memref<1024xi32, #tpu.memory_space<hbm>>
        %dma_start3A_450 = tpu.memref_slice %arg3[%mul3A_448] : memref<3276800xi32, #tpu.memory_space<hbm>> -> memref<1024xi32, #tpu.memory_space<hbm>>
        tpu.enqueue_dma source(%dma_start3A_450 : memref<1024xi32, #tpu.memory_space<hbm>>) target(%arg9 : memref<1024xi32, #tpu.memory_space<vmem>>) target_semaphore(%arg15 : memref<!tpu.dma_semaphore, #tpu.memory_space<semaphore_mem>>)
      } else {
      }
      %mul3A_322 = arith.constant 2 : i32
      %mul3A_323 = arith.muli %mul3A_322, %scan3A_209 : i32
      %add3A_324 = arith.addi %mul3A_2, %mul3A_323 : i32
      %add3A_325 = arith.constant 1 : i32
      %add3A_326 = arith.addi %add3A_324, %add3A_325 : i32
      %dma_wait3A_327 = arith.constant 0 : i32
      %dma_wait3A_328 = tpu.memref_slice %arg2[%dma_wait3A_327] : memref<3276800xf32, #tpu.memory_space<hbm>> -> memref<1024xf32, #tpu.memory_space<hbm>>
      %dma_wait3A_329 = arith.constant 0 : i32
      %dma_wait3A_330 = tpu.memref_slice %arg2[%dma_wait3A_329] : memref<3276800xf32, #tpu.memory_space<hbm>> -> memref<1024xf32, #tpu.memory_space<hbm>>
      tpu.wait_dma2 semaphore(%arg14 : memref<!tpu.dma_semaphore, #tpu.memory_space<semaphore_mem>>) src(%dma_wait3A_330 : memref<1024xf32, #tpu.memory_space<hbm>>) dst(%arg8 : memref<1024xf32, #tpu.memory_space<vmem>>)
      %dma_wait3A_331 = arith.constant 0 : i32
      %dma_wait3A_332 = tpu.memref_slice %arg3[%dma_wait3A_331] : memref<3276800xi32, #tpu.memory_space<hbm>> -> memref<1024xi32, #tpu.memory_space<hbm>>
      %dma_wait3A_333 = arith.constant 0 : i32
      %dma_wait3A_334 = tpu.memref_slice %arg3[%dma_wait3A_333] : memref<3276800xi32, #tpu.memory_space<hbm>> -> memref<1024xi32, #tpu.memory_space<hbm>>
      tpu.wait_dma2 semaphore(%arg16 : memref<!tpu.dma_semaphore, #tpu.memory_space<semaphore_mem>>) src(%dma_wait3A_334 : memref<1024xi32, #tpu.memory_space<hbm>>) dst(%arg10 : memref<1024xi32, #tpu.memory_space<vmem>>)
      %ge3A_335 = arith.constant 1 : i32
      %ge3A_336 = arith.cmpi sge, %scan3A_209, %ge3A_335 : i32
      %convert_element_type3A_337 = arith.extui %ge3A_336 : i1 to i32
      %cond3A_338 = arith.constant 0 : i32
      %cond3A_339 = arith.cmpi ne, %convert_element_type3A_337, %cond3A_338 : i32
      scf.if %cond3A_339 {
        %dma_wait3A_441 = arith.constant 0 : i32
        %dma_wait3A_442 = arith.constant 0 : i32
        %dma_wait3A_443 = arith.constant 0 : i32
        %dma_wait3A_444 = arith.constant 0 : i32
        %dma_wait3A_445 = arith.constant 0 : i32
        %dma_wait3A_446 = arith.constant 0 : i32
        %dma_wait3A_447 = tpu.memref_slice %arg12[%dma_wait3A_441, %dma_wait3A_444, %dma_wait3A_445, %dma_wait3A_446] : memref<4x8x8x128xf32, #tpu.memory_space<vmem>> -> memref<1x8x8x128xf32, #tpu.memory_space<vmem>>
        %dma_wait3A_448 = tpu.memref_squeeze %dma_wait3A_447 : memref<1x8x8x128xf32, #tpu.memory_space<vmem>> -> memref<8x8x128xf32, #tpu.memory_space<vmem>>
        %dma_wait3A_449 = arith.constant 0 : i32
        %dma_wait3A_450 = arith.constant 0 : i32
        %dma_wait3A_451 = arith.constant 0 : i32
        %dma_wait3A_452 = tpu.memref_slice %arg5[%dma_wait3A_442, %dma_wait3A_443, %dma_wait3A_449, %dma_wait3A_450, %dma_wait3A_451] : memref<200x4x128x8x128xf32, #tpu.memory_space<hbm>> -> memref<1x1x8x8x128xf32, #tpu.memory_space<hbm>>
        %dma_wait3A_453 = tpu.memref_squeeze %dma_wait3A_452 : memref<1x1x8x8x128xf32, #tpu.memory_space<hbm>> -> memref<8x8x128xf32, #tpu.memory_space<hbm>>
        %dma_wait3A_454 = arith.constant 0 : i32
        %dma_wait3A_455 = arith.constant 0 : i32
        %dma_wait3A_456 = arith.constant 0 : i32
        %dma_wait3A_457 = tpu.memref_slice %arg5[%dma_wait3A_442, %dma_wait3A_443, %dma_wait3A_454, %dma_wait3A_455, %dma_wait3A_456] : memref<200x4x128x8x128xf32, #tpu.memory_space<hbm>> -> memref<1x1x8x8x128xf32, #tpu.memory_space<hbm>>
        %dma_wait3A_458 = tpu.memref_squeeze %dma_wait3A_457 : memref<1x1x8x8x128xf32, #tpu.memory_space<hbm>> -> memref<8x8x128xf32, #tpu.memory_space<hbm>>
        %dma_wait3A_459 = arith.constant 0 : i32
        %dma_wait3A_460 = arith.constant 0 : i32
        %dma_wait3A_461 = arith.constant 0 : i32
        %dma_wait3A_462 = tpu.memref_slice %arg12[%dma_wait3A_441, %dma_wait3A_459, %dma_wait3A_460, %dma_wait3A_461] : memref<4x8x8x128xf32, #tpu.memory_space<vmem>> -> memref<1x8x8x128xf32, #tpu.memory_space<vmem>>
        %dma_wait3A_463 = tpu.memref_squeeze %dma_wait3A_462 : memref<1x8x8x128xf32, #tpu.memory_space<vmem>> -> memref<8x8x128xf32, #tpu.memory_space<vmem>>
        tpu.wait_dma2 semaphore(%arg18 : memref<!tpu.dma_semaphore, #tpu.memory_space<semaphore_mem>>) src(%dma_wait3A_463 : memref<8x8x128xf32, #tpu.memory_space<vmem>>) dst(%dma_wait3A_458 : memref<8x8x128xf32, #tpu.memory_space<hbm>>)
        %dma_wait3A_464 = arith.constant 1 : i32
        %dma_wait3A_465 = arith.constant 0 : i32
        %dma_wait3A_466 = arith.constant 0 : i32
        %dma_wait3A_467 = arith.constant 0 : i32
        %dma_wait3A_468 = arith.constant 0 : i32
        %dma_wait3A_469 = arith.constant 0 : i32
        %dma_wait3A_470 = tpu.memref_slice %arg12[%dma_wait3A_464, %dma_wait3A_467, %dma_wait3A_468, %dma_wait3A_469] : memref<4x8x8x128xf32, #tpu.memory_space<vmem>> -> memref<1x8x8x128xf32, #tpu.memory_space<vmem>>
        %dma_wait3A_471 = tpu.memref_squeeze %dma_wait3A_470 : memref<1x8x8x128xf32, #tpu.memory_space<vmem>> -> memref<8x8x128xf32, #tpu.memory_space<vmem>>
        %dma_wait3A_472 = arith.constant 0 : i32
        %dma_wait3A_473 = arith.constant 0 : i32
        %dma_wait3A_474 = arith.constant 0 : i32
        %dma_wait3A_475 = tpu.memref_slice %arg5[%dma_wait3A_465, %dma_wait3A_466, %dma_wait3A_472, %dma_wait3A_473, %dma_wait3A_474] : memref<200x4x128x8x128xf32, #tpu.memory_space<hbm>> -> memref<1x1x8x8x128xf32, #tpu.memory_space<hbm>>
        %dma_wait3A_476 = tpu.memref_squeeze %dma_wait3A_475 : memref<1x1x8x8x128xf32, #tpu.memory_space<hbm>> -> memref<8x8x128xf32, #tpu.memory_space<hbm>>
        %dma_wait3A_477 = arith.constant 0 : i32
        %dma_wait3A_478 = arith.constant 0 : i32
        %dma_wait3A_479 = arith.constant 0 : i32
        %dma_wait3A_480 = tpu.memref_slice %arg5[%dma_wait3A_465, %dma_wait3A_466, %dma_wait3A_477, %dma_wait3A_478, %dma_wait3A_479] : memref<200x4x128x8x128xf32, #tpu.memory_space<hbm>> -> memref<1x1x8x8x128xf32, #tpu.memory_space<hbm>>
        %dma_wait3A_481 = tpu.memref_squeeze %dma_wait3A_480 : memref<1x1x8x8x128xf32, #tpu.memory_space<hbm>> -> memref<8x8x128xf32, #tpu.memory_space<hbm>>
        %dma_wait3A_482 = arith.constant 0 : i32
        %dma_wait3A_483 = arith.constant 0 : i32
        %dma_wait3A_484 = arith.constant 0 : i32
        %dma_wait3A_485 = tpu.memref_slice %arg12[%dma_wait3A_464, %dma_wait3A_482, %dma_wait3A_483, %dma_wait3A_484] : memref<4x8x8x128xf32, #tpu.memory_space<vmem>> -> memref<1x8x8x128xf32, #tpu.memory_space<vmem>>
        %dma_wait3A_486 = tpu.memref_squeeze %dma_wait3A_485 : memref<1x8x8x128xf32, #tpu.memory_space<vmem>> -> memref<8x8x128xf32, #tpu.memory_space<vmem>>
        tpu.wait_dma2 semaphore(%arg18 : memref<!tpu.dma_semaphore, #tpu.memory_space<semaphore_mem>>) src(%dma_wait3A_486 : memref<8x8x128xf32, #tpu.memory_space<vmem>>) dst(%dma_wait3A_481 : memref<8x8x128xf32, #tpu.memory_space<hbm>>)
        %dma_wait3A_487 = arith.constant 2 : i32
        %dma_wait3A_488 = arith.constant 0 : i32
        %dma_wait3A_489 = arith.constant 0 : i32
        %dma_wait3A_490 = arith.constant 0 : i32
        %dma_wait3A_491 = arith.constant 0 : i32
        %dma_wait3A_492 = arith.constant 0 : i32
        %dma_wait3A_493 = tpu.memref_slice %arg12[%dma_wait3A_487, %dma_wait3A_490, %dma_wait3A_491, %dma_wait3A_492] : memref<4x8x8x128xf32, #tpu.memory_space<vmem>> -> memref<1x8x8x128xf32, #tpu.memory_space<vmem>>
        %dma_wait3A_494 = tpu.memref_squeeze %dma_wait3A_493 : memref<1x8x8x128xf32, #tpu.memory_space<vmem>> -> memref<8x8x128xf32, #tpu.memory_space<vmem>>
        %dma_wait3A_495 = arith.constant 0 : i32
        %dma_wait3A_496 = arith.constant 0 : i32
        %dma_wait3A_497 = arith.constant 0 : i32
        %dma_wait3A_498 = tpu.memref_slice %arg5[%dma_wait3A_488, %dma_wait3A_489, %dma_wait3A_495, %dma_wait3A_496, %dma_wait3A_497] : memref<200x4x128x8x128xf32, #tpu.memory_space<hbm>> -> memref<1x1x8x8x128xf32, #tpu.memory_space<hbm>>
        %dma_wait3A_499 = tpu.memref_squeeze %dma_wait3A_498 : memref<1x1x8x8x128xf32, #tpu.memory_space<hbm>> -> memref<8x8x128xf32, #tpu.memory_space<hbm>>
        %dma_wait3A_500 = arith.constant 0 : i32
        %dma_wait3A_501 = arith.constant 0 : i32
        %dma_wait3A_502 = arith.constant 0 : i32
        %dma_wait3A_503 = tpu.memref_slice %arg5[%dma_wait3A_488, %dma_wait3A_489, %dma_wait3A_500, %dma_wait3A_501, %dma_wait3A_502] : memref<200x4x128x8x128xf32, #tpu.memory_space<hbm>> -> memref<1x1x8x8x128xf32, #tpu.memory_space<hbm>>
        %dma_wait3A_504 = tpu.memref_squeeze %dma_wait3A_503 : memref<1x1x8x8x128xf32, #tpu.memory_space<hbm>> -> memref<8x8x128xf32, #tpu.memory_space<hbm>>
        %dma_wait3A_505 = arith.constant 0 : i32
        %dma_wait3A_506 = arith.constant 0 : i32
        %dma_wait3A_507 = arith.constant 0 : i32
        %dma_wait3A_508 = tpu.memref_slice %arg12[%dma_wait3A_487, %dma_wait3A_505, %dma_wait3A_506, %dma_wait3A_507] : memref<4x8x8x128xf32, #tpu.memory_space<vmem>> -> memref<1x8x8x128xf32, #tpu.memory_space<vmem>>
        %dma_wait3A_509 = tpu.memref_squeeze %dma_wait3A_508 : memref<1x8x8x128xf32, #tpu.memory_space<vmem>> -> memref<8x8x128xf32, #tpu.memory_space<vmem>>
        tpu.wait_dma2 semaphore(%arg18 : memref<!tpu.dma_semaphore, #tpu.memory_space<semaphore_mem>>) src(%dma_wait3A_509 : memref<8x8x128xf32, #tpu.memory_space<vmem>>) dst(%dma_wait3A_504 : memref<8x8x128xf32, #tpu.memory_space<hbm>>)
        %dma_wait3A_510 = arith.constant 3 : i32
        %dma_wait3A_511 = arith.constant 0 : i32
        %dma_wait3A_512 = arith.constant 0 : i32
        %dma_wait3A_513 = arith.constant 0 : i32
        %dma_wait3A_514 = arith.constant 0 : i32
        %dma_wait3A_515 = arith.constant 0 : i32
        %dma_wait3A_516 = tpu.memref_slice %arg12[%dma_wait3A_510, %dma_wait3A_513, %dma_wait3A_514, %dma_wait3A_515] : memref<4x8x8x128xf32, #tpu.memory_space<vmem>> -> memref<1x8x8x128xf32, #tpu.memory_space<vmem>>
        %dma_wait3A_517 = tpu.memref_squeeze %dma_wait3A_516 : memref<1x8x8x128xf32, #tpu.memory_space<vmem>> -> memref<8x8x128xf32, #tpu.memory_space<vmem>>
        %dma_wait3A_518 = arith.constant 0 : i32
        %dma_wait3A_519 = arith.constant 0 : i32
        %dma_wait3A_520 = arith.constant 0 : i32
        %dma_wait3A_521 = tpu.memref_slice %arg5[%dma_wait3A_511, %dma_wait3A_512, %dma_wait3A_518, %dma_wait3A_519, %dma_wait3A_520] : memref<200x4x128x8x128xf32, #tpu.memory_space<hbm>> -> memref<1x1x8x8x128xf32, #tpu.memory_space<hbm>>
        %dma_wait3A_522 = tpu.memref_squeeze %dma_wait3A_521 : memref<1x1x8x8x128xf32, #tpu.memory_space<hbm>> -> memref<8x8x128xf32, #tpu.memory_space<hbm>>
        %dma_wait3A_523 = arith.constant 0 : i32
        %dma_wait3A_524 = arith.constant 0 : i32
        %dma_wait3A_525 = arith.constant 0 : i32
        %dma_wait3A_526 = tpu.memref_slice %arg5[%dma_wait3A_511, %dma_wait3A_512, %dma_wait3A_523, %dma_wait3A_524, %dma_wait3A_525] : memref<200x4x128x8x128xf32, #tpu.memory_space<hbm>> -> memref<1x1x8x8x128xf32, #tpu.memory_space<hbm>>
        %dma_wait3A_527 = tpu.memref_squeeze %dma_wait3A_526 : memref<1x1x8x8x128xf32, #tpu.memory_space<hbm>> -> memref<8x8x128xf32, #tpu.memory_space<hbm>>
        %dma_wait3A_528 = arith.constant 0 : i32
        %dma_wait3A_529 = arith.constant 0 : i32
        %dma_wait3A_530 = arith.constant 0 : i32
        %dma_wait3A_531 = tpu.memref_slice %arg12[%dma_wait3A_510, %dma_wait3A_528, %dma_wait3A_529, %dma_wait3A_530] : memref<4x8x8x128xf32, #tpu.memory_space<vmem>> -> memref<1x8x8x128xf32, #tpu.memory_space<vmem>>
        %dma_wait3A_532 = tpu.memref_squeeze %dma_wait3A_531 : memref<1x8x8x128xf32, #tpu.memory_space<vmem>> -> memref<8x8x128xf32, #tpu.memory_space<vmem>>
        tpu.wait_dma2 semaphore(%arg18 : memref<!tpu.dma_semaphore, #tpu.memory_space<semaphore_mem>>) src(%dma_wait3A_532 : memref<8x8x128xf32, #tpu.memory_space<vmem>>) dst(%dma_wait3A_527 : memref<8x8x128xf32, #tpu.memory_space<hbm>>)
      } else {
      }
      %parallel_loop3A_340 = arith.constant 0 : i32
      %parallel_loop3A_341 = arith.constant 64 : i32
      %parallel_loop3A_342 = arith.constant 1 : i32
      scf.for %parallel_loop3A_441 = %parallel_loop3A_340 to %parallel_loop3A_341 step %parallel_loop3A_342  : i32 {
        %parallel_loop3A_442 = arith.constant 3 : i32
        %parallel_loop3A_443 = arith.shrsi %parallel_loop3A_441, %parallel_loop3A_442 : i32
        %parallel_loop3A_444 = arith.constant 7 : i32
        %parallel_loop3A_445 = arith.andi %parallel_loop3A_441, %parallel_loop3A_444 : i32
        %parallel_loop3A_446 = arith.constant 16 : i32
        %parallel_loop3A_447 = arith.muli %parallel_loop3A_445, %parallel_loop3A_446 : i32
        %parallel_loop3A_448 = arith.constant 16 : i32
        %parallel_loop3A_449 = arith.muli %parallel_loop3A_441, %parallel_loop3A_448 : i32
        %parallel_loop3A_450 = arith.index_cast %parallel_loop3A_449 : i32 to index
        %parallel_loop3A_451 = tpu.vector_load %arg8[%parallel_loop3A_450] {strides = array<i32>} : memref<1024xf32, #tpu.memory_space<vmem>>, vector<16xf32>,
        %parallel_loop3A_452 = arith.constant 16 : i32
        %parallel_loop3A_453 = arith.muli %parallel_loop3A_441, %parallel_loop3A_452 : i32
        %parallel_loop3A_454 = arith.index_cast %parallel_loop3A_453 : i32 to index
        %parallel_loop3A_455 = tpu.vector_load %arg10[%parallel_loop3A_454] {strides = array<i32>} : memref<1024xi32, #tpu.memory_space<vmem>>, vector<16xi32>,
        %parallel_loop3A_456 = arith.constant 2.880000e+02 : f32
        %parallel_loop3A_457 = vector.broadcast %parallel_loop3A_456 : f32 to vector<16xf32>
        %parallel_loop3A_458 = arith.mulf %parallel_loop3A_451, %parallel_loop3A_457 : vector<16xf32>
        %parallel_loop3A_459 = arith.fptosi %parallel_loop3A_458 : vector<16xf32> to vector<16xi32>
        %parallel_loop3A_460 = arith.constant 0 : i32
        %parallel_loop3A_461 = vector.broadcast %parallel_loop3A_460 : i32 to vector<16xi32>
        %parallel_loop3A_462 = arith.maxsi %parallel_loop3A_459, %parallel_loop3A_461 : vector<16xi32>
        %parallel_loop3A_463 = arith.constant 287 : i32
        %parallel_loop3A_464 = vector.broadcast %parallel_loop3A_463 : i32 to vector<16xi32>
        %parallel_loop3A_465 = arith.minsi %parallel_loop3A_462, %parallel_loop3A_464 : vector<16xi32>
        %parallel_loop3A_466 = arith.constant 0 : i32
        %parallel_loop3A_467 = vector.broadcast %parallel_loop3A_466 : i32 to vector<16xi32>
        %parallel_loop3A_468 = arith.maxsi %parallel_loop3A_455, %parallel_loop3A_467 : vector<16xi32>
        %parallel_loop3A_469 = arith.constant 6 : i32
        %parallel_loop3A_470 = vector.broadcast %parallel_loop3A_469 : i32 to vector<16xi32>
        %parallel_loop3A_471 = arith.minsi %parallel_loop3A_468, %parallel_loop3A_470 : vector<16xi32>
        %parallel_loop3A_472 = arith.constant 16 : i32
        %parallel_loop3A_473 = vector.broadcast %parallel_loop3A_472 : i32 to vector<16xi32>
        %parallel_loop3A_474 = arith.muli %parallel_loop3A_471, %parallel_loop3A_473 : vector<16xi32>
        %parallel_loop3A_475 = arith.addi %parallel_loop3A_474, %iota3A : vector<16xi32>
        %parallel_loop3A_476 = arith.constant 4608 : i32
        %parallel_loop3A_477 = vector.broadcast %parallel_loop3A_476 : i32 to vector<16xi32>
        %parallel_loop3A_478 = arith.addi %parallel_loop3A_475, %parallel_loop3A_477 : vector<16xi32>
        %parallel_loop3A_479 = arith.constant 0 : i32
        %parallel_loop3A_480 = vector.broadcast %parallel_loop3A_479 : i32 to vector<16xi32>
        %parallel_loop3A_481 = arith.addi %parallel_loop3A_465, %parallel_loop3A_480 : vector<16xi32>
        %parallel_loop3A_482 = tpu.vector_load_idx %arg6[%parallel_loop3A_481] : memref<6400xf32, #tpu.memory_space<vmem>>[vector<16xi32>], vector<16xf32>,
        %parallel_loop3A_483 = arith.constant 288 : i32
        %parallel_loop3A_484 = vector.broadcast %parallel_loop3A_483 : i32 to vector<16xi32>
        %parallel_loop3A_485 = arith.addi %parallel_loop3A_465, %parallel_loop3A_484 : vector<16xi32>
        %parallel_loop3A_486 = tpu.vector_load_idx %arg6[%parallel_loop3A_485] : memref<6400xf32, #tpu.memory_space<vmem>>[vector<16xi32>], vector<16xf32>,
        %parallel_loop3A_487 = arith.constant 576 : i32
        %parallel_loop3A_488 = vector.broadcast %parallel_loop3A_487 : i32 to vector<16xi32>
        %parallel_loop3A_489 = arith.addi %parallel_loop3A_465, %parallel_loop3A_488 : vector<16xi32>
        %parallel_loop3A_490 = tpu.vector_load_idx %arg6[%parallel_loop3A_489] : memref<6400xf32, #tpu.memory_space<vmem>>[vector<16xi32>], vector<16xf32>,
        %parallel_loop3A_491 = arith.constant 864 : i32
        %parallel_loop3A_492 = vector.broadcast %parallel_loop3A_491 : i32 to vector<16xi32>
        %parallel_loop3A_493 = arith.addi %parallel_loop3A_465, %parallel_loop3A_492 : vector<16xi32>
        %parallel_loop3A_494 = tpu.vector_load_idx %arg6[%parallel_loop3A_493] : memref<6400xf32, #tpu.memory_space<vmem>>[vector<16xi32>], vector<16xf32>,
        %parallel_loop3A_495 = arith.constant 1152 : i32
        %parallel_loop3A_496 = vector.broadcast %parallel_loop3A_495 : i32 to vector<16xi32>
        %parallel_loop3A_497 = arith.addi %parallel_loop3A_465, %parallel_loop3A_496 : vector<16xi32>
        %parallel_loop3A_498 = tpu.vector_load_idx %arg6[%parallel_loop3A_497] : memref<6400xf32, #tpu.memory_space<vmem>>[vector<16xi32>], vector<16xf32>,
        %parallel_loop3A_499 = arith.constant 1440 : i32
        %parallel_loop3A_500 = vector.broadcast %parallel_loop3A_499 : i32 to vector<16xi32>
        %parallel_loop3A_501 = arith.addi %parallel_loop3A_465, %parallel_loop3A_500 : vector<16xi32>
        %parallel_loop3A_502 = tpu.vector_load_idx %arg6[%parallel_loop3A_501] : memref<6400xf32, #tpu.memory_space<vmem>>[vector<16xi32>], vector<16xf32>,
        %parallel_loop3A_503 = arith.constant 1728 : i32
        %parallel_loop3A_504 = vector.broadcast %parallel_loop3A_503 : i32 to vector<16xi32>
        %parallel_loop3A_505 = arith.addi %parallel_loop3A_465, %parallel_loop3A_504 : vector<16xi32>
        %parallel_loop3A_506 = tpu.vector_load_idx %arg6[%parallel_loop3A_505] : memref<6400xf32, #tpu.memory_space<vmem>>[vector<16xi32>], vector<16xf32>,
        %parallel_loop3A_507 = arith.constant 2016 : i32
        %parallel_loop3A_508 = vector.broadcast %parallel_loop3A_507 : i32 to vector<16xi32>
        %parallel_loop3A_509 = arith.addi %parallel_loop3A_465, %parallel_loop3A_508 : vector<16xi32>
        %parallel_loop3A_510 = tpu.vector_load_idx %arg6[%parallel_loop3A_509] : memref<6400xf32, #tpu.memory_space<vmem>>[vector<16xi32>], vector<16xf32>,
        %parallel_loop3A_511 = arith.constant 2304 : i32
        %parallel_loop3A_512 = vector.broadcast %parallel_loop3A_511 : i32 to vector<16xi32>
        %parallel_loop3A_513 = arith.addi %parallel_loop3A_465, %parallel_loop3A_512 : vector<16xi32>
        %parallel_loop3A_514 = tpu.vector_load_idx %arg6[%parallel_loop3A_513] : memref<6400xf32, #tpu.memory_space<vmem>>[vector<16xi32>], vector<16xf32>,
        %parallel_loop3A_515 = arith.constant 2592 : i32
        %parallel_loop3A_516 = vector.broadcast %parallel_loop3A_515 : i32 to vector<16xi32>
        %parallel_loop3A_517 = arith.addi %parallel_loop3A_465, %parallel_loop3A_516 : vector<16xi32>
        %parallel_loop3A_518 = tpu.vector_load_idx %arg6[%parallel_loop3A_517] : memref<6400xf32, #tpu.memory_space<vmem>>[vector<16xi32>], vector<16xf32>,
        %parallel_loop3A_519 = arith.constant 2880 : i32
        %parallel_loop3A_520 = vector.broadcast %parallel_loop3A_519 : i32 to vector<16xi32>
        %parallel_loop3A_521 = arith.addi %parallel_loop3A_465, %parallel_loop3A_520 : vector<16xi32>
        %parallel_loop3A_522 = tpu.vector_load_idx %arg6[%parallel_loop3A_521] : memref<6400xf32, #tpu.memory_space<vmem>>[vector<16xi32>], vector<16xf32>,
        %parallel_loop3A_523 = arith.constant 3168 : i32
        %parallel_loop3A_524 = vector.broadcast %parallel_loop3A_523 : i32 to vector<16xi32>
        %parallel_loop3A_525 = arith.addi %parallel_loop3A_465, %parallel_loop3A_524 : vector<16xi32>
        %parallel_loop3A_526 = tpu.vector_load_idx %arg6[%parallel_loop3A_525] : memref<6400xf32, #tpu.memory_space<vmem>>[vector<16xi32>], vector<16xf32>,
        %parallel_loop3A_527 = arith.constant 3456 : i32
        %parallel_loop3A_528 = vector.broadcast %parallel_loop3A_527 : i32 to vector<16xi32>
        %parallel_loop3A_529 = arith.addi %parallel_loop3A_465, %parallel_loop3A_528 : vector<16xi32>
        %parallel_loop3A_530 = tpu.vector_load_idx %arg6[%parallel_loop3A_529] : memref<6400xf32, #tpu.memory_space<vmem>>[vector<16xi32>], vector<16xf32>,
        %parallel_loop3A_531 = arith.constant 3744 : i32
        %parallel_loop3A_532 = vector.broadcast %parallel_loop3A_531 : i32 to vector<16xi32>
        %parallel_loop3A_533 = arith.addi %parallel_loop3A_465, %parallel_loop3A_532 : vector<16xi32>
        %parallel_loop3A_534 = tpu.vector_load_idx %arg6[%parallel_loop3A_533] : memref<6400xf32, #tpu.memory_space<vmem>>[vector<16xi32>], vector<16xf32>,
        %parallel_loop3A_535 = arith.constant 4032 : i32
        %parallel_loop3A_536 = vector.broadcast %parallel_loop3A_535 : i32 to vector<16xi32>
        %parallel_loop3A_537 = arith.addi %parallel_loop3A_465, %parallel_loop3A_536 : vector<16xi32>
        %parallel_loop3A_538 = tpu.vector_load_idx %arg6[%parallel_loop3A_537] : memref<6400xf32, #tpu.memory_space<vmem>>[vector<16xi32>], vector<16xf32>,
        %parallel_loop3A_539 = arith.constant 4320 : i32
        %parallel_loop3A_540 = vector.broadcast %parallel_loop3A_539 : i32 to vector<16xi32>
        %parallel_loop3A_541 = arith.addi %parallel_loop3A_465, %parallel_loop3A_540 : vector<16xi32>
        %parallel_loop3A_542 = tpu.vector_load_idx %arg6[%parallel_loop3A_541] : memref<6400xf32, #tpu.memory_space<vmem>>[vector<16xi32>], vector<16xf32>,
        %parallel_loop3A_543 = arith.constant 0 : i32
        %parallel_loop3A_544 = vector.broadcast %parallel_loop3A_543 : i32 to vector<16xi32>
        %parallel_loop3A_545 = arith.addi %parallel_loop3A_478, %parallel_loop3A_544 : vector<16xi32>
        %parallel_loop3A_546 = tpu.vector_load_idx %arg6[%parallel_loop3A_545] : memref<6400xf32, #tpu.memory_space<vmem>>[vector<16xi32>], vector<16xf32>,
        %parallel_loop3A_547 = arith.constant 112 : i32
        %parallel_loop3A_548 = vector.broadcast %parallel_loop3A_547 : i32 to vector<16xi32>
        %parallel_loop3A_549 = arith.addi %parallel_loop3A_478, %parallel_loop3A_548 : vector<16xi32>
        %parallel_loop3A_550 = tpu.vector_load_idx %arg6[%parallel_loop3A_549] : memref<6400xf32, #tpu.memory_space<vmem>>[vector<16xi32>], vector<16xf32>,
        %parallel_loop3A_551 = arith.constant 224 : i32
        %parallel_loop3A_552 = vector.broadcast %parallel_loop3A_551 : i32 to vector<16xi32>
        %parallel_loop3A_553 = arith.addi %parallel_loop3A_478, %parallel_loop3A_552 : vector<16xi32>
        %parallel_loop3A_554 = tpu.vector_load_idx %arg6[%parallel_loop3A_553] : memref<6400xf32, #tpu.memory_space<vmem>>[vector<16xi32>], vector<16xf32>,
        %parallel_loop3A_555 = arith.constant 336 : i32
        %parallel_loop3A_556 = vector.broadcast %parallel_loop3A_555 : i32 to vector<16xi32>
        %parallel_loop3A_557 = arith.addi %parallel_loop3A_478, %parallel_loop3A_556 : vector<16xi32>
        %parallel_loop3A_558 = tpu.vector_load_idx %arg6[%parallel_loop3A_557] : memref<6400xf32, #tpu.memory_space<vmem>>[vector<16xi32>], vector<16xf32>,
        %parallel_loop3A_559 = arith.constant 448 : i32
        %parallel_loop3A_560 = vector.broadcast %parallel_loop3A_559 : i32 to vector<16xi32>
        %parallel_loop3A_561 = arith.addi %parallel_loop3A_478, %parallel_loop3A_560 : vector<16xi32>
        %parallel_loop3A_562 = tpu.vector_load_idx %arg6[%parallel_loop3A_561] : memref<6400xf32, #tpu.memory_space<vmem>>[vector<16xi32>], vector<16xf32>,
        %parallel_loop3A_563 = arith.constant 560 : i32
        %parallel_loop3A_564 = vector.broadcast %parallel_loop3A_563 : i32 to vector<16xi32>
        %parallel_loop3A_565 = arith.addi %parallel_loop3A_478, %parallel_loop3A_564 : vector<16xi32>
        %parallel_loop3A_566 = tpu.vector_load_idx %arg6[%parallel_loop3A_565] : memref<6400xf32, #tpu.memory_space<vmem>>[vector<16xi32>], vector<16xf32>,
        %parallel_loop3A_567 = arith.constant 672 : i32
        %parallel_loop3A_568 = vector.broadcast %parallel_loop3A_567 : i32 to vector<16xi32>
        %parallel_loop3A_569 = arith.addi %parallel_loop3A_478, %parallel_loop3A_568 : vector<16xi32>
        %parallel_loop3A_570 = tpu.vector_load_idx %arg6[%parallel_loop3A_569] : memref<6400xf32, #tpu.memory_space<vmem>>[vector<16xi32>], vector<16xf32>,
        %parallel_loop3A_571 = arith.constant 784 : i32
        %parallel_loop3A_572 = vector.broadcast %parallel_loop3A_571 : i32 to vector<16xi32>
        %parallel_loop3A_573 = arith.addi %parallel_loop3A_478, %parallel_loop3A_572 : vector<16xi32>
        %parallel_loop3A_574 = tpu.vector_load_idx %arg6[%parallel_loop3A_573] : memref<6400xf32, #tpu.memory_space<vmem>>[vector<16xi32>], vector<16xf32>,
        %parallel_loop3A_575 = arith.constant 896 : i32
        %parallel_loop3A_576 = vector.broadcast %parallel_loop3A_575 : i32 to vector<16xi32>
        %parallel_loop3A_577 = arith.addi %parallel_loop3A_478, %parallel_loop3A_576 : vector<16xi32>
        %parallel_loop3A_578 = tpu.vector_load_idx %arg6[%parallel_loop3A_577] : memref<6400xf32, #tpu.memory_space<vmem>>[vector<16xi32>], vector<16xf32>,
        %parallel_loop3A_579 = arith.constant 1008 : i32
        %parallel_loop3A_580 = vector.broadcast %parallel_loop3A_579 : i32 to vector<16xi32>
        %parallel_loop3A_581 = arith.addi %parallel_loop3A_478, %parallel_loop3A_580 : vector<16xi32>
        %parallel_loop3A_582 = tpu.vector_load_idx %arg6[%parallel_loop3A_581] : memref<6400xf32, #tpu.memory_space<vmem>>[vector<16xi32>], vector<16xf32>,
        %parallel_loop3A_583 = arith.constant 1120 : i32
        %parallel_loop3A_584 = vector.broadcast %parallel_loop3A_583 : i32 to vector<16xi32>
        %parallel_loop3A_585 = arith.addi %parallel_loop3A_478, %parallel_loop3A_584 : vector<16xi32>
        %parallel_loop3A_586 = tpu.vector_load_idx %arg6[%parallel_loop3A_585] : memref<6400xf32, #tpu.memory_space<vmem>>[vector<16xi32>], vector<16xf32>,
        %parallel_loop3A_587 = arith.constant 1232 : i32
        %parallel_loop3A_588 = vector.broadcast %parallel_loop3A_587 : i32 to vector<16xi32>
        %parallel_loop3A_589 = arith.addi %parallel_loop3A_478, %parallel_loop3A_588 : vector<16xi32>
        %parallel_loop3A_590 = tpu.vector_load_idx %arg6[%parallel_loop3A_589] : memref<6400xf32, #tpu.memory_space<vmem>>[vector<16xi32>], vector<16xf32>,
        %parallel_loop3A_591 = arith.constant 1344 : i32
        %parallel_loop3A_592 = vector.broadcast %parallel_loop3A_591 : i32 to vector<16xi32>
        %parallel_loop3A_593 = arith.addi %parallel_loop3A_478, %parallel_loop3A_592 : vector<16xi32>
        %parallel_loop3A_594 = tpu.vector_load_idx %arg6[%parallel_loop3A_593] : memref<6400xf32, #tpu.memory_space<vmem>>[vector<16xi32>], vector<16xf32>,
        %parallel_loop3A_595 = arith.constant 1456 : i32
        %parallel_loop3A_596 = vector.broadcast %parallel_loop3A_595 : i32 to vector<16xi32>
        %parallel_loop3A_597 = arith.addi %parallel_loop3A_478, %parallel_loop3A_596 : vector<16xi32>
        %parallel_loop3A_598 = tpu.vector_load_idx %arg6[%parallel_loop3A_597] : memref<6400xf32, #tpu.memory_space<vmem>>[vector<16xi32>], vector<16xf32>,
        %parallel_loop3A_599 = arith.constant 1568 : i32
        %parallel_loop3A_600 = vector.broadcast %parallel_loop3A_599 : i32 to vector<16xi32>
        %parallel_loop3A_601 = arith.addi %parallel_loop3A_478, %parallel_loop3A_600 : vector<16xi32>
        %parallel_loop3A_602 = tpu.vector_load_idx %arg6[%parallel_loop3A_601] : memref<6400xf32, #tpu.memory_space<vmem>>[vector<16xi32>], vector<16xf32>,
        %parallel_loop3A_603 = arith.constant 1680 : i32
        %parallel_loop3A_604 = vector.broadcast %parallel_loop3A_603 : i32 to vector<16xi32>
        %parallel_loop3A_605 = arith.addi %parallel_loop3A_478, %parallel_loop3A_604 : vector<16xi32>
        %parallel_loop3A_606 = tpu.vector_load_idx %arg6[%parallel_loop3A_605] : memref<6400xf32, #tpu.memory_space<vmem>>[vector<16xi32>], vector<16xf32>,
        %parallel_loop3A_607 = arith.constant 0 : i32
        %parallel_loop3A_608 = arith.constant 0 : i32
        %parallel_loop3A_609 = arith.index_cast %parallel_loop3A_607 : i32 to index
        %parallel_loop3A_610 = arith.index_cast %parallel_loop3A_443 : i32 to index
        %parallel_loop3A_611 = arith.index_cast %parallel_loop3A_608 : i32 to index
        %parallel_loop3A_612 = arith.index_cast %parallel_loop3A_447 : i32 to index
        %parallel_loop3A_613 = tpu.vector_load %arg12[%parallel_loop3A_609, %parallel_loop3A_610, %parallel_loop3A_611, %parallel_loop3A_612] {strides = array<i32>} : memref<4x8x8x128xf32, #tpu.memory_space<vmem>>, vector<16xf32>,
        tpu.vector_store %arg12[%parallel_loop3A_609, %parallel_loop3A_610, %parallel_loop3A_611, %parallel_loop3A_612], %parallel_loop3A_482 {strides = array<i32>} : memref<4x8x8x128xf32, #tpu.memory_space<vmem>>, vector<16xf32>,
        %parallel_loop3A_614 = arith.constant 0 : i32
        %parallel_loop3A_615 = arith.constant 1 : i32
        %parallel_loop3A_616 = arith.index_cast %parallel_loop3A_614 : i32 to index
        %parallel_loop3A_617 = arith.index_cast %parallel_loop3A_443 : i32 to index
        %parallel_loop3A_618 = arith.index_cast %parallel_loop3A_615 : i32 to index
        %parallel_loop3A_619 = arith.index_cast %parallel_loop3A_447 : i32 to index
        %parallel_loop3A_620 = tpu.vector_load %arg12[%parallel_loop3A_616, %parallel_loop3A_617, %parallel_loop3A_618, %parallel_loop3A_619] {strides = array<i32>} : memref<4x8x8x128xf32, #tpu.memory_space<vmem>>, vector<16xf32>,
        tpu.vector_store %arg12[%parallel_loop3A_616, %parallel_loop3A_617, %parallel_loop3A_618, %parallel_loop3A_619], %parallel_loop3A_486 {strides = array<i32>} : memref<4x8x8x128xf32, #tpu.memory_space<vmem>>, vector<16xf32>,
        %parallel_loop3A_621 = arith.constant 0 : i32
        %parallel_loop3A_622 = arith.constant 2 : i32
        %parallel_loop3A_623 = arith.index_cast %parallel_loop3A_621 : i32 to index
        %parallel_loop3A_624 = arith.index_cast %parallel_loop3A_443 : i32 to index
        %parallel_loop3A_625 = arith.index_cast %parallel_loop3A_622 : i32 to index
        %parallel_loop3A_626 = arith.index_cast %parallel_loop3A_447 : i32 to index
        %parallel_loop3A_627 = tpu.vector_load %arg12[%parallel_loop3A_623, %parallel_loop3A_624, %parallel_loop3A_625, %parallel_loop3A_626] {strides = array<i32>} : memref<4x8x8x128xf32, #tpu.memory_space<vmem>>, vector<16xf32>,
        tpu.vector_store %arg12[%parallel_loop3A_623, %parallel_loop3A_624, %parallel_loop3A_625, %parallel_loop3A_626], %parallel_loop3A_490 {strides = array<i32>} : memref<4x8x8x128xf32, #tpu.memory_space<vmem>>, vector<16xf32>,
        %parallel_loop3A_628 = arith.constant 0 : i32
        %parallel_loop3A_629 = arith.constant 3 : i32
        %parallel_loop3A_630 = arith.index_cast %parallel_loop3A_628 : i32 to index
        %parallel_loop3A_631 = arith.index_cast %parallel_loop3A_443 : i32 to index
        %parallel_loop3A_632 = arith.index_cast %parallel_loop3A_629 : i32 to index
        %parallel_loop3A_633 = arith.index_cast %parallel_loop3A_447 : i32 to index
        %parallel_loop3A_634 = tpu.vector_load %arg12[%parallel_loop3A_630, %parallel_loop3A_631, %parallel_loop3A_632, %parallel_loop3A_633] {strides = array<i32>} : memref<4x8x8x128xf32, #tpu.memory_space<vmem>>, vector<16xf32>,
        tpu.vector_store %arg12[%parallel_loop3A_630, %parallel_loop3A_631, %parallel_loop3A_632, %parallel_loop3A_633], %parallel_loop3A_494 {strides = array<i32>} : memref<4x8x8x128xf32, #tpu.memory_space<vmem>>, vector<16xf32>,
        %parallel_loop3A_635 = arith.constant 0 : i32
        %parallel_loop3A_636 = arith.constant 4 : i32
        %parallel_loop3A_637 = arith.index_cast %parallel_loop3A_635 : i32 to index
        %parallel_loop3A_638 = arith.index_cast %parallel_loop3A_443 : i32 to index
        %parallel_loop3A_639 = arith.index_cast %parallel_loop3A_636 : i32 to index
        %parallel_loop3A_640 = arith.index_cast %parallel_loop3A_447 : i32 to index
        %parallel_loop3A_641 = tpu.vector_load %arg12[%parallel_loop3A_637, %parallel_loop3A_638, %parallel_loop3A_639, %parallel_loop3A_640] {strides = array<i32>} : memref<4x8x8x128xf32, #tpu.memory_space<vmem>>, vector<16xf32>,
        tpu.vector_store %arg12[%parallel_loop3A_637, %parallel_loop3A_638, %parallel_loop3A_639, %parallel_loop3A_640], %parallel_loop3A_498 {strides = array<i32>} : memref<4x8x8x128xf32, #tpu.memory_space<vmem>>, vector<16xf32>,
        %parallel_loop3A_642 = arith.constant 0 : i32
        %parallel_loop3A_643 = arith.constant 5 : i32
        %parallel_loop3A_644 = arith.index_cast %parallel_loop3A_642 : i32 to index
        %parallel_loop3A_645 = arith.index_cast %parallel_loop3A_443 : i32 to index
        %parallel_loop3A_646 = arith.index_cast %parallel_loop3A_643 : i32 to index
        %parallel_loop3A_647 = arith.index_cast %parallel_loop3A_447 : i32 to index
        %parallel_loop3A_648 = tpu.vector_load %arg12[%parallel_loop3A_644, %parallel_loop3A_645, %parallel_loop3A_646, %parallel_loop3A_647] {strides = array<i32>} : memref<4x8x8x128xf32, #tpu.memory_space<vmem>>, vector<16xf32>,
        tpu.vector_store %arg12[%parallel_loop3A_644, %parallel_loop3A_645, %parallel_loop3A_646, %parallel_loop3A_647], %parallel_loop3A_502 {strides = array<i32>} : memref<4x8x8x128xf32, #tpu.memory_space<vmem>>, vector<16xf32>,
        %parallel_loop3A_649 = arith.constant 0 : i32
        %parallel_loop3A_650 = arith.constant 6 : i32
        %parallel_loop3A_651 = arith.index_cast %parallel_loop3A_649 : i32 to index
        %parallel_loop3A_652 = arith.index_cast %parallel_loop3A_443 : i32 to index
        %parallel_loop3A_653 = arith.index_cast %parallel_loop3A_650 : i32 to index
        %parallel_loop3A_654 = arith.index_cast %parallel_loop3A_447 : i32 to index
        %parallel_loop3A_655 = tpu.vector_load %arg12[%parallel_loop3A_651, %parallel_loop3A_652, %parallel_loop3A_653, %parallel_loop3A_654] {strides = array<i32>} : memref<4x8x8x128xf32, #tpu.memory_space<vmem>>, vector<16xf32>,
        tpu.vector_store %arg12[%parallel_loop3A_651, %parallel_loop3A_652, %parallel_loop3A_653, %parallel_loop3A_654], %parallel_loop3A_506 {strides = array<i32>} : memref<4x8x8x128xf32, #tpu.memory_space<vmem>>, vector<16xf32>,
        %parallel_loop3A_656 = arith.constant 0 : i32
        %parallel_loop3A_657 = arith.constant 7 : i32
        %parallel_loop3A_658 = arith.index_cast %parallel_loop3A_656 : i32 to index
        %parallel_loop3A_659 = arith.index_cast %parallel_loop3A_443 : i32 to index
        %parallel_loop3A_660 = arith.index_cast %parallel_loop3A_657 : i32 to index
        %parallel_loop3A_661 = arith.index_cast %parallel_loop3A_447 : i32 to index
        %parallel_loop3A_662 = tpu.vector_load %arg12[%parallel_loop3A_658, %parallel_loop3A_659, %parallel_loop3A_660, %parallel_loop3A_661] {strides = array<i32>} : memref<4x8x8x128xf32, #tpu.memory_space<vmem>>, vector<16xf32>,
        tpu.vector_store %arg12[%parallel_loop3A_658, %parallel_loop3A_659, %parallel_loop3A_660, %parallel_loop3A_661], %parallel_loop3A_510 {strides = array<i32>} : memref<4x8x8x128xf32, #tpu.memory_space<vmem>>, vector<16xf32>,
        %parallel_loop3A_663 = arith.constant 1 : i32
        %parallel_loop3A_664 = arith.constant 0 : i32
        %parallel_loop3A_665 = arith.index_cast %parallel_loop3A_663 : i32 to index
        %parallel_loop3A_666 = arith.index_cast %parallel_loop3A_443 : i32 to index
        %parallel_loop3A_667 = arith.index_cast %parallel_loop3A_664 : i32 to index
        %parallel_loop3A_668 = arith.index_cast %parallel_loop3A_447 : i32 to index
        %parallel_loop3A_669 = tpu.vector_load %arg12[%parallel_loop3A_665, %parallel_loop3A_666, %parallel_loop3A_667, %parallel_loop3A_668] {strides = array<i32>} : memref<4x8x8x128xf32, #tpu.memory_space<vmem>>, vector<16xf32>,
        tpu.vector_store %arg12[%parallel_loop3A_665, %parallel_loop3A_666, %parallel_loop3A_667, %parallel_loop3A_668], %parallel_loop3A_514 {strides = array<i32>} : memref<4x8x8x128xf32, #tpu.memory_space<vmem>>, vector<16xf32>,
        %parallel_loop3A_670 = arith.constant 1 : i32
        %parallel_loop3A_671 = arith.constant 1 : i32
        %parallel_loop3A_672 = arith.index_cast %parallel_loop3A_670 : i32 to index
        %parallel_loop3A_673 = arith.index_cast %parallel_loop3A_443 : i32 to index
        %parallel_loop3A_674 = arith.index_cast %parallel_loop3A_671 : i32 to index
        %parallel_loop3A_675 = arith.index_cast %parallel_loop3A_447 : i32 to index
        %parallel_loop3A_676 = tpu.vector_load %arg12[%parallel_loop3A_672, %parallel_loop3A_673, %parallel_loop3A_674, %parallel_loop3A_675] {strides = array<i32>} : memref<4x8x8x128xf32, #tpu.memory_space<vmem>>, vector<16xf32>,
        tpu.vector_store %arg12[%parallel_loop3A_672, %parallel_loop3A_673, %parallel_loop3A_674, %parallel_loop3A_675], %parallel_loop3A_518 {strides = array<i32>} : memref<4x8x8x128xf32, #tpu.memory_space<vmem>>, vector<16xf32>,
        %parallel_loop3A_677 = arith.constant 1 : i32
        %parallel_loop3A_678 = arith.constant 2 : i32
        %parallel_loop3A_679 = arith.index_cast %parallel_loop3A_677 : i32 to index
        %parallel_loop3A_680 = arith.index_cast %parallel_loop3A_443 : i32 to index
        %parallel_loop3A_681 = arith.index_cast %parallel_loop3A_678 : i32 to index
        %parallel_loop3A_682 = arith.index_cast %parallel_loop3A_447 : i32 to index
        %parallel_loop3A_683 = tpu.vector_load %arg12[%parallel_loop3A_679, %parallel_loop3A_680, %parallel_loop3A_681, %parallel_loop3A_682] {strides = array<i32>} : memref<4x8x8x128xf32, #tpu.memory_space<vmem>>, vector<16xf32>,
        tpu.vector_store %arg12[%parallel_loop3A_679, %parallel_loop3A_680, %parallel_loop3A_681, %parallel_loop3A_682], %parallel_loop3A_522 {strides = array<i32>} : memref<4x8x8x128xf32, #tpu.memory_space<vmem>>, vector<16xf32>,
        %parallel_loop3A_684 = arith.constant 1 : i32
        %parallel_loop3A_685 = arith.constant 3 : i32
        %parallel_loop3A_686 = arith.index_cast %parallel_loop3A_684 : i32 to index
        %parallel_loop3A_687 = arith.index_cast %parallel_loop3A_443 : i32 to index
        %parallel_loop3A_688 = arith.index_cast %parallel_loop3A_685 : i32 to index
        %parallel_loop3A_689 = arith.index_cast %parallel_loop3A_447 : i32 to index
        %parallel_loop3A_690 = tpu.vector_load %arg12[%parallel_loop3A_686, %parallel_loop3A_687, %parallel_loop3A_688, %parallel_loop3A_689] {strides = array<i32>} : memref<4x8x8x128xf32, #tpu.memory_space<vmem>>, vector<16xf32>,
        tpu.vector_store %arg12[%parallel_loop3A_686, %parallel_loop3A_687, %parallel_loop3A_688, %parallel_loop3A_689], %parallel_loop3A_526 {strides = array<i32>} : memref<4x8x8x128xf32, #tpu.memory_space<vmem>>, vector<16xf32>,
        %parallel_loop3A_691 = arith.constant 1 : i32
        %parallel_loop3A_692 = arith.constant 4 : i32
        %parallel_loop3A_693 = arith.index_cast %parallel_loop3A_691 : i32 to index
        %parallel_loop3A_694 = arith.index_cast %parallel_loop3A_443 : i32 to index
        %parallel_loop3A_695 = arith.index_cast %parallel_loop3A_692 : i32 to index
        %parallel_loop3A_696 = arith.index_cast %parallel_loop3A_447 : i32 to index
        %parallel_loop3A_697 = tpu.vector_load %arg12[%parallel_loop3A_693, %parallel_loop3A_694, %parallel_loop3A_695, %parallel_loop3A_696] {strides = array<i32>} : memref<4x8x8x128xf32, #tpu.memory_space<vmem>>, vector<16xf32>,
        tpu.vector_store %arg12[%parallel_loop3A_693, %parallel_loop3A_694, %parallel_loop3A_695, %parallel_loop3A_696], %parallel_loop3A_530 {strides = array<i32>} : memref<4x8x8x128xf32, #tpu.memory_space<vmem>>, vector<16xf32>,
        %parallel_loop3A_698 = arith.constant 1 : i32
        %parallel_loop3A_699 = arith.constant 5 : i32
        %parallel_loop3A_700 = arith.index_cast %parallel_loop3A_698 : i32 to index
        %parallel_loop3A_701 = arith.index_cast %parallel_loop3A_443 : i32 to index
        %parallel_loop3A_702 = arith.index_cast %parallel_loop3A_699 : i32 to index
        %parallel_loop3A_703 = arith.index_cast %parallel_loop3A_447 : i32 to index
        %parallel_loop3A_704 = tpu.vector_load %arg12[%parallel_loop3A_700, %parallel_loop3A_701, %parallel_loop3A_702, %parallel_loop3A_703] {strides = array<i32>} : memref<4x8x8x128xf32, #tpu.memory_space<vmem>>, vector<16xf32>,
        tpu.vector_store %arg12[%parallel_loop3A_700, %parallel_loop3A_701, %parallel_loop3A_702, %parallel_loop3A_703], %parallel_loop3A_534 {strides = array<i32>} : memref<4x8x8x128xf32, #tpu.memory_space<vmem>>, vector<16xf32>,
        %parallel_loop3A_705 = arith.constant 1 : i32
        %parallel_loop3A_706 = arith.constant 6 : i32
        %parallel_loop3A_707 = arith.index_cast %parallel_loop3A_705 : i32 to index
        %parallel_loop3A_708 = arith.index_cast %parallel_loop3A_443 : i32 to index
        %parallel_loop3A_709 = arith.index_cast %parallel_loop3A_706 : i32 to index
        %parallel_loop3A_710 = arith.index_cast %parallel_loop3A_447 : i32 to index
        %parallel_loop3A_711 = tpu.vector_load %arg12[%parallel_loop3A_707, %parallel_loop3A_708, %parallel_loop3A_709, %parallel_loop3A_710] {strides = array<i32>} : memref<4x8x8x128xf32, #tpu.memory_space<vmem>>, vector<16xf32>,
        tpu.vector_store %arg12[%parallel_loop3A_707, %parallel_loop3A_708, %parallel_loop3A_709, %parallel_loop3A_710], %parallel_loop3A_538 {strides = array<i32>} : memref<4x8x8x128xf32, #tpu.memory_space<vmem>>, vector<16xf32>,
        %parallel_loop3A_712 = arith.constant 1 : i32
        %parallel_loop3A_713 = arith.constant 7 : i32
        %parallel_loop3A_714 = arith.index_cast %parallel_loop3A_712 : i32 to index
        %parallel_loop3A_715 = arith.index_cast %parallel_loop3A_443 : i32 to index
        %parallel_loop3A_716 = arith.index_cast %parallel_loop3A_713 : i32 to index
        %parallel_loop3A_717 = arith.index_cast %parallel_loop3A_447 : i32 to index
        %parallel_loop3A_718 = tpu.vector_load %arg12[%parallel_loop3A_714, %parallel_loop3A_715, %parallel_loop3A_716, %parallel_loop3A_717] {strides = array<i32>} : memref<4x8x8x128xf32, #tpu.memory_space<vmem>>, vector<16xf32>,
        tpu.vector_store %arg12[%parallel_loop3A_714, %parallel_loop3A_715, %parallel_loop3A_716, %parallel_loop3A_717], %parallel_loop3A_542 {strides = array<i32>} : memref<4x8x8x128xf32, #tpu.memory_space<vmem>>, vector<16xf32>,
        %parallel_loop3A_719 = arith.constant 2 : i32
        %parallel_loop3A_720 = arith.constant 0 : i32
        %parallel_loop3A_721 = arith.index_cast %parallel_loop3A_719 : i32 to index
        %parallel_loop3A_722 = arith.index_cast %parallel_loop3A_443 : i32 to index
        %parallel_loop3A_723 = arith.index_cast %parallel_loop3A_720 : i32 to index
        %parallel_loop3A_724 = arith.index_cast %parallel_loop3A_447 : i32 to index
        %parallel_loop3A_725 = tpu.vector_load %arg12[%parallel_loop3A_721, %parallel_loop3A_722, %parallel_loop3A_723, %parallel_loop3A_724] {strides = array<i32>} : memref<4x8x8x128xf32, #tpu.memory_space<vmem>>, vector<16xf32>,
        tpu.vector_store %arg12[%parallel_loop3A_721, %parallel_loop3A_722, %parallel_loop3A_723, %parallel_loop3A_724], %parallel_loop3A_546 {strides = array<i32>} : memref<4x8x8x128xf32, #tpu.memory_space<vmem>>, vector<16xf32>,
        %parallel_loop3A_726 = arith.constant 2 : i32
        %parallel_loop3A_727 = arith.constant 1 : i32
        %parallel_loop3A_728 = arith.index_cast %parallel_loop3A_726 : i32 to index
        %parallel_loop3A_729 = arith.index_cast %parallel_loop3A_443 : i32 to index
        %parallel_loop3A_730 = arith.index_cast %parallel_loop3A_727 : i32 to index
        %parallel_loop3A_731 = arith.index_cast %parallel_loop3A_447 : i32 to index
        %parallel_loop3A_732 = tpu.vector_load %arg12[%parallel_loop3A_728, %parallel_loop3A_729, %parallel_loop3A_730, %parallel_loop3A_731] {strides = array<i32>} : memref<4x8x8x128xf32, #tpu.memory_space<vmem>>, vector<16xf32>,
        tpu.vector_store %arg12[%parallel_loop3A_728, %parallel_loop3A_729, %parallel_loop3A_730, %parallel_loop3A_731], %parallel_loop3A_550 {strides = array<i32>} : memref<4x8x8x128xf32, #tpu.memory_space<vmem>>, vector<16xf32>,
        %parallel_loop3A_733 = arith.constant 2 : i32
        %parallel_loop3A_734 = arith.constant 2 : i32
        %parallel_loop3A_735 = arith.index_cast %parallel_loop3A_733 : i32 to index
        %parallel_loop3A_736 = arith.index_cast %parallel_loop3A_443 : i32 to index
        %parallel_loop3A_737 = arith.index_cast %parallel_loop3A_734 : i32 to index
        %parallel_loop3A_738 = arith.index_cast %parallel_loop3A_447 : i32 to index
        %parallel_loop3A_739 = tpu.vector_load %arg12[%parallel_loop3A_735, %parallel_loop3A_736, %parallel_loop3A_737, %parallel_loop3A_738] {strides = array<i32>} : memref<4x8x8x128xf32, #tpu.memory_space<vmem>>, vector<16xf32>,
        tpu.vector_store %arg12[%parallel_loop3A_735, %parallel_loop3A_736, %parallel_loop3A_737, %parallel_loop3A_738], %parallel_loop3A_554 {strides = array<i32>} : memref<4x8x8x128xf32, #tpu.memory_space<vmem>>, vector<16xf32>,
        %parallel_loop3A_740 = arith.constant 2 : i32
        %parallel_loop3A_741 = arith.constant 3 : i32
        %parallel_loop3A_742 = arith.index_cast %parallel_loop3A_740 : i32 to index
        %parallel_loop3A_743 = arith.index_cast %parallel_loop3A_443 : i32 to index
        %parallel_loop3A_744 = arith.index_cast %parallel_loop3A_741 : i32 to index
        %parallel_loop3A_745 = arith.index_cast %parallel_loop3A_447 : i32 to index
        %parallel_loop3A_746 = tpu.vector_load %arg12[%parallel_loop3A_742, %parallel_loop3A_743, %parallel_loop3A_744, %parallel_loop3A_745] {strides = array<i32>} : memref<4x8x8x128xf32, #tpu.memory_space<vmem>>, vector<16xf32>,
        tpu.vector_store %arg12[%parallel_loop3A_742, %parallel_loop3A_743, %parallel_loop3A_744, %parallel_loop3A_745], %parallel_loop3A_558 {strides = array<i32>} : memref<4x8x8x128xf32, #tpu.memory_space<vmem>>, vector<16xf32>,
        %parallel_loop3A_747 = arith.constant 2 : i32
        %parallel_loop3A_748 = arith.constant 4 : i32
        %parallel_loop3A_749 = arith.index_cast %parallel_loop3A_747 : i32 to index
        %parallel_loop3A_750 = arith.index_cast %parallel_loop3A_443 : i32 to index
        %parallel_loop3A_751 = arith.index_cast %parallel_loop3A_748 : i32 to index
        %parallel_loop3A_752 = arith.index_cast %parallel_loop3A_447 : i32 to index
        %parallel_loop3A_753 = tpu.vector_load %arg12[%parallel_loop3A_749, %parallel_loop3A_750, %parallel_loop3A_751, %parallel_loop3A_752] {strides = array<i32>} : memref<4x8x8x128xf32, #tpu.memory_space<vmem>>, vector<16xf32>,
        tpu.vector_store %arg12[%parallel_loop3A_749, %parallel_loop3A_750, %parallel_loop3A_751, %parallel_loop3A_752], %parallel_loop3A_562 {strides = array<i32>} : memref<4x8x8x128xf32, #tpu.memory_space<vmem>>, vector<16xf32>,
        %parallel_loop3A_754 = arith.constant 2 : i32
        %parallel_loop3A_755 = arith.constant 5 : i32
        %parallel_loop3A_756 = arith.index_cast %parallel_loop3A_754 : i32 to index
        %parallel_loop3A_757 = arith.index_cast %parallel_loop3A_443 : i32 to index
        %parallel_loop3A_758 = arith.index_cast %parallel_loop3A_755 : i32 to index
        %parallel_loop3A_759 = arith.index_cast %parallel_loop3A_447 : i32 to index
        %parallel_loop3A_760 = tpu.vector_load %arg12[%parallel_loop3A_756, %parallel_loop3A_757, %parallel_loop3A_758, %parallel_loop3A_759] {strides = array<i32>} : memref<4x8x8x128xf32, #tpu.memory_space<vmem>>, vector<16xf32>,
        tpu.vector_store %arg12[%parallel_loop3A_756, %parallel_loop3A_757, %parallel_loop3A_758, %parallel_loop3A_759], %parallel_loop3A_566 {strides = array<i32>} : memref<4x8x8x128xf32, #tpu.memory_space<vmem>>, vector<16xf32>,
        %parallel_loop3A_761 = arith.constant 2 : i32
        %parallel_loop3A_762 = arith.constant 6 : i32
        %parallel_loop3A_763 = arith.index_cast %parallel_loop3A_761 : i32 to index
        %parallel_loop3A_764 = arith.index_cast %parallel_loop3A_443 : i32 to index
        %parallel_loop3A_765 = arith.index_cast %parallel_loop3A_762 : i32 to index
        %parallel_loop3A_766 = arith.index_cast %parallel_loop3A_447 : i32 to index
        %parallel_loop3A_767 = tpu.vector_load %arg12[%parallel_loop3A_763, %parallel_loop3A_764, %parallel_loop3A_765, %parallel_loop3A_766] {strides = array<i32>} : memref<4x8x8x128xf32, #tpu.memory_space<vmem>>, vector<16xf32>,
        tpu.vector_store %arg12[%parallel_loop3A_763, %parallel_loop3A_764, %parallel_loop3A_765, %parallel_loop3A_766], %parallel_loop3A_570 {strides = array<i32>} : memref<4x8x8x128xf32, #tpu.memory_space<vmem>>, vector<16xf32>,
        %parallel_loop3A_768 = arith.constant 2 : i32
        %parallel_loop3A_769 = arith.constant 7 : i32
        %parallel_loop3A_770 = arith.index_cast %parallel_loop3A_768 : i32 to index
        %parallel_loop3A_771 = arith.index_cast %parallel_loop3A_443 : i32 to index
        %parallel_loop3A_772 = arith.index_cast %parallel_loop3A_769 : i32 to index
        %parallel_loop3A_773 = arith.index_cast %parallel_loop3A_447 : i32 to index
        %parallel_loop3A_774 = tpu.vector_load %arg12[%parallel_loop3A_770, %parallel_loop3A_771, %parallel_loop3A_772, %parallel_loop3A_773] {strides = array<i32>} : memref<4x8x8x128xf32, #tpu.memory_space<vmem>>, vector<16xf32>,
        tpu.vector_store %arg12[%parallel_loop3A_770, %parallel_loop3A_771, %parallel_loop3A_772, %parallel_loop3A_773], %parallel_loop3A_574 {strides = array<i32>} : memref<4x8x8x128xf32, #tpu.memory_space<vmem>>, vector<16xf32>,
        %parallel_loop3A_775 = arith.constant 3 : i32
        %parallel_loop3A_776 = arith.constant 0 : i32
        %parallel_loop3A_777 = arith.index_cast %parallel_loop3A_775 : i32 to index
        %parallel_loop3A_778 = arith.index_cast %parallel_loop3A_443 : i32 to index
        %parallel_loop3A_779 = arith.index_cast %parallel_loop3A_776 : i32 to index
        %parallel_loop3A_780 = arith.index_cast %parallel_loop3A_447 : i32 to index
        %parallel_loop3A_781 = tpu.vector_load %arg12[%parallel_loop3A_777, %parallel_loop3A_778, %parallel_loop3A_779, %parallel_loop3A_780] {strides = array<i32>} : memref<4x8x8x128xf32, #tpu.memory_space<vmem>>, vector<16xf32>,
        tpu.vector_store %arg12[%parallel_loop3A_777, %parallel_loop3A_778, %parallel_loop3A_779, %parallel_loop3A_780], %parallel_loop3A_578 {strides = array<i32>} : memref<4x8x8x128xf32, #tpu.memory_space<vmem>>, vector<16xf32>,
        %parallel_loop3A_782 = arith.constant 3 : i32
        %parallel_loop3A_783 = arith.constant 1 : i32
        %parallel_loop3A_784 = arith.index_cast %parallel_loop3A_782 : i32 to index
        %parallel_loop3A_785 = arith.index_cast %parallel_loop3A_443 : i32 to index
        %parallel_loop3A_786 = arith.index_cast %parallel_loop3A_783 : i32 to index
        %parallel_loop3A_787 = arith.index_cast %parallel_loop3A_447 : i32 to index
        %parallel_loop3A_788 = tpu.vector_load %arg12[%parallel_loop3A_784, %parallel_loop3A_785, %parallel_loop3A_786, %parallel_loop3A_787] {strides = array<i32>} : memref<4x8x8x128xf32, #tpu.memory_space<vmem>>, vector<16xf32>,
        tpu.vector_store %arg12[%parallel_loop3A_784, %parallel_loop3A_785, %parallel_loop3A_786, %parallel_loop3A_787], %parallel_loop3A_582 {strides = array<i32>} : memref<4x8x8x128xf32, #tpu.memory_space<vmem>>, vector<16xf32>,
        %parallel_loop3A_789 = arith.constant 3 : i32
        %parallel_loop3A_790 = arith.constant 2 : i32
        %parallel_loop3A_791 = arith.index_cast %parallel_loop3A_789 : i32 to index
        %parallel_loop3A_792 = arith.index_cast %parallel_loop3A_443 : i32 to index
        %parallel_loop3A_793 = arith.index_cast %parallel_loop3A_790 : i32 to index
        %parallel_loop3A_794 = arith.index_cast %parallel_loop3A_447 : i32 to index
        %parallel_loop3A_795 = tpu.vector_load %arg12[%parallel_loop3A_791, %parallel_loop3A_792, %parallel_loop3A_793, %parallel_loop3A_794] {strides = array<i32>} : memref<4x8x8x128xf32, #tpu.memory_space<vmem>>, vector<16xf32>,
        tpu.vector_store %arg12[%parallel_loop3A_791, %parallel_loop3A_792, %parallel_loop3A_793, %parallel_loop3A_794], %parallel_loop3A_586 {strides = array<i32>} : memref<4x8x8x128xf32, #tpu.memory_space<vmem>>, vector<16xf32>,
        %parallel_loop3A_796 = arith.constant 3 : i32
        %parallel_loop3A_797 = arith.constant 3 : i32
        %parallel_loop3A_798 = arith.index_cast %parallel_loop3A_796 : i32 to index
        %parallel_loop3A_799 = arith.index_cast %parallel_loop3A_443 : i32 to index
        %parallel_loop3A_800 = arith.index_cast %parallel_loop3A_797 : i32 to index
        %parallel_loop3A_801 = arith.index_cast %parallel_loop3A_447 : i32 to index
        %parallel_loop3A_802 = tpu.vector_load %arg12[%parallel_loop3A_798, %parallel_loop3A_799, %parallel_loop3A_800, %parallel_loop3A_801] {strides = array<i32>} : memref<4x8x8x128xf32, #tpu.memory_space<vmem>>, vector<16xf32>,
        tpu.vector_store %arg12[%parallel_loop3A_798, %parallel_loop3A_799, %parallel_loop3A_800, %parallel_loop3A_801], %parallel_loop3A_590 {strides = array<i32>} : memref<4x8x8x128xf32, #tpu.memory_space<vmem>>, vector<16xf32>,
        %parallel_loop3A_803 = arith.constant 3 : i32
        %parallel_loop3A_804 = arith.constant 4 : i32
        %parallel_loop3A_805 = arith.index_cast %parallel_loop3A_803 : i32 to index
        %parallel_loop3A_806 = arith.index_cast %parallel_loop3A_443 : i32 to index
        %parallel_loop3A_807 = arith.index_cast %parallel_loop3A_804 : i32 to index
        %parallel_loop3A_808 = arith.index_cast %parallel_loop3A_447 : i32 to index
        %parallel_loop3A_809 = tpu.vector_load %arg12[%parallel_loop3A_805, %parallel_loop3A_806, %parallel_loop3A_807, %parallel_loop3A_808] {strides = array<i32>} : memref<4x8x8x128xf32, #tpu.memory_space<vmem>>, vector<16xf32>,
        tpu.vector_store %arg12[%parallel_loop3A_805, %parallel_loop3A_806, %parallel_loop3A_807, %parallel_loop3A_808], %parallel_loop3A_594 {strides = array<i32>} : memref<4x8x8x128xf32, #tpu.memory_space<vmem>>, vector<16xf32>,
        %parallel_loop3A_810 = arith.constant 3 : i32
        %parallel_loop3A_811 = arith.constant 5 : i32
        %parallel_loop3A_812 = arith.index_cast %parallel_loop3A_810 : i32 to index
        %parallel_loop3A_813 = arith.index_cast %parallel_loop3A_443 : i32 to index
        %parallel_loop3A_814 = arith.index_cast %parallel_loop3A_811 : i32 to index
        %parallel_loop3A_815 = arith.index_cast %parallel_loop3A_447 : i32 to index
        %parallel_loop3A_816 = tpu.vector_load %arg12[%parallel_loop3A_812, %parallel_loop3A_813, %parallel_loop3A_814, %parallel_loop3A_815] {strides = array<i32>} : memref<4x8x8x128xf32, #tpu.memory_space<vmem>>, vector<16xf32>,
        tpu.vector_store %arg12[%parallel_loop3A_812, %parallel_loop3A_813, %parallel_loop3A_814, %parallel_loop3A_815], %parallel_loop3A_598 {strides = array<i32>} : memref<4x8x8x128xf32, #tpu.memory_space<vmem>>, vector<16xf32>,
        %parallel_loop3A_817 = arith.constant 3 : i32
        %parallel_loop3A_818 = arith.constant 6 : i32
        %parallel_loop3A_819 = arith.index_cast %parallel_loop3A_817 : i32 to index
        %parallel_loop3A_820 = arith.index_cast %parallel_loop3A_443 : i32 to index
        %parallel_loop3A_821 = arith.index_cast %parallel_loop3A_818 : i32 to index
        %parallel_loop3A_822 = arith.index_cast %parallel_loop3A_447 : i32 to index
        %parallel_loop3A_823 = tpu.vector_load %arg12[%parallel_loop3A_819, %parallel_loop3A_820, %parallel_loop3A_821, %parallel_loop3A_822] {strides = array<i32>} : memref<4x8x8x128xf32, #tpu.memory_space<vmem>>, vector<16xf32>,
        tpu.vector_store %arg12[%parallel_loop3A_819, %parallel_loop3A_820, %parallel_loop3A_821, %parallel_loop3A_822], %parallel_loop3A_602 {strides = array<i32>} : memref<4x8x8x128xf32, #tpu.memory_space<vmem>>, vector<16xf32>,
        %parallel_loop3A_824 = arith.constant 3 : i32
        %parallel_loop3A_825 = arith.constant 7 : i32
        %parallel_loop3A_826 = arith.index_cast %parallel_loop3A_824 : i32 to index
        %parallel_loop3A_827 = arith.index_cast %parallel_loop3A_443 : i32 to index
        %parallel_loop3A_828 = arith.index_cast %parallel_loop3A_825 : i32 to index
        %parallel_loop3A_829 = arith.index_cast %parallel_loop3A_447 : i32 to index
        %parallel_loop3A_830 = tpu.vector_load %arg12[%parallel_loop3A_826, %parallel_loop3A_827, %parallel_loop3A_828, %parallel_loop3A_829] {strides = array<i32>} : memref<4x8x8x128xf32, #tpu.memory_space<vmem>>, vector<16xf32>,
        tpu.vector_store %arg12[%parallel_loop3A_826, %parallel_loop3A_827, %parallel_loop3A_828, %parallel_loop3A_829], %parallel_loop3A_606 {strides = array<i32>} : memref<4x8x8x128xf32, #tpu.memory_space<vmem>>, vector<16xf32>,
      } {sc.loop_unroll_factor = 2 : i64, sc.parallel_access}
      %shift_right_arithmetic3A_343 = arith.constant 4 : i32
      %shift_right_arithmetic3A_344 = arith.shrsi %add3A_326, %shift_right_arithmetic3A_343 : i32
      %and3A_345 = arith.constant 15 : i32
      %and3A_346 = arith.andi %add3A_326, %and3A_345 : i32
      %mul3A_347 = arith.constant 8 : i32
      %mul3A_348 = arith.muli %and3A_346, %mul3A_347 : i32
      %dma_start3A_349 = arith.constant 0 : i32
      %dma_start3A_350 = arith.constant 0 : i32
      %dma_start3A_351 = arith.constant 0 : i32
      %dma_start3A_352 = arith.constant 0 : i32
      %dma_start3A_353 = arith.constant 0 : i32
      %dma_start3A_354 = tpu.memref_slice %arg12[%dma_start3A_349, %dma_start3A_351, %dma_start3A_352, %dma_start3A_353] : memref<4x8x8x128xf32, #tpu.memory_space<vmem>> -> memref<1x8x8x128xf32, #tpu.memory_space<vmem>>
      %dma_start3A_355 = tpu.memref_squeeze %dma_start3A_354 : memref<1x8x8x128xf32, #tpu.memory_space<vmem>> -> memref<8x8x128xf32, #tpu.memory_space<vmem>>
      %dma_start3A_356 = arith.constant 0 : i32
      %dma_start3A_357 = arith.constant 0 : i32
      %dma_start3A_358 = tpu.memref_slice %arg5[%shift_right_arithmetic3A_344, %dma_start3A_350, %mul3A_348, %dma_start3A_356, %dma_start3A_357] : memref<200x4x128x8x128xf32, #tpu.memory_space<hbm>> -> memref<1x1x8x8x128xf32, #tpu.memory_space<hbm>>
      %dma_start3A_359 = tpu.memref_squeeze %dma_start3A_358 : memref<1x1x8x8x128xf32, #tpu.memory_space<hbm>> -> memref<8x8x128xf32, #tpu.memory_space<hbm>>
      %dma_start3A_360 = arith.constant 0 : i32
      %dma_start3A_361 = arith.constant 0 : i32
      %dma_start3A_362 = tpu.memref_slice %arg5[%shift_right_arithmetic3A_344, %dma_start3A_350, %mul3A_348, %dma_start3A_360, %dma_start3A_361] : memref<200x4x128x8x128xf32, #tpu.memory_space<hbm>> -> memref<1x1x8x8x128xf32, #tpu.memory_space<hbm>>
      %dma_start3A_363 = tpu.memref_squeeze %dma_start3A_362 : memref<1x1x8x8x128xf32, #tpu.memory_space<hbm>> -> memref<8x8x128xf32, #tpu.memory_space<hbm>>
      %dma_start3A_364 = arith.constant 0 : i32
      %dma_start3A_365 = arith.constant 0 : i32
      %dma_start3A_366 = arith.constant 0 : i32
      %dma_start3A_367 = tpu.memref_slice %arg12[%dma_start3A_349, %dma_start3A_364, %dma_start3A_365, %dma_start3A_366] : memref<4x8x8x128xf32, #tpu.memory_space<vmem>> -> memref<1x8x8x128xf32, #tpu.memory_space<vmem>>
      %dma_start3A_368 = tpu.memref_squeeze %dma_start3A_367 : memref<1x8x8x128xf32, #tpu.memory_space<vmem>> -> memref<8x8x128xf32, #tpu.memory_space<vmem>>
      tpu.enqueue_dma source(%dma_start3A_368 : memref<8x8x128xf32, #tpu.memory_space<vmem>>) target(%dma_start3A_363 : memref<8x8x128xf32, #tpu.memory_space<hbm>>) target_semaphore(%arg18 : memref<!tpu.dma_semaphore, #tpu.memory_space<semaphore_mem>>)
      %mul3A_369 = arith.constant 8 : i32
      %mul3A_370 = arith.muli %and3A_346, %mul3A_369 : i32
      %dma_start3A_371 = arith.constant 1 : i32
      %dma_start3A_372 = arith.constant 1 : i32
      %dma_start3A_373 = arith.constant 0 : i32
      %dma_start3A_374 = arith.constant 0 : i32
      %dma_start3A_375 = arith.constant 0 : i32
      %dma_start3A_376 = tpu.memref_slice %arg12[%dma_start3A_371, %dma_start3A_373, %dma_start3A_374, %dma_start3A_375] : memref<4x8x8x128xf32, #tpu.memory_space<vmem>> -> memref<1x8x8x128xf32, #tpu.memory_space<vmem>>
      %dma_start3A_377 = tpu.memref_squeeze %dma_start3A_376 : memref<1x8x8x128xf32, #tpu.memory_space<vmem>> -> memref<8x8x128xf32, #tpu.memory_space<vmem>>
      %dma_start3A_378 = arith.constant 0 : i32
      %dma_start3A_379 = arith.constant 0 : i32
      %dma_start3A_380 = tpu.memref_slice %arg5[%shift_right_arithmetic3A_344, %dma_start3A_372, %mul3A_370, %dma_start3A_378, %dma_start3A_379] : memref<200x4x128x8x128xf32, #tpu.memory_space<hbm>> -> memref<1x1x8x8x128xf32, #tpu.memory_space<hbm>>
      %dma_start3A_381 = tpu.memref_squeeze %dma_start3A_380 : memref<1x1x8x8x128xf32, #tpu.memory_space<hbm>> -> memref<8x8x128xf32, #tpu.memory_space<hbm>>
      %dma_start3A_382 = arith.constant 0 : i32
      %dma_start3A_383 = arith.constant 0 : i32
      %dma_start3A_384 = tpu.memref_slice %arg5[%shift_right_arithmetic3A_344, %dma_start3A_372, %mul3A_370, %dma_start3A_382, %dma_start3A_383] : memref<200x4x128x8x128xf32, #tpu.memory_space<hbm>> -> memref<1x1x8x8x128xf32, #tpu.memory_space<hbm>>
      %dma_start3A_385 = tpu.memref_squeeze %dma_start3A_384 : memref<1x1x8x8x128xf32, #tpu.memory_space<hbm>> -> memref<8x8x128xf32, #tpu.memory_space<hbm>>
      %dma_start3A_386 = arith.constant 0 : i32
      %dma_start3A_387 = arith.constant 0 : i32
      %dma_start3A_388 = arith.constant 0 : i32
      %dma_start3A_389 = tpu.memref_slice %arg12[%dma_start3A_371, %dma_start3A_386, %dma_start3A_387, %dma_start3A_388] : memref<4x8x8x128xf32, #tpu.memory_space<vmem>> -> memref<1x8x8x128xf32, #tpu.memory_space<vmem>>
      %dma_start3A_390 = tpu.memref_squeeze %dma_start3A_389 : memref<1x8x8x128xf32, #tpu.memory_space<vmem>> -> memref<8x8x128xf32, #tpu.memory_space<vmem>>
      tpu.enqueue_dma source(%dma_start3A_390 : memref<8x8x128xf32, #tpu.memory_space<vmem>>) target(%dma_start3A_385 : memref<8x8x128xf32, #tpu.memory_space<hbm>>) target_semaphore(%arg18 : memref<!tpu.dma_semaphore, #tpu.memory_space<semaphore_mem>>)
      %mul3A_391 = arith.constant 8 : i32
      %mul3A_392 = arith.muli %and3A_346, %mul3A_391 : i32
      %dma_start3A_393 = arith.constant 2 : i32
      %dma_start3A_394 = arith.constant 2 : i32
      %dma_start3A_395 = arith.constant 0 : i32
      %dma_start3A_396 = arith.constant 0 : i32
      %dma_start3A_397 = arith.constant 0 : i32
      %dma_start3A_398 = tpu.memref_slice %arg12[%dma_start3A_393, %dma_start3A_395, %dma_start3A_396, %dma_start3A_397] : memref<4x8x8x128xf32, #tpu.memory_space<vmem>> -> memref<1x8x8x128xf32, #tpu.memory_space<vmem>>
      %dma_start3A_399 = tpu.memref_squeeze %dma_start3A_398 : memref<1x8x8x128xf32, #tpu.memory_space<vmem>> -> memref<8x8x128xf32, #tpu.memory_space<vmem>>
      %dma_start3A_400 = arith.constant 0 : i32
      %dma_start3A_401 = arith.constant 0 : i32
      %dma_start3A_402 = tpu.memref_slice %arg5[%shift_right_arithmetic3A_344, %dma_start3A_394, %mul3A_392, %dma_start3A_400, %dma_start3A_401] : memref<200x4x128x8x128xf32, #tpu.memory_space<hbm>> -> memref<1x1x8x8x128xf32, #tpu.memory_space<hbm>>
      %dma_start3A_403 = tpu.memref_squeeze %dma_start3A_402 : memref<1x1x8x8x128xf32, #tpu.memory_space<hbm>> -> memref<8x8x128xf32, #tpu.memory_space<hbm>>
      %dma_start3A_404 = arith.constant 0 : i32
      %dma_start3A_405 = arith.constant 0 : i32
      %dma_start3A_406 = tpu.memref_slice %arg5[%shift_right_arithmetic3A_344, %dma_start3A_394, %mul3A_392, %dma_start3A_404, %dma_start3A_405] : memref<200x4x128x8x128xf32, #tpu.memory_space<hbm>> -> memref<1x1x8x8x128xf32, #tpu.memory_space<hbm>>
      %dma_start3A_407 = tpu.memref_squeeze %dma_start3A_406 : memref<1x1x8x8x128xf32, #tpu.memory_space<hbm>> -> memref<8x8x128xf32, #tpu.memory_space<hbm>>
      %dma_start3A_408 = arith.constant 0 : i32
      %dma_start3A_409 = arith.constant 0 : i32
      %dma_start3A_410 = arith.constant 0 : i32
      %dma_start3A_411 = tpu.memref_slice %arg12[%dma_start3A_393, %dma_start3A_408, %dma_start3A_409, %dma_start3A_410] : memref<4x8x8x128xf32, #tpu.memory_space<vmem>> -> memref<1x8x8x128xf32, #tpu.memory_space<vmem>>
      %dma_start3A_412 = tpu.memref_squeeze %dma_start3A_411 : memref<1x8x8x128xf32, #tpu.memory_space<vmem>> -> memref<8x8x128xf32, #tpu.memory_space<vmem>>
      tpu.enqueue_dma source(%dma_start3A_412 : memref<8x8x128xf32, #tpu.memory_space<vmem>>) target(%dma_start3A_407 : memref<8x8x128xf32, #tpu.memory_space<hbm>>) target_semaphore(%arg18 : memref<!tpu.dma_semaphore, #tpu.memory_space<semaphore_mem>>)
      %mul3A_413 = arith.constant 8 : i32
      %mul3A_414 = arith.muli %and3A_346, %mul3A_413 : i32
      %dma_start3A_415 = arith.constant 3 : i32
      %dma_start3A_416 = arith.constant 3 : i32
      %dma_start3A_417 = arith.constant 0 : i32
      %dma_start3A_418 = arith.constant 0 : i32
      %dma_start3A_419 = arith.constant 0 : i32
      %dma_start3A_420 = tpu.memref_slice %arg12[%dma_start3A_415, %dma_start3A_417, %dma_start3A_418, %dma_start3A_419] : memref<4x8x8x128xf32, #tpu.memory_space<vmem>> -> memref<1x8x8x128xf32, #tpu.memory_space<vmem>>
      %dma_start3A_421 = tpu.memref_squeeze %dma_start3A_420 : memref<1x8x8x128xf32, #tpu.memory_space<vmem>> -> memref<8x8x128xf32, #tpu.memory_space<vmem>>
      %dma_start3A_422 = arith.constant 0 : i32
      %dma_start3A_423 = arith.constant 0 : i32
      %dma_start3A_424 = tpu.memref_slice %arg5[%shift_right_arithmetic3A_344, %dma_start3A_416, %mul3A_414, %dma_start3A_422, %dma_start3A_423] : memref<200x4x128x8x128xf32, #tpu.memory_space<hbm>> -> memref<1x1x8x8x128xf32, #tpu.memory_space<hbm>>
      %dma_start3A_425 = tpu.memref_squeeze %dma_start3A_424 : memref<1x1x8x8x128xf32, #tpu.memory_space<hbm>> -> memref<8x8x128xf32, #tpu.memory_space<hbm>>
      %dma_start3A_426 = arith.constant 0 : i32
      %dma_start3A_427 = arith.constant 0 : i32
      %dma_start3A_428 = tpu.memref_slice %arg5[%shift_right_arithmetic3A_344, %dma_start3A_416, %mul3A_414, %dma_start3A_426, %dma_start3A_427] : memref<200x4x128x8x128xf32, #tpu.memory_space<hbm>> -> memref<1x1x8x8x128xf32, #tpu.memory_space<hbm>>
      %dma_start3A_429 = tpu.memref_squeeze %dma_start3A_428 : memref<1x1x8x8x128xf32, #tpu.memory_space<hbm>> -> memref<8x8x128xf32, #tpu.memory_space<hbm>>
      %dma_start3A_430 = arith.constant 0 : i32
      %dma_start3A_431 = arith.constant 0 : i32
      %dma_start3A_432 = arith.constant 0 : i32
      %dma_start3A_433 = tpu.memref_slice %arg12[%dma_start3A_415, %dma_start3A_430, %dma_start3A_431, %dma_start3A_432] : memref<4x8x8x128xf32, #tpu.memory_space<vmem>> -> memref<1x8x8x128xf32, #tpu.memory_space<vmem>>
      %dma_start3A_434 = tpu.memref_squeeze %dma_start3A_433 : memref<1x8x8x128xf32, #tpu.memory_space<vmem>> -> memref<8x8x128xf32, #tpu.memory_space<vmem>>
      tpu.enqueue_dma source(%dma_start3A_434 : memref<8x8x128xf32, #tpu.memory_space<vmem>>) target(%dma_start3A_429 : memref<8x8x128xf32, #tpu.memory_space<hbm>>) target_semaphore(%arg18 : memref<!tpu.dma_semaphore, #tpu.memory_space<semaphore_mem>>)
      %lt3A_435 = arith.constant 49 : i32
      %lt3A_436 = arith.cmpi slt, %scan3A_209, %lt3A_435 : i32
      %convert_element_type3A_437 = arith.extui %lt3A_436 : i1 to i32
      %cond3A_438 = arith.constant 0 : i32
      %cond3A_439 = arith.cmpi ne, %convert_element_type3A_437, %cond3A_438 : i32
      scf.if %cond3A_439 {
        %add3A_441 = arith.constant 2 : i32
        %add3A_442 = arith.addi %add3A_326, %add3A_441 : i32
        %mul3A_443 = arith.constant 1024 : i32
        %mul3A_444 = arith.muli %add3A_442, %mul3A_443 : i32
        %dma_start3A_445 = tpu.memref_slice %arg2[%mul3A_444] : memref<3276800xf32, #tpu.memory_space<hbm>> -> memref<1024xf32, #tpu.memory_space<hbm>>
        %dma_start3A_446 = tpu.memref_slice %arg2[%mul3A_444] : memref<3276800xf32, #tpu.memory_space<hbm>> -> memref<1024xf32, #tpu.memory_space<hbm>>
        tpu.enqueue_dma source(%dma_start3A_446 : memref<1024xf32, #tpu.memory_space<hbm>>) target(%arg8 : memref<1024xf32, #tpu.memory_space<vmem>>) target_semaphore(%arg14 : memref<!tpu.dma_semaphore, #tpu.memory_space<semaphore_mem>>)
        %mul3A_447 = arith.constant 1024 : i32
        %mul3A_448 = arith.muli %add3A_442, %mul3A_447 : i32
        %dma_start3A_449 = tpu.memref_slice %arg3[%mul3A_448] : memref<3276800xi32, #tpu.memory_space<hbm>> -> memref<1024xi32, #tpu.memory_space<hbm>>
        %dma_start3A_450 = tpu.memref_slice %arg3[%mul3A_448] : memref<3276800xi32, #tpu.memory_space<hbm>> -> memref<1024xi32, #tpu.memory_space<hbm>>
        tpu.enqueue_dma source(%dma_start3A_450 : memref<1024xi32, #tpu.memory_space<hbm>>) target(%arg10 : memref<1024xi32, #tpu.memory_space<vmem>>) target_semaphore(%arg16 : memref<!tpu.dma_semaphore, #tpu.memory_space<semaphore_mem>>)
      } else {
      }
      %scan3A_440 = arith.constant 0 : i32
      scf.yield %scan3A_440 : i32
    }
    %scan3A_25 = arith.constant 50 : i32
    %dma_wait3A = arith.constant 0 : i32
    %dma_wait3A_26 = arith.constant 0 : i32
    %dma_wait3A_27 = arith.constant 0 : i32
    %dma_wait3A_28 = arith.constant 0 : i32
    %dma_wait3A_29 = arith.constant 0 : i32
    %dma_wait3A_30 = arith.constant 0 : i32
    %dma_wait3A_31 = tpu.memref_slice %arg11[%dma_wait3A, %dma_wait3A_28, %dma_wait3A_29, %dma_wait3A_30] : memref<4x8x8x128xf32, #tpu.memory_space<vmem>> -> memref<1x8x8x128xf32, #tpu.memory_space<vmem>>
    %dma_wait3A_32 = tpu.memref_squeeze %dma_wait3A_31 : memref<1x8x8x128xf32, #tpu.memory_space<vmem>> -> memref<8x8x128xf32, #tpu.memory_space<vmem>>
    %dma_wait3A_33 = arith.constant 0 : i32
    %dma_wait3A_34 = arith.constant 0 : i32
    %dma_wait3A_35 = arith.constant 0 : i32
    %dma_wait3A_36 = tpu.memref_slice %arg5[%dma_wait3A_26, %dma_wait3A_27, %dma_wait3A_33, %dma_wait3A_34, %dma_wait3A_35] : memref<200x4x128x8x128xf32, #tpu.memory_space<hbm>> -> memref<1x1x8x8x128xf32, #tpu.memory_space<hbm>>
    %dma_wait3A_37 = tpu.memref_squeeze %dma_wait3A_36 : memref<1x1x8x8x128xf32, #tpu.memory_space<hbm>> -> memref<8x8x128xf32, #tpu.memory_space<hbm>>
    %dma_wait3A_38 = arith.constant 0 : i32
    %dma_wait3A_39 = arith.constant 0 : i32
    %dma_wait3A_40 = arith.constant 0 : i32
    %dma_wait3A_41 = tpu.memref_slice %arg5[%dma_wait3A_26, %dma_wait3A_27, %dma_wait3A_38, %dma_wait3A_39, %dma_wait3A_40] : memref<200x4x128x8x128xf32, #tpu.memory_space<hbm>> -> memref<1x1x8x8x128xf32, #tpu.memory_space<hbm>>
    %dma_wait3A_42 = tpu.memref_squeeze %dma_wait3A_41 : memref<1x1x8x8x128xf32, #tpu.memory_space<hbm>> -> memref<8x8x128xf32, #tpu.memory_space<hbm>>
    %dma_wait3A_43 = arith.constant 0 : i32
    %dma_wait3A_44 = arith.constant 0 : i32
    %dma_wait3A_45 = arith.constant 0 : i32
    %dma_wait3A_46 = tpu.memref_slice %arg11[%dma_wait3A, %dma_wait3A_43, %dma_wait3A_44, %dma_wait3A_45] : memref<4x8x8x128xf32, #tpu.memory_space<vmem>> -> memref<1x8x8x128xf32, #tpu.memory_space<vmem>>
    %dma_wait3A_47 = tpu.memref_squeeze %dma_wait3A_46 : memref<1x8x8x128xf32, #tpu.memory_space<vmem>> -> memref<8x8x128xf32, #tpu.memory_space<vmem>>
    tpu.wait_dma2 semaphore(%arg17 : memref<!tpu.dma_semaphore, #tpu.memory_space<semaphore_mem>>) src(%dma_wait3A_47 : memref<8x8x128xf32, #tpu.memory_space<vmem>>) dst(%dma_wait3A_42 : memref<8x8x128xf32, #tpu.memory_space<hbm>>)
    %dma_wait3A_48 = arith.constant 1 : i32
    %dma_wait3A_49 = arith.constant 0 : i32
    %dma_wait3A_50 = arith.constant 0 : i32
    %dma_wait3A_51 = arith.constant 0 : i32
    %dma_wait3A_52 = arith.constant 0 : i32
    %dma_wait3A_53 = arith.constant 0 : i32
    %dma_wait3A_54 = tpu.memref_slice %arg11[%dma_wait3A_48, %dma_wait3A_51, %dma_wait3A_52, %dma_wait3A_53] : memref<4x8x8x128xf32, #tpu.memory_space<vmem>> -> memref<1x8x8x128xf32, #tpu.memory_space<vmem>>
    %dma_wait3A_55 = tpu.memref_squeeze %dma_wait3A_54 : memref<1x8x8x128xf32, #tpu.memory_space<vmem>> -> memref<8x8x128xf32, #tpu.memory_space<vmem>>
    %dma_wait3A_56 = arith.constant 0 : i32
    %dma_wait3A_57 = arith.constant 0 : i32
    %dma_wait3A_58 = arith.constant 0 : i32
    %dma_wait3A_59 = tpu.memref_slice %arg5[%dma_wait3A_49, %dma_wait3A_50, %dma_wait3A_56, %dma_wait3A_57, %dma_wait3A_58] : memref<200x4x128x8x128xf32, #tpu.memory_space<hbm>> -> memref<1x1x8x8x128xf32, #tpu.memory_space<hbm>>
    %dma_wait3A_60 = tpu.memref_squeeze %dma_wait3A_59 : memref<1x1x8x8x128xf32, #tpu.memory_space<hbm>> -> memref<8x8x128xf32, #tpu.memory_space<hbm>>
    %dma_wait3A_61 = arith.constant 0 : i32
    %dma_wait3A_62 = arith.constant 0 : i32
    %dma_wait3A_63 = arith.constant 0 : i32
    %dma_wait3A_64 = tpu.memref_slice %arg5[%dma_wait3A_49, %dma_wait3A_50, %dma_wait3A_61, %dma_wait3A_62, %dma_wait3A_63] : memref<200x4x128x8x128xf32, #tpu.memory_space<hbm>> -> memref<1x1x8x8x128xf32, #tpu.memory_space<hbm>>
    %dma_wait3A_65 = tpu.memref_squeeze %dma_wait3A_64 : memref<1x1x8x8x128xf32, #tpu.memory_space<hbm>> -> memref<8x8x128xf32, #tpu.memory_space<hbm>>
    %dma_wait3A_66 = arith.constant 0 : i32
    %dma_wait3A_67 = arith.constant 0 : i32
    %dma_wait3A_68 = arith.constant 0 : i32
    %dma_wait3A_69 = tpu.memref_slice %arg11[%dma_wait3A_48, %dma_wait3A_66, %dma_wait3A_67, %dma_wait3A_68] : memref<4x8x8x128xf32, #tpu.memory_space<vmem>> -> memref<1x8x8x128xf32, #tpu.memory_space<vmem>>
    %dma_wait3A_70 = tpu.memref_squeeze %dma_wait3A_69 : memref<1x8x8x128xf32, #tpu.memory_space<vmem>> -> memref<8x8x128xf32, #tpu.memory_space<vmem>>
    tpu.wait_dma2 semaphore(%arg17 : memref<!tpu.dma_semaphore, #tpu.memory_space<semaphore_mem>>) src(%dma_wait3A_70 : memref<8x8x128xf32, #tpu.memory_space<vmem>>) dst(%dma_wait3A_65 : memref<8x8x128xf32, #tpu.memory_space<hbm>>)
    %dma_wait3A_71 = arith.constant 2 : i32
    %dma_wait3A_72 = arith.constant 0 : i32
    %dma_wait3A_73 = arith.constant 0 : i32
    %dma_wait3A_74 = arith.constant 0 : i32
    %dma_wait3A_75 = arith.constant 0 : i32
    %dma_wait3A_76 = arith.constant 0 : i32
    %dma_wait3A_77 = tpu.memref_slice %arg11[%dma_wait3A_71, %dma_wait3A_74, %dma_wait3A_75, %dma_wait3A_76] : memref<4x8x8x128xf32, #tpu.memory_space<vmem>> -> memref<1x8x8x128xf32, #tpu.memory_space<vmem>>
    %dma_wait3A_78 = tpu.memref_squeeze %dma_wait3A_77 : memref<1x8x8x128xf32, #tpu.memory_space<vmem>> -> memref<8x8x128xf32, #tpu.memory_space<vmem>>
    %dma_wait3A_79 = arith.constant 0 : i32
    %dma_wait3A_80 = arith.constant 0 : i32
    %dma_wait3A_81 = arith.constant 0 : i32
    %dma_wait3A_82 = tpu.memref_slice %arg5[%dma_wait3A_72, %dma_wait3A_73, %dma_wait3A_79, %dma_wait3A_80, %dma_wait3A_81] : memref<200x4x128x8x128xf32, #tpu.memory_space<hbm>> -> memref<1x1x8x8x128xf32, #tpu.memory_space<hbm>>
    %dma_wait3A_83 = tpu.memref_squeeze %dma_wait3A_82 : memref<1x1x8x8x128xf32, #tpu.memory_space<hbm>> -> memref<8x8x128xf32, #tpu.memory_space<hbm>>
    %dma_wait3A_84 = arith.constant 0 : i32
    %dma_wait3A_85 = arith.constant 0 : i32
    %dma_wait3A_86 = arith.constant 0 : i32
    %dma_wait3A_87 = tpu.memref_slice %arg5[%dma_wait3A_72, %dma_wait3A_73, %dma_wait3A_84, %dma_wait3A_85, %dma_wait3A_86] : memref<200x4x128x8x128xf32, #tpu.memory_space<hbm>> -> memref<1x1x8x8x128xf32, #tpu.memory_space<hbm>>
    %dma_wait3A_88 = tpu.memref_squeeze %dma_wait3A_87 : memref<1x1x8x8x128xf32, #tpu.memory_space<hbm>> -> memref<8x8x128xf32, #tpu.memory_space<hbm>>
    %dma_wait3A_89 = arith.constant 0 : i32
    %dma_wait3A_90 = arith.constant 0 : i32
    %dma_wait3A_91 = arith.constant 0 : i32
    %dma_wait3A_92 = tpu.memref_slice %arg11[%dma_wait3A_71, %dma_wait3A_89, %dma_wait3A_90, %dma_wait3A_91] : memref<4x8x8x128xf32, #tpu.memory_space<vmem>> -> memref<1x8x8x128xf32, #tpu.memory_space<vmem>>
    %dma_wait3A_93 = tpu.memref_squeeze %dma_wait3A_92 : memref<1x8x8x128xf32, #tpu.memory_space<vmem>> -> memref<8x8x128xf32, #tpu.memory_space<vmem>>
    tpu.wait_dma2 semaphore(%arg17 : memref<!tpu.dma_semaphore, #tpu.memory_space<semaphore_mem>>) src(%dma_wait3A_93 : memref<8x8x128xf32, #tpu.memory_space<vmem>>) dst(%dma_wait3A_88 : memref<8x8x128xf32, #tpu.memory_space<hbm>>)
    %dma_wait3A_94 = arith.constant 3 : i32
    %dma_wait3A_95 = arith.constant 0 : i32
    %dma_wait3A_96 = arith.constant 0 : i32
    %dma_wait3A_97 = arith.constant 0 : i32
    %dma_wait3A_98 = arith.constant 0 : i32
    %dma_wait3A_99 = arith.constant 0 : i32
    %dma_wait3A_100 = tpu.memref_slice %arg11[%dma_wait3A_94, %dma_wait3A_97, %dma_wait3A_98, %dma_wait3A_99] : memref<4x8x8x128xf32, #tpu.memory_space<vmem>> -> memref<1x8x8x128xf32, #tpu.memory_space<vmem>>
    %dma_wait3A_101 = tpu.memref_squeeze %dma_wait3A_100 : memref<1x8x8x128xf32, #tpu.memory_space<vmem>> -> memref<8x8x128xf32, #tpu.memory_space<vmem>>
    %dma_wait3A_102 = arith.constant 0 : i32
    %dma_wait3A_103 = arith.constant 0 : i32
    %dma_wait3A_104 = arith.constant 0 : i32
    %dma_wait3A_105 = tpu.memref_slice %arg5[%dma_wait3A_95, %dma_wait3A_96, %dma_wait3A_102, %dma_wait3A_103, %dma_wait3A_104] : memref<200x4x128x8x128xf32, #tpu.memory_space<hbm>> -> memref<1x1x8x8x128xf32, #tpu.memory_space<hbm>>
    %dma_wait3A_106 = tpu.memref_squeeze %dma_wait3A_105 : memref<1x1x8x8x128xf32, #tpu.memory_space<hbm>> -> memref<8x8x128xf32, #tpu.memory_space<hbm>>
    %dma_wait3A_107 = arith.constant 0 : i32
    %dma_wait3A_108 = arith.constant 0 : i32
    %dma_wait3A_109 = arith.constant 0 : i32
    %dma_wait3A_110 = tpu.memref_slice %arg5[%dma_wait3A_95, %dma_wait3A_96, %dma_wait3A_107, %dma_wait3A_108, %dma_wait3A_109] : memref<200x4x128x8x128xf32, #tpu.memory_space<hbm>> -> memref<1x1x8x8x128xf32, #tpu.memory_space<hbm>>
    %dma_wait3A_111 = tpu.memref_squeeze %dma_wait3A_110 : memref<1x1x8x8x128xf32, #tpu.memory_space<hbm>> -> memref<8x8x128xf32, #tpu.memory_space<hbm>>
    %dma_wait3A_112 = arith.constant 0 : i32
    %dma_wait3A_113 = arith.constant 0 : i32
    %dma_wait3A_114 = arith.constant 0 : i32
    %dma_wait3A_115 = tpu.memref_slice %arg11[%dma_wait3A_94, %dma_wait3A_112, %dma_wait3A_113, %dma_wait3A_114] : memref<4x8x8x128xf32, #tpu.memory_space<vmem>> -> memref<1x8x8x128xf32, #tpu.memory_space<vmem>>
    %dma_wait3A_116 = tpu.memref_squeeze %dma_wait3A_115 : memref<1x8x8x128xf32, #tpu.memory_space<vmem>> -> memref<8x8x128xf32, #tpu.memory_space<vmem>>
    tpu.wait_dma2 semaphore(%arg17 : memref<!tpu.dma_semaphore, #tpu.memory_space<semaphore_mem>>) src(%dma_wait3A_116 : memref<8x8x128xf32, #tpu.memory_space<vmem>>) dst(%dma_wait3A_111 : memref<8x8x128xf32, #tpu.memory_space<hbm>>)
    %dma_wait3A_117 = arith.constant 0 : i32
    %dma_wait3A_118 = arith.constant 0 : i32
    %dma_wait3A_119 = arith.constant 0 : i32
    %dma_wait3A_120 = arith.constant 0 : i32
    %dma_wait3A_121 = arith.constant 0 : i32
    %dma_wait3A_122 = arith.constant 0 : i32
    %dma_wait3A_123 = tpu.memref_slice %arg12[%dma_wait3A_117, %dma_wait3A_120, %dma_wait3A_121, %dma_wait3A_122] : memref<4x8x8x128xf32, #tpu.memory_space<vmem>> -> memref<1x8x8x128xf32, #tpu.memory_space<vmem>>
    %dma_wait3A_124 = tpu.memref_squeeze %dma_wait3A_123 : memref<1x8x8x128xf32, #tpu.memory_space<vmem>> -> memref<8x8x128xf32, #tpu.memory_space<vmem>>
    %dma_wait3A_125 = arith.constant 0 : i32
    %dma_wait3A_126 = arith.constant 0 : i32
    %dma_wait3A_127 = arith.constant 0 : i32
    %dma_wait3A_128 = tpu.memref_slice %arg5[%dma_wait3A_118, %dma_wait3A_119, %dma_wait3A_125, %dma_wait3A_126, %dma_wait3A_127] : memref<200x4x128x8x128xf32, #tpu.memory_space<hbm>> -> memref<1x1x8x8x128xf32, #tpu.memory_space<hbm>>
    %dma_wait3A_129 = tpu.memref_squeeze %dma_wait3A_128 : memref<1x1x8x8x128xf32, #tpu.memory_space<hbm>> -> memref<8x8x128xf32, #tpu.memory_space<hbm>>
    %dma_wait3A_130 = arith.constant 0 : i32
    %dma_wait3A_131 = arith.constant 0 : i32
    %dma_wait3A_132 = arith.constant 0 : i32
    %dma_wait3A_133 = tpu.memref_slice %arg5[%dma_wait3A_118, %dma_wait3A_119, %dma_wait3A_130, %dma_wait3A_131, %dma_wait3A_132] : memref<200x4x128x8x128xf32, #tpu.memory_space<hbm>> -> memref<1x1x8x8x128xf32, #tpu.memory_space<hbm>>
    %dma_wait3A_134 = tpu.memref_squeeze %dma_wait3A_133 : memref<1x1x8x8x128xf32, #tpu.memory_space<hbm>> -> memref<8x8x128xf32, #tpu.memory_space<hbm>>
    %dma_wait3A_135 = arith.constant 0 : i32
    %dma_wait3A_136 = arith.constant 0 : i32
    %dma_wait3A_137 = arith.constant 0 : i32
    %dma_wait3A_138 = tpu.memref_slice %arg12[%dma_wait3A_117, %dma_wait3A_135, %dma_wait3A_136, %dma_wait3A_137] : memref<4x8x8x128xf32, #tpu.memory_space<vmem>> -> memref<1x8x8x128xf32, #tpu.memory_space<vmem>>
    %dma_wait3A_139 = tpu.memref_squeeze %dma_wait3A_138 : memref<1x8x8x128xf32, #tpu.memory_space<vmem>> -> memref<8x8x128xf32, #tpu.memory_space<vmem>>
    tpu.wait_dma2 semaphore(%arg18 : memref<!tpu.dma_semaphore, #tpu.memory_space<semaphore_mem>>) src(%dma_wait3A_139 : memref<8x8x128xf32, #tpu.memory_space<vmem>>) dst(%dma_wait3A_134 : memref<8x8x128xf32, #tpu.memory_space<hbm>>)
    %dma_wait3A_140 = arith.constant 1 : i32
    %dma_wait3A_141 = arith.constant 0 : i32
    %dma_wait3A_142 = arith.constant 0 : i32
    %dma_wait3A_143 = arith.constant 0 : i32
    %dma_wait3A_144 = arith.constant 0 : i32
    %dma_wait3A_145 = arith.constant 0 : i32
    %dma_wait3A_146 = tpu.memref_slice %arg12[%dma_wait3A_140, %dma_wait3A_143, %dma_wait3A_144, %dma_wait3A_145] : memref<4x8x8x128xf32, #tpu.memory_space<vmem>> -> memref<1x8x8x128xf32, #tpu.memory_space<vmem>>
    %dma_wait3A_147 = tpu.memref_squeeze %dma_wait3A_146 : memref<1x8x8x128xf32, #tpu.memory_space<vmem>> -> memref<8x8x128xf32, #tpu.memory_space<vmem>>
    %dma_wait3A_148 = arith.constant 0 : i32
    %dma_wait3A_149 = arith.constant 0 : i32
    %dma_wait3A_150 = arith.constant 0 : i32
    %dma_wait3A_151 = tpu.memref_slice %arg5[%dma_wait3A_141, %dma_wait3A_142, %dma_wait3A_148, %dma_wait3A_149, %dma_wait3A_150] : memref<200x4x128x8x128xf32, #tpu.memory_space<hbm>> -> memref<1x1x8x8x128xf32, #tpu.memory_space<hbm>>
    %dma_wait3A_152 = tpu.memref_squeeze %dma_wait3A_151 : memref<1x1x8x8x128xf32, #tpu.memory_space<hbm>> -> memref<8x8x128xf32, #tpu.memory_space<hbm>>
    %dma_wait3A_153 = arith.constant 0 : i32
    %dma_wait3A_154 = arith.constant 0 : i32
    %dma_wait3A_155 = arith.constant 0 : i32
    %dma_wait3A_156 = tpu.memref_slice %arg5[%dma_wait3A_141, %dma_wait3A_142, %dma_wait3A_153, %dma_wait3A_154, %dma_wait3A_155] : memref<200x4x128x8x128xf32, #tpu.memory_space<hbm>> -> memref<1x1x8x8x128xf32, #tpu.memory_space<hbm>>
    %dma_wait3A_157 = tpu.memref_squeeze %dma_wait3A_156 : memref<1x1x8x8x128xf32, #tpu.memory_space<hbm>> -> memref<8x8x128xf32, #tpu.memory_space<hbm>>
    %dma_wait3A_158 = arith.constant 0 : i32
    %dma_wait3A_159 = arith.constant 0 : i32
    %dma_wait3A_160 = arith.constant 0 : i32
    %dma_wait3A_161 = tpu.memref_slice %arg12[%dma_wait3A_140, %dma_wait3A_158, %dma_wait3A_159, %dma_wait3A_160] : memref<4x8x8x128xf32, #tpu.memory_space<vmem>> -> memref<1x8x8x128xf32, #tpu.memory_space<vmem>>
    %dma_wait3A_162 = tpu.memref_squeeze %dma_wait3A_161 : memref<1x8x8x128xf32, #tpu.memory_space<vmem>> -> memref<8x8x128xf32, #tpu.memory_space<vmem>>
    tpu.wait_dma2 semaphore(%arg18 : memref<!tpu.dma_semaphore, #tpu.memory_space<semaphore_mem>>) src(%dma_wait3A_162 : memref<8x8x128xf32, #tpu.memory_space<vmem>>) dst(%dma_wait3A_157 : memref<8x8x128xf32, #tpu.memory_space<hbm>>)
    %dma_wait3A_163 = arith.constant 2 : i32
    %dma_wait3A_164 = arith.constant 0 : i32
    %dma_wait3A_165 = arith.constant 0 : i32
    %dma_wait3A_166 = arith.constant 0 : i32
    %dma_wait3A_167 = arith.constant 0 : i32
    %dma_wait3A_168 = arith.constant 0 : i32
    %dma_wait3A_169 = tpu.memref_slice %arg12[%dma_wait3A_163, %dma_wait3A_166, %dma_wait3A_167, %dma_wait3A_168] : memref<4x8x8x128xf32, #tpu.memory_space<vmem>> -> memref<1x8x8x128xf32, #tpu.memory_space<vmem>>
    %dma_wait3A_170 = tpu.memref_squeeze %dma_wait3A_169 : memref<1x8x8x128xf32, #tpu.memory_space<vmem>> -> memref<8x8x128xf32, #tpu.memory_space<vmem>>
    %dma_wait3A_171 = arith.constant 0 : i32
    %dma_wait3A_172 = arith.constant 0 : i32
    %dma_wait3A_173 = arith.constant 0 : i32
    %dma_wait3A_174 = tpu.memref_slice %arg5[%dma_wait3A_164, %dma_wait3A_165, %dma_wait3A_171, %dma_wait3A_172, %dma_wait3A_173] : memref<200x4x128x8x128xf32, #tpu.memory_space<hbm>> -> memref<1x1x8x8x128xf32, #tpu.memory_space<hbm>>
    %dma_wait3A_175 = tpu.memref_squeeze %dma_wait3A_174 : memref<1x1x8x8x128xf32, #tpu.memory_space<hbm>> -> memref<8x8x128xf32, #tpu.memory_space<hbm>>
    %dma_wait3A_176 = arith.constant 0 : i32
    %dma_wait3A_177 = arith.constant 0 : i32
    %dma_wait3A_178 = arith.constant 0 : i32
    %dma_wait3A_179 = tpu.memref_slice %arg5[%dma_wait3A_164, %dma_wait3A_165, %dma_wait3A_176, %dma_wait3A_177, %dma_wait3A_178] : memref<200x4x128x8x128xf32, #tpu.memory_space<hbm>> -> memref<1x1x8x8x128xf32, #tpu.memory_space<hbm>>
    %dma_wait3A_180 = tpu.memref_squeeze %dma_wait3A_179 : memref<1x1x8x8x128xf32, #tpu.memory_space<hbm>> -> memref<8x8x128xf32, #tpu.memory_space<hbm>>
    %dma_wait3A_181 = arith.constant 0 : i32
    %dma_wait3A_182 = arith.constant 0 : i32
    %dma_wait3A_183 = arith.constant 0 : i32
    %dma_wait3A_184 = tpu.memref_slice %arg12[%dma_wait3A_163, %dma_wait3A_181, %dma_wait3A_182, %dma_wait3A_183] : memref<4x8x8x128xf32, #tpu.memory_space<vmem>> -> memref<1x8x8x128xf32, #tpu.memory_space<vmem>>
    %dma_wait3A_185 = tpu.memref_squeeze %dma_wait3A_184 : memref<1x8x8x128xf32, #tpu.memory_space<vmem>> -> memref<8x8x128xf32, #tpu.memory_space<vmem>>
    tpu.wait_dma2 semaphore(%arg18 : memref<!tpu.dma_semaphore, #tpu.memory_space<semaphore_mem>>) src(%dma_wait3A_185 : memref<8x8x128xf32, #tpu.memory_space<vmem>>) dst(%dma_wait3A_180 : memref<8x8x128xf32, #tpu.memory_space<hbm>>)
    %dma_wait3A_186 = arith.constant 3 : i32
    %dma_wait3A_187 = arith.constant 0 : i32
    %dma_wait3A_188 = arith.constant 0 : i32
    %dma_wait3A_189 = arith.constant 0 : i32
    %dma_wait3A_190 = arith.constant 0 : i32
    %dma_wait3A_191 = arith.constant 0 : i32
    %dma_wait3A_192 = tpu.memref_slice %arg12[%dma_wait3A_186, %dma_wait3A_189, %dma_wait3A_190, %dma_wait3A_191] : memref<4x8x8x128xf32, #tpu.memory_space<vmem>> -> memref<1x8x8x128xf32, #tpu.memory_space<vmem>>
    %dma_wait3A_193 = tpu.memref_squeeze %dma_wait3A_192 : memref<1x8x8x128xf32, #tpu.memory_space<vmem>> -> memref<8x8x128xf32, #tpu.memory_space<vmem>>
    %dma_wait3A_194 = arith.constant 0 : i32
    %dma_wait3A_195 = arith.constant 0 : i32
    %dma_wait3A_196 = arith.constant 0 : i32
    %dma_wait3A_197 = tpu.memref_slice %arg5[%dma_wait3A_187, %dma_wait3A_188, %dma_wait3A_194, %dma_wait3A_195, %dma_wait3A_196] : memref<200x4x128x8x128xf32, #tpu.memory_space<hbm>> -> memref<1x1x8x8x128xf32, #tpu.memory_space<hbm>>
    %dma_wait3A_198 = tpu.memref_squeeze %dma_wait3A_197 : memref<1x1x8x8x128xf32, #tpu.memory_space<hbm>> -> memref<8x8x128xf32, #tpu.memory_space<hbm>>
    %dma_wait3A_199 = arith.constant 0 : i32
    %dma_wait3A_200 = arith.constant 0 : i32
    %dma_wait3A_201 = arith.constant 0 : i32
    %dma_wait3A_202 = tpu.memref_slice %arg5[%dma_wait3A_187, %dma_wait3A_188, %dma_wait3A_199, %dma_wait3A_200, %dma_wait3A_201] : memref<200x4x128x8x128xf32, #tpu.memory_space<hbm>> -> memref<1x1x8x8x128xf32, #tpu.memory_space<hbm>>
    %dma_wait3A_203 = tpu.memref_squeeze %dma_wait3A_202 : memref<1x1x8x8x128xf32, #tpu.memory_space<hbm>> -> memref<8x8x128xf32, #tpu.memory_space<hbm>>
    %dma_wait3A_204 = arith.constant 0 : i32
    %dma_wait3A_205 = arith.constant 0 : i32
    %dma_wait3A_206 = arith.constant 0 : i32
    %dma_wait3A_207 = tpu.memref_slice %arg12[%dma_wait3A_186, %dma_wait3A_204, %dma_wait3A_205, %dma_wait3A_206] : memref<4x8x8x128xf32, #tpu.memory_space<vmem>> -> memref<1x8x8x128xf32, #tpu.memory_space<vmem>>
    %dma_wait3A_208 = tpu.memref_squeeze %dma_wait3A_207 : memref<1x8x8x128xf32, #tpu.memory_space<vmem>> -> memref<8x8x128xf32, #tpu.memory_space<vmem>>
    tpu.wait_dma2 semaphore(%arg18 : memref<!tpu.dma_semaphore, #tpu.memory_space<semaphore_mem>>) src(%dma_wait3A_208 : memref<8x8x128xf32, #tpu.memory_space<vmem>>) dst(%dma_wait3A_203 : memref<8x8x128xf32, #tpu.memory_space<hbm>>)
    return
  }
}

</mosaic_0001>

<sc_bundles>
// kernel: _emb.3.cloned.1.call-start
scs
__scs_entry_jumppad:
0x0: {  	(pc) =	sbr.rel $0x88, $3  }
0x1: {  	(tag) =	ssettag $0x0;
	lr =	simm.s32 $0x1  }
0x2: {  	[smem:$0x3F9E] =	sst lr;
	_ =	strace $0xD0000000  }
0x3: {  	_ = 	snop  }
0x4: {  	_ = 	snop  }
0x5: {  	_ = 	snop  }
0x6: {  	_ = 	snop  }
0x7: {  	_ = 	snop  }
__scs_overlays_trampoline_lowered:
0x8: {  	[smem:$0x3FAD] =	sst s0  }
0x9: {  	[smem:$0x3FAE] =	sst s1  }
0xa: {  	[smem:$0x3FAF] =	sst s2  }
0xb: {  	[smem:$0x3FB0] =	sst s3  }
0xc: {  	[smem:$0x3FB1] =	sst s4  }
0xd: {  	[smem:$0x3FB2] =	sst s5  }
0xe: {  	[smem:$0x3FB3] =	sst s6  }
0xf: {  	[smem:$0x3FB4] =	sst s7  }
0x10: {  	[smem:$0x3FB5] =	sst s8  }
0x11: {  	[smem:$0x3FB6] =	sst s9;
	s0 =	simm.s32 @!p0 $0x0  }
0x12: {  	s1 =	sld [smem:$0x3F9C];
	s0 =	simm.s32 @p0 $0x1  }
0x13: {  	[smem:$0x3FB7] =	sst s0;
	s0 =	simm.s32 @!p1 $0x0  }
0x14: {  	s2 =	sld [smem:$0x3F9B];
	s0 =	simm.s32 @p1 $0x1  }
0x15: {  	[smem:$0x3FB8] =	sst s0;
	s0 =	simm.s32 @!p2 $0x0  }
0x16: {  	s3 =	sld [smem:$0x3FDB];
	s0 =	simm.s32 @p2 $0x1  }
0x17: {  	s4 =	simm.s32 $0x1BF5;
	[smem:$0x3FBA] =	sst s0  }
0x18: {  	s0 =	sld [smem:$0x3F9D];
	_ =	swait.ge [sflag:s4], $0x0  }
0x19: {  	s7 =	sld [smem:$0x3F9E]  }
0x1a: {  	s8 =	sadd.s32 $0xFFFFE003, lr  }
0x1b: {  	s9 =	sadd.s32 $0xFFFFFEF7, lr;
	s5 =	simm.s32 $0xFFFFFFFF;
	p2 =	slt.u32 s8, $0xFFFFF086  }
0x1c: {  	p1 =	slt.u32 s9, $0xF7A;
	s5 =	simm.s32 @!p2 $0x0  }
0x1d: {  	s5 =	simm.s32 @p1 $0x1;
	p0 =	seq.s32 s7, s2  }
0x1e: {  	s7 =	smul.u32 @!p0 $0xF7A, s2;
	p2 =	seq.s32 @!p0 s5, $0x0  }
0x1f: {  	s9 =	smul.u32 $0xF7A, s1;
	s8 =	simm.s32 @!p0 $0x1BF5;
	p2 =	por !p2, p0  }
0x20: {  	[sflag:s8] =	ssyncset.s32 @!p0 $0xFFFFF086;
	s6 =	sadd.s32 @!p0 s3, s7;
	s7 =	simm.s32 @!p0 $0x108  }
0x21: {  	s3 =	sadd.s32 s3, s9;
	s6 =	sadd.s32 @!p0 $0x88, s6;
	s7 =	simm.s32 @p2 $0x1082  }
0x22: {  	[simem:s7], [sflag:s8] =	dma.local @!p0 [hbm:s6], $0xF7A  }
0x23: {  	s9 =	sor.u32 $0xD0000000, s2;
	s6 =	simm.s32 $0x108;
	_ =	swait.ge @!p0 [sflag:s8], $0x0  }
0x24: {  	s3 =	sadd.s32 $0x88, s3;
	s6 =	simm.s32 @!p1 $0x1082;
	[sflag:s4] =	ssyncset.s32 $0xFFFFF086  }
0x25: {  	[simem:s6], [sflag:s4] =	dma.local [hbm:s3], $0xF7A  }
0x26: {  	[smem:$0x3F9E] =	sst s1;
	(tag) =	ssettag s2;
	_ =	strace s9  }
0x27: {  	s1 =	sld [smem:$0x3FAE]  }
0x28: {  	s2 =	sld [smem:$0x3FAF]  }
0x29: {  	s4 =	sld [smem:$0x3FB1]  }
0x2a: {  	p0 =	seq.s32 s5, $0x0;
	s5 =	sld [smem:$0x3FB2]  }
0x2b: {  	s6 =	sld [smem:$0x3FB3]  }
0x2c: {  	s7 =	sld [smem:$0x3FB4]  }
0x2d: {  	s3 =	simm.s32 $0x108;
	s8 =	sld [smem:$0x3FB5]  }
0x2e: {  	s3 =	simm.s32 @!p0 $0x1082;
	s9 =	sld [smem:$0x3FB6]  }
0x2f: {  	lr =	sadd.s32 s0, s3;
	s0 =	sld [smem:$0x3FAD]  }
0x30: {  	s3 =	sld [smem:$0x3FB0]  }
0x31: {  	[smem:$0x3FB9] =	sst s10  }
0x32: {  	s10 =	sld [smem:$0x3FB7];
	_ =	sdelay $0x3  }
0x33: {  	p0 =	seq.s32 s10, $0x1;
	s10 =	sld [smem:$0x3FB9];
	_ =	sdelay $0x3  }
0x34: {  	[smem:$0x3FB9] =	sst s10  }
0x35: {  	s10 =	sld [smem:$0x3FB8];
	_ =	sdelay $0x3  }
0x36: {  	p1 =	seq.s32 s10, $0x1;
	s10 =	sld [smem:$0x3FB9];
	_ =	sdelay $0x3  }
0x37: {  	[smem:$0x3FB9] =	sst s10  }
0x38: {  	s10 =	sld [smem:$0x3FBA]  }
0x39: {  	_ = 	snop;
	(pc) =	sbr.ind lr, $3  }
0x3a: {  	_ = 	snop  }
0x3b: {  	_ = 	snop  }
0x3c: {  	p2 =	seq.s32 s10, $0x1;
	s10 =	sld [smem:$0x3FB9]  }
0x3d: {  	_ =	shalt  }
0x3e: {  	_ =	shalt  }
0x3f: {  	_ =	shalt  }
0x40: {  	_ =	shalt  }
0x41: {  	_ =	shalt  }
0x42: {  	_ =	shalt  }
0x43: {  	_ =	shalt  }
0x44: {  	_ =	shalt  }
0x45: {  	_ =	shalt  }
0x46: {  	_ =	shalt  }
0x47: {  	_ =	shalt  }
0x48: {  	_ =	shalt  }
0x49: {  	_ =	shalt  }
0x4a: {  	_ =	shalt  }
0x4b: {  	_ =	shalt  }
0x4c: {  	_ =	shalt  }
0x4d: {  	_ =	shalt  }
0x4e: {  	_ =	shalt  }
0x4f: {  	_ =	shalt  }
0x50: {  	_ =	shalt  }
0x51: {  	_ =	shalt  }
0x52: {  	_ =	shalt  }
0x53: {  	_ =	shalt  }
0x54: {  	_ =	shalt  }
0x55: {  	_ =	shalt  }
0x56: {  	_ =	shalt  }
0x57: {  	_ =	shalt  }
0x58: {  	_ =	shalt  }
0x59: {  	_ =	shalt  }
0x5a: {  	_ =	shalt  }
0x5b: {  	_ =	shalt  }
0x5c: {  	_ =	shalt  }
0x5d: {  	_ =	shalt  }
0x5e: {  	_ =	shalt  }
0x5f: {  	_ =	shalt  }
0x60: {  	_ =	shalt  }
0x61: {  	_ =	shalt  }
0x62: {  	_ =	shalt  }
0x63: {  	_ =	shalt  }
0x64: {  	_ =	shalt  }
0x65: {  	_ =	shalt  }
0x66: {  	_ =	shalt  }
0x67: {  	_ =	shalt  }
0x68: {  	_ =	shalt  }
0x69: {  	_ =	shalt  }
0x6a: {  	_ =	shalt  }
0x6b: {  	_ =	shalt  }
0x6c: {  	_ =	shalt  }
0x6d: {  	_ =	shalt  }
0x6e: {  	_ =	shalt  }
0x6f: {  	_ =	shalt  }
0x70: {  	_ =	shalt  }
0x71: {  	_ =	shalt  }
0x72: {  	_ =	shalt  }
0x73: {  	_ =	shalt  }
0x74: {  	_ =	shalt  }
0x75: {  	_ =	shalt  }
0x76: {  	_ =	shalt  }
0x77: {  	_ =	shalt  }
0x78: {  	_ =	shalt  }
0x79: {  	_ =	shalt  }
0x7a: {  	_ =	shalt  }
0x7b: {  	_ =	shalt  }
0x7c: {  	_ =	shalt  }
0x7d: {  	_ =	shalt  }
0x7e: {  	_ =	shalt  }
0x7f: {  	_ =	shalt  }
0x80: {  	_ =	shalt  }
0x81: {  	_ =	shalt  }
0x82: {  	_ =	shalt  }
0x83: {  	_ =	shalt  }
0x84: {  	_ =	shalt  }
0x85: {  	_ =	shalt  }
0x86: {  	_ =	shalt  }
0x87: {  	_ =	shalt  }
.Lfunc_end0:
.L_simem_size_0:
called_computation_lowered:
.L_overlay_start_0:
0x88: {  	s2 =	sld [smem:$0x3FD9]  }
0x89: {  	s3 =	sld [smem:$0x3FFE];
	_ =	sdelay $0x1  }
0x8a: {  	s1 =	srdreg.scid  }
0x8b: {  	s0 =	sand.u32 $0x1, s1  }
0x8c: {  	s18 =	sshll.u32 s0, $0xA;
	s2 =	sadd.s32 s3, s2  }
0x8d: {  	s2 =	sadd.s32 s2, s18  }
0x8e: {  	[smem:$0x3FC5] =	sst s2  }
0x8f: {  	_ = 	snop  }
0x90: {  	s2 =	sld [smem:$0x3FC9]  }
0x91: {  	s19 =	sld [smem:$0x3FC8]  }
0x92: {  	s4 =	sld [smem:$0x3FC7]  }
0x93: {  	s5 =	sld [smem:$0x3FD0];
	(tm) =	ssettm $0x1  }
0x94: {  	s6 =	sld [smem:$0x3FFB];
	_ =	sdelay $0x3  }
0x95: {  	_ =	strace s6  }
0x96: {  	s6 =	sld [smem:$0x3FFC];
	_ =	sdelay $0x3  }
0x97: {  	_ =	strace s6  }
0x98: {  	s6 =	sld [smem:$0x3FFD];
	_ =	sdelay $0x3  }
0x99: {  	_ =	strace s6  }
0x9a: {  	_ =	strace $0x8FFFFFFF  }
0x9b: {  	s20 =	sld [smem:$0x3FDB];
	_ =	sdelay $0x1  }
0x9c: {  	s7 =	simm.s32 $_scs_section_size  }
0x9d: {  	s8 =	simm.s32 $_size__tile_overlayer_lowered;
	s9 =	simm.s32 $_tile_overlayer_lowered  }
0x9e: {  	s23 =	simm.s32 $0x1BFF;
	s22 =	sshll.u32 s9, $0x1;
	s6 =	sadd.s32 s7, s20  }
0x9f: {  	s10 =	simm.s32 $0x0;
	s21 =	sshll.u32 s8, $0x1;
	s8 =	sadd.s32 s22, s6  }
0xa0: {  	[timem:s10], [sflag:s23] =	dma.local [hbm:s8], s21  }
0xa1: {  	_ =	swait.ge [sflag:s23], s21  }
0xa2: {  	s7 =	ssub.s32 $0x0, s21;
	[sflag:s23] =	ssyncset.done $0x0  }
0xa3: {  	[sflag:s23] =	ssyncadd.s32 s7;
	_ =	sdelay $0x1  }
0xa4: {  	s24 =	simm.s32 $0x1B8B  }
0xa5: {  	_ =	swait.ge [sflag:s24], $0x1  }
0xa6: {  	[sflag:s24] =	ssyncset.done $0x0  }
0xa7: {  	s25 =	simm.s32 $0x1B8E;
	[sflag:s24] =	ssyncadd.s32 $0xFFFFFFFF  }
0xa8: {  	s26 =	simm.s32 $execute0_lowered;
	[smem:$0x3FD2] =	sst s25  }
0xa9: {  	s7 =	sshll.u32 s26, $0x1;
	_ =	strace $0x80000046;
	[dreg:$0x1] =	wrdreg $0xFFFFFFFF  }
0xaa: {  	s28 =	simm.s32 $_size_execute0_lowered;
	s6 =	sadd.s32 s6, s7;
	[dreg:$0x0] =	wrdreg $0x0  }
0xab: {  	s7 =	sshll.u32 s28, $0x1;
	[dreg:$0x2] =	wrdreg s6  }
0xac: {  	[dreg:$0x3] =	wrdreg s7  }
0xad: {  	[dreg:$0x4] =	wrdreg $0xC0  }
0xae: {  	_ =	task [dreg:s10], $0x5FFFF  }
0xaf: {  	[dreg:$0x1] =	wrdreg $0xFFFFFFFF  }
0xb0: {  	[dreg:$0x0] =	wrdreg $0x60  }
0xb1: {  	[dreg:$0x2] =	wrdreg s2  }
0xb2: {  	[dreg:$0x3] =	wrdreg s19  }
0xb3: {  	[dreg:$0x4] =	wrdreg s4  }
0xb4: {  	[dreg:$0x5] =	wrdreg s5  }
0xb5: {  	[dreg:$0x6] =	wrdreg $0x9  }
0xb6: {  	_ =	task.clear_ibuf [dreg:s10], $0x7FFFF;
	_ =	strace $0x90000046  }
0xb7: {  	s29 =	simm.s32 $0x9;
	_ =	strace $0x80000048  }
0xb8: {  	_ =	swait.ge [sflag:s29], $0x1  }
0xb9: {  	[sflag:s29] =	ssyncadd.s32 $0xFFFFFFFF  }
0xba: {  	_ =	strace $0x90000048  }
0xbb: {  	_ =	sfence  }
0xbc: {  	s30 =	sld [smem:$0x0];
	_ =	sdelay $0x2  }
0xbd: {  	s31 =	sshll.u32 s1, $0xD;
	s1 =	sshrl.u32 s1, $0x2  }
0xbe: {  	s3 =	sand.u32 $0x4000, s31;
	s1 =	sadd.s32 s1, s30  }
0xbf: {  	s0 =	sor.u32 s3, s0;
	s1 =	sshll.u32 s1, $0x11  }
0xc0: {  	s0 =	sor.u32 s1, s0  }
0xc1: {  	s0 =	sadd.s32 $0x8F2B, s0  }
0xc2: {  	[sflag:s0] =	ssyncadd.remote.s32 $0x1  }
0xc3: {  	_ =	sfence.sel $0xFFFF  }
0xc4: {  	[dreg:$0x0] =	wrdreg $0xFFFFFFFF;
	(pc) =	sbr.abs _section_cstart, $3  }
0xc5: {  	[dreg:$0x1] =	wrdreg $0xFFFFFFFF  }
0xc6: {  	_ =	task.clear_ibuf [dreg:s10], $0x2FFFF;
	_ =	strace $0x9FFFFFFF  }
0xc7: {  	(tm) =	ssettm $0x7FFFFFFF  }
tec
execute0_lowered:
.L_overlay_start_1:
0x0: {  	(tag) =	ssettag $0x1  }
0x1: {  	s4 =	rddreg [dreg:$0x0]  }
0x2: {  	s5 =	rddreg [dreg:$0x1];
	s6 =	simm.s32 $0x0;
	v0 =	vlaneseq.u32  }
0x3: {  	[smem:$0x7FF] =	sst s6;
	v1 =	vor.u32 $0x1200, v0  }
0x4: {  	s7 =	rddreg [dreg:$0x3];
	v59 =	vor.u32 $0x1350, v0;
	_ =	strace $0x80000047;
	[tilespmem:$0x1FF00] =	vst v1  }
0x5: {  	v10 =	vor.u32 $0x13C0, v0;
	[tilespmem:$0x1FF20] =	vst v59  }
0x6: {  	v11 =	vor.u32 $0x1430, v0;
	[tilespmem:$0x1FF30] =	vst v10  }
0x7: {  	v12 =	vor.u32 $0x14A0, v0;
	[tilespmem:$0x1FF40] =	vst v11  }
0x8: {  	s0 =	srdreg.scid;
	s1 =	stileid.u32;
	v4 =	vor.u32 $0x1820, v0;
	[tilespmem:$0x1FF50] =	vst v12  }
0x9: {  	s0 =	sand.u32 $0x1, s0;
	s1 =	sshll.u32 s1, $0x1;
	v60 =	vor.u32 $0x1890, v0;
	[tilespmem:$0x1FF60] =	vst v4  }
0xa: {  	s28 =	sadd.s32 $0x4000, s7;
	v3 =	vor.u32 $0x12E0, v0;
	s2 =	ssub.s32 $0x2, s0;
	s0 =	sor.u32 s0, s1;
	[tilespmem:$0x1FF70] =	vst v60  }
0xb: {  	s29 =	sadd.s32 $0x8000, s7;
	v5 =	vor.u32 $0x1510, v0;
	[dreg:$0x1e] =	wrdreg s28;
	[tilespmem:$0x1FF80] =	vst v3;
	s3 =	smul.u32 $0x3200, s0  }
0xc: {  	s30 =	sadd.s32 $0xC000, s7;
	v6 =	vor.u32 $0x1580, v0;
	[dreg:$0x1f] =	wrdreg s29;
	[tilespmem:$0x1FF90] =	vst v5;
	s0 =	smul.u32 $0x64, s0  }
0xd: {  	v7 =	vor.u32 $0x15F0, v0;
	[smem:$0x7FC] =	sst s30;
	[tilespmem:$0x1FFA0] =	vst v6;
	s22 =	sshrl.u32 s2, $0x1  }
0xe: {  	v8 =	vor.u32 $0x1660, v0;
	[tilespmem:$0x1FFB0] =	vst v7;
	s1 =	ssub.s32 s2, s22;
	[dreg:$0x19] =	wrdreg s0;
	s23 =	sadd.s32 s4, s3  }
.Ltmp0:
0xf: {  	v9 =	vor.u32 $0x16D0, v0;
	[tilespmem:$0x1FFC0] =	vst v8;
	s25 =	sadd.s32 s5, s3;
	[dreg:$0x1a] =	wrdreg s23;
	(pc) =	sbr.rel .LBB2_1-.Ltmp0, $4  }
0x10: {  	v56 =	vor.u32 $0x1740, v0;
	[tilespmem:$0x1FFD0] =	vst v9;
	s24 =	sor.u32 $0x80, s3;
	s31 =	smax.u32 s1, $0x1;
	[dreg:$0x1b] =	wrdreg s25  }
0x11: {  	v63 =	vor.u32 $0x17B0, v0;
	[tilespmem:$0x1FFE0] =	vst v56;
	s26 =	sadd.s32 s4, s24;
	[smem:$0x7FD] =	sst s31  }
0x12: {  	v1 =	vor.u32 $0x1270, v0;
	[tilespmem:$0x1FFF0] =	vst v63;
	s0 =	sadd.s32 s5, s24;
	[dreg:$0x1c] =	wrdreg s26  }
0x13: {  	[tilespmem:$0x1FF10] =	vst v1;
	s2 =	simm.s32 $0x0;
	[dreg:$0x1d] =	wrdreg s0  }
.LBB2_8:
0x14: {  	s0 =	simm.s32 $0x5  }
0x15: {  	_ =	swait.ge [sflag:s0], $0x2000  }
0x16: {  	[sflag:s0] =	ssyncset.done $0x0  }
0x17: {  	[sflag:s0] =	ssyncadd.s32 $0xFFFFE000  }
0x18: {  	_ =	swait.ge [sflag:s0], $0x2000  }
0x19: {  	[sflag:s0] =	ssyncset.done $0x0  }
0x1a: {  	[sflag:s0] =	ssyncadd.s32 $0xFFFFE000  }
0x1b: {  	_ =	swait.ge [sflag:s0], $0x2000  }
0x1c: {  	[sflag:s0] =	ssyncset.done $0x0  }
0x1d: {  	[sflag:s0] =	ssyncadd.s32 $0xFFFFE000  }
0x1e: {  	_ =	swait.ge [sflag:s0], $0x2000  }
0x1f: {  	[sflag:s0] =	ssyncset.done $0x0  }
0x20: {  	s1 =	simm.s32 $0x6;
	[sflag:s0] =	ssyncadd.s32 $0xFFFFE000  }
0x21: {  	_ =	swait.ge [sflag:s1], $0x2000  }
0x22: {  	[sflag:s1] =	ssyncset.done $0x0  }
0x23: {  	[sflag:s1] =	ssyncadd.s32 $0xFFFFE000  }
0x24: {  	_ =	swait.ge [sflag:s1], $0x2000  }
0x25: {  	[sflag:s1] =	ssyncset.done $0x0  }
0x26: {  	[sflag:s1] =	ssyncadd.s32 $0xFFFFE000  }
0x27: {  	_ =	swait.ge [sflag:s1], $0x2000  }
0x28: {  	[sflag:s1] =	ssyncset.done $0x0  }
0x29: {  	[sflag:s1] =	ssyncadd.s32 $0xFFFFE000  }
0x2a: {  	_ =	swait.ge [sflag:s1], $0x2000  }
0x2b: {  	s2 =	sld [smem:$0x7FB]  }
0x2c: {  	s31 =	sld [smem:$0x7FD];
	_ =	sdelay $0x1  }
0x2d: {  	s2 =	sadd.s32 $0x1, s2  }
0x2e: {  	p0 =	sne.s32 s2, s31  }
.Ltmp1:
0x2f: {  	_ = 	snop;
	(pc) =	sbr.rel @!p0 .LBB2_9-.Ltmp1, $4  }
0x30: {  	_ = 	snop  }
0x31: {  	v3 =	vmov v10;
	v10 =	vld [tilespmem:$0x1FF30]  }
0x32: {  	v5 =	vmov v16;
	[sflag:s1] =	ssyncset.done $0x0;
	v11 =	vld [tilespmem:$0x1FF40]  }
0x33: {  	v6 =	vmovc v17;
	v7 =	vmovc v39;
	v8 =	vmov v40;
	v9 =	vmov v41;
	v4 =	vmov v58;
	v12 =	vld [tilespmem:$0x1FF50];
	[sflag:s1] =	ssyncadd.s32 $0xFFFFE000  }
.LBB2_1:
0x34: {  	[smem:$0x7FB] =	sst s2  }
0x35: {  	s0 =	rddreg [dreg:$0x2];
	s23 =	simm.s32 $0x7  }
0x36: {  	[tilespmem:s6], [sflag:$0x7] =	stream.linear.gather [hbm4b:s0+s6], $0x1900, $0x38;
	[tilespmem:$0x12900] =	vst v63  }
0x37: {  	_ =	swait.ge [sflag:s23], $0x1900  }
0x38: {  	[sflag:s23] =	ssyncset.done $0x0  }
0x39: {  	s1 =	simm.s32 $0x1900;
	s24 =	rddreg [dreg:$0x1a];
	[sflag:s23] =	ssyncadd.s32 $0xFFFFE700  }
0x3a: {  	[tilespmem:s1], [sflag:$0x1] =	stream.linear.gather [hbm4b:s24+s6], $0x400, $0x38;
	[tilespmem:$0x12900] =	vst v63  }
0x3b: {  	s26 =	simm.s32 $0x2100;
	s25 =	rddreg [dreg:$0x1b]  }
0x3c: {  	[tilespmem:s26], [sflag:$0x3] =	stream.linear.gather [hbm4b:s25+s6], $0x400, $0x38;
	[tilespmem:$0x12900] =	vst v63  }
0x3d: {  	s29 =	simm.s32 $0x1D00;
	s28 =	rddreg [dreg:$0x1c]  }
0x3e: {  	[tilespmem:s29], [sflag:$0x2] =	stream.linear.gather [hbm4b:s28+s6], $0x400, $0x38;
	[tilespmem:$0x12900] =	vst v63  }
0x3f: {  	s31 =	simm.s32 $0x2500;
	s30 =	rddreg [dreg:$0x1d];
	s1 =	simm.s32 $0x0  }
0x40: {  	[tilespmem:s31], [sflag:$0x4] =	stream.linear.gather [hbm4b:s30+s6], $0x400, $0x38;
	[tilespmem:$0x12900] =	vst v63  }
.LBB2_2:
0x41: {  	[smem:$0x7F9] =	sst s1;
	s0 =	simm.s32 $0x1  }
0x42: {  	_ =	swait.ge [sflag:s0], $0x400  }
0x43: {  	[sflag:s0] =	ssyncset.done $0x0  }
0x44: {  	s5 =	simm.s32 $0x3;
	[sflag:s0] =	ssyncadd.s32 $0xFFFFFC00  }
0x45: {  	_ =	swait.ge [sflag:s5], $0x400  }
0x46: {  	p0 =	seq.s32 s1, $0x0;
	[sflag:s5] =	ssyncset.done $0x0  }
0x47: {  	s0 =	simm.s32 @!p0 $0x5;
	[sflag:s5] =	ssyncadd.s32 $0xFFFFFC00  }
0x48: {  	_ =	swait.ge @!p0 [sflag:s0], $0x2000  }
0x49: {  	[sflag:s0] =	ssyncset.done @!p0 $0x0  }
0x4a: {  	[sflag:s0] =	ssyncadd.s32 @!p0 $0xFFFFE000  }
0x4b: {  	_ =	swait.ge @!p0 [sflag:s0], $0x2000  }
0x4c: {  	[sflag:s0] =	ssyncset.done @!p0 $0x0  }
0x4d: {  	[sflag:s0] =	ssyncadd.s32 @!p0 $0xFFFFE000  }
0x4e: {  	_ =	swait.ge @!p0 [sflag:s0], $0x2000  }
0x4f: {  	[sflag:s0] =	ssyncset.done @!p0 $0x0  }
0x50: {  	[sflag:s0] =	ssyncadd.s32 @!p0 $0xFFFFE000  }
0x51: {  	_ =	swait.ge @!p0 [sflag:s0], $0x2000  }
0x52: {  	[sflag:s0] =	ssyncset.done @!p0 $0x0  }
0x53: {  	s7 =	simm.s32 $0x2110;
	[sflag:s0] =	ssyncadd.s32 @!p0 $0xFFFFE000  }
0x54: {  	v0 =	vld [tilespmem:s7+$0x0]  }
0x55: {  	s8 =	simm.s32 $0x1910  }
0x56: {  	v19 =	vld [tilespmem:s8+$0x0];
	_ =	sdelay $0x1  }
0x57: {  	v14 =	vld [tilespmem:$0x1FF00]  }
0x58: {  	v15 =	vld [tilespmem:$0x1FF10];
	vm0 =	vgt.s32 v0, $0x0  }
0x59: {  	v0 =	vnsel vm0, $0x0, v0  }
0x5a: {  	v19 =	vmul.f32 $2.880000000e+02, v19;
	v0 =	vmin.u32 v0, $0x6  }
0x5b: {  	v1 =	vshll.u32 v0, $0x4  }
0x5c: {  	v19 =	vtrunc.f32 v19;
	v0 =	vor.u32 v14, v1  }
0x5d: {  	v19 =	vcvt.f32.s32 v19;
	v2 =	vadd.s32 v15, v1  }
0x5e: {  	v16 =	vadd.s32 v3, v1  }
0x5f: {  	v18 =	vadd.s32 v59, v1;
	vm9 =	vgt.s32 v19, $0x0  }
0x60: {  	v17 =	vld [tilespmem:s7+$0xFFFFFFF0];
	v20 =	vadd.s32 v10, v1;
	v19 =	vnsel vm9, $0x0, v19  }
0x61: {  	v21 =	vadd.s32 v11, v1;
	v25 =	vmin.u32 v19, $0x11F;
	v0 =	vld.idx.msk [tilespmem:v0+s6+$0x0], $0xffff  }
0x62: {  	v26 =	vadd.s32 $0x5A0, v25;
	v46 =	vld.idx.msk [tilespmem:v2+s6+$0x0], $0xffff  }
0x63: {  	v27 =	vadd.s32 $0x6C0, v25;
	v45 =	vld.idx.msk [tilespmem:v16+s6+$0x0], $0xffff  }
0x64: {  	v28 =	vadd.s32 $0x7E0, v25;
	v44 =	vld.idx.msk [tilespmem:v18+s6+$0x0], $0xffff  }
0x65: {  	v29 =	vadd.s32 $0xA20, v25;
	v43 =	vld.idx.msk [tilespmem:v20+s6+$0x0], $0xffff  }
0x66: {  	vm10 =	vgt.s32 v17, $0x0;
	v30 =	vadd.s32 $0xB40, v25;
	v42 =	vld.idx.msk [tilespmem:v21+s6+$0x0], $0xffff  }
0x67: {  	v17 =	vnsel vm10, $0x0, v17;
	v31 =	vadd.s32 $0xC60, v25;
	v26 =	vld.idx.msk [tilespmem:v26+s6+$0x0], $0xffff  }
0x68: {  	v17 =	vmin.u32 v17, $0x6;
	v33 =	vadd.s32 $0x10E0, v25;
	v47 =	vld.idx.msk [tilespmem:v27+s6+$0x0], $0xffff  }
0x69: {  	v17 =	vshll.u32 v17, $0x4;
	v48 =	vld.idx.msk [tilespmem:v28+s6+$0x0], $0xffff  }
0x6a: {  	v61 =	vadd.s32 v10, v17;
	v49 =	vld.idx.msk [tilespmem:v29+s6+$0x0], $0xffff  }
0x6b: {  	v2 =	vadd.s32 v12, v1;
	v50 =	vld.idx.msk [tilespmem:v30+s6+$0x0], $0xffff  }
0x6c: {  	v16 =	vadd.s32 v5, v1;
	v51 =	vld.idx.msk [tilespmem:v31+s6+$0x0], $0xffff  }
0x6d: {  	v18 =	vor.u32 v6, v1;
	v54 =	vld.idx.msk [tilespmem:v33+s6+$0x0], $0xffff  }
0x6e: {  	v20 =	vadd.s32 v7, v1;
	v31 =	vld [tilespmem:s8+$0xFFFFFFF0]  }
0x6f: {  	v21 =	vadd.s32 v8, v1;
	v33 =	vld.idx.msk [tilespmem:v61+s6+$0x0], $0xffff  }
0x70: {  	v41 =	vld.idx.msk [tilespmem:v2+s6+$0x0], $0xffff;
	v2 =	vadd.s32 v9, v1  }
0x71: {  	v40 =	vld.idx.msk [tilespmem:v16+s6+$0x0], $0xffff;
	v16 =	vadd.s32 v56, v1  }
0x72: {  	v39 =	vld.idx.msk [tilespmem:v18+s6+$0x0], $0xffff;
	v18 =	vadd.s32 v63, v1  }
0x73: {  	v38 =	vld.idx.msk [tilespmem:v20+s6+$0x0], $0xffff;
	v20 =	vadd.s32 v4, v1;
	v1 =	vadd.s32 v60, v1  }
0x74: {  	v24 =	vld.idx.msk [tilespmem:v21+s6+$0x0], $0xffff  }
0x75: {  	v32 =	vadd.s32 $0x480, v25;
	v34 =	vand.u32 $0x7F, v25;
	v27 =	vadd.s32 $0xEA0, v25;
	v23 =	vld.idx.msk [tilespmem:v2+s6+$0x0], $0xffff  }
0x76: {  	v35 =	vadd.s32 $0x900, v25;
	v32 =	vand.u32 $0x780, v32;
	v28 =	vadd.s32 $0xFC0, v25;
	v22 =	vld.idx.msk [tilespmem:v16+s6+$0x0], $0xffff  }
0x77: {  	v13 =	vmov v60;
	v29 =	vor.u32 v34, v32;
	v60 =	vand.u32 $0xB80, v35;
	v21 =	vld.idx.msk [tilespmem:v18+s6+$0x0], $0xffff  }
0x78: {  	v30 =	vor.u32 v34, v60;
	v2 =	vadd.s32 $0x120, v25;
	v19 =	vld.idx.msk [tilespmem:v1+s6+$0x0], $0xffff  }
0x79: {  	v16 =	vadd.s32 $0x240, v25;
	v18 =	vadd.s32 $0x360, v25;
	v1 =	vld.idx.msk [tilespmem:v25+s6+$0x0], $0xffff;
	v25 =	vadd.s32 $0xD80, v25  }
0x7a: {  	v52 =	vld.idx.msk [tilespmem:v27+s6+$0x0], $0xffff;
	v27 =	vor.u32 v14, v17;
	v25 =	vand.u32 $0xF80, v25  }
0x7b: {  	v53 =	vld.idx.msk [tilespmem:v28+s6+$0x0], $0xffff;
	v25 =	vor.u32 v34, v25  }
0x7c: {  	v28 =	vadd.s32 v15, v17;
	v55 =	vld.idx.msk [tilespmem:v29+s6+$0x0], $0xffff  }
0x7d: {  	v20 =	vld.idx.msk [tilespmem:v20+s6+$0x0], $0xffff  }
0x7e: {  	v29 =	vadd.s32 v3, v17;
	v3 =	vmovc v63;
	v63 =	vmov v56;
	v56 =	vld.idx.msk [tilespmem:v30+s6+$0x0], $0xffff;
	v30 =	vadd.s32 v59, v17  }
0x7f: {  	v37 =	vld.idx.msk [tilespmem:v27+s6+$0x0], $0xffff  }
0x80: {  	v57 =	vld.idx.msk [tilespmem:v25+s6+$0x0], $0xffff;
	v25 =	vadd.s32 v11, v17  }
0x81: {  	v36 =	vld.idx.msk [tilespmem:v28+s6+$0x0], $0xffff  }
0x82: {  	v2 =	vld.idx.msk [tilespmem:v2+s6+$0x0], $0xffff  }
0x83: {  	s0 =	simm.s32 $0x0;
	v60 =	vadd.s32 v9, v17;
	v35 =	vld.idx.msk [tilespmem:v30+s6+$0x0], $0xffff;
	v30 =	vmul.f32 $2.880000000e+02, v31  }
0x84: {  	s2 =	simm.s32 $0x10;
	s5 =	sand.u32 $0x1C00, s0;
	v28 =	vadd.s32 v5, v17;
	v34 =	vld.idx.msk [tilespmem:v29+s6+$0x0], $0xffff  }
0x85: {  	s4 =	sand.u32 $0x70, s2;
	s1 =	sadd.s32 $0x2900, s5;
	v29 =	vor.u32 v6, v17;
	v32 =	vld.idx.msk [tilespmem:v25+s6+$0x0], $0xffff;
	v25 =	vtrunc.f32 v30  }
0x86: {  	s3 =	sor.u32 s4, s1;
	v58 =	vadd.s32 v7, v17;
	v16 =	vld.idx.msk [tilespmem:v16+s6+$0x0], $0xffff  }
0x87: {  	v59 =	vadd.s32 v8, v17;
	v27 =	vadd.s32 v12, v17;
	v18 =	vld.idx.msk [tilespmem:v18+s6+$0x0], $0xffff;
	[tilespmem:s3+$0x0] =	vst v1  }
0x88: {  	[tilespmem:s3+$0x80] =	vst v2;
	v2 =	vadd.s32 v3, v17;
	v1 =	vcvt.f32.s32 v25;
	v25 =	vmov v3;
	v3 =	vld.idx.msk [tilespmem:v60+s6+$0x0], $0xffff  }
0x89: {  	s7 =	sand.u32 $0x7, s0;
	[tilespmem:s3+$0x280] =	vst v26;
	v31 =	vld.idx.msk [tilespmem:v28+s6+$0x0], $0xffff  }
0x8a: {  	s7 =	sshll.u32 s7, $0x4;
	[tilespmem:s3+$0x200] =	vst v55;
	v28 =	vld.idx.msk [tilespmem:v29+s6+$0x0], $0xffff  }
0x8b: {  	s7 =	sadd.s32 $0x0, s7;
	v29 =	vld.idx.msk [tilespmem:v58+s6+$0x0], $0xffff;
	[tilespmem:s3+$0x100] =	vst v16  }
0x8c: {  	s7 =	sadd.s32 $0x10, s7;
	[tilespmem:s3+$0x180] =	vst v18;
	v30 =	vld.idx.msk [tilespmem:v27+s6+$0x0], $0xffff  }
0x8d: {  	s10 =	sor.u32 s2, s0;
	s9 =	sor.u32 $0x300, s7;
	v27 =	vld.idx.msk [tilespmem:v59+s6+$0x0], $0xffff;
	[tilespmem:$0x1FEF0] =	vst v3  }
0x8e: {  	s2 =	sadd.s32 $0x4900, s5;
	s7 =	sor.u32 $0x380, s10;
	v61 =	vadd.s32 v63, v17;
	[tilespmem:s9+$0x2900] =	vst v47  }
0x8f: {  	s11 =	sor.u32 s4, s2;
	s3 =	sadd.s32 $0x4980, s5;
	vm11 =	vgt.s32 v1, $0x0;
	[tilespmem:s7+$0x2900] =	vst v48  }
0x90: {  	v62 =	vadd.s32 v4, v17;
	v1 =	vnsel vm11, $0x0, v1;
	s9 =	sor.u32 s4, s3;
	s7 =	sadd.s32 $0x4A00, s5;
	[tilespmem:s11+$0x0] =	vst v56  }
0x91: {  	s8 =	sadd.s32 $0x4A80, s5;
	v58 =	vmin.u32 v1, $0x11F;
	v1 =	vadd.s32 v13, v17;
	s10 =	sor.u32 s4, s7;
	[tilespmem:s9+$0x0] =	vst v49  }
0x92: {  	s12 =	sor.u32 s4, s8;
	v16 =	vadd.s32 $0x480, v58;
	s9 =	sadd.s32 $0x4B00, s5;
	[tilespmem:s10+$0x0] =	vst v50  }
0x93: {  	v55 =	vand.u32 $0x7F, v58;
	v18 =	vand.u32 $0x780, v16;
	v26 =	vld.idx.msk [tilespmem:v61+s6+$0x0], $0xffff;
	s11 =	sadd.s32 $0x4B80, s5;
	s13 =	sor.u32 s4, s9;
	[tilespmem:s12+$0x0] =	vst v51  }
0x94: {  	v17 =	vadd.s32 $0x900, v58;
	v60 =	vor.u32 v55, v18;
	v16 =	vld.idx.msk [tilespmem:v2+s6+$0x0], $0xffff;
	s14 =	sor.u32 s4, s11;
	s12 =	sadd.s32 $0x4C00, s5;
	[tilespmem:s13+$0x0] =	vst v57  }
0x95: {  	v59 =	vand.u32 $0xB80, v17;
	v47 =	vadd.s32 $0x120, v58;
	v17 =	vld.idx.msk [tilespmem:v62+s6+$0x0], $0xffff;
	s13 =	sadd.s32 $0x4C80, s5;
	s15 =	sor.u32 s4, s12;
	[tilespmem:s14+$0x0] =	vst v52  }
0x96: {  	s17 =	simm.s32 $0x2130;
	v62 =	vor.u32 v55, v59;
	v48 =	vadd.s32 $0xD80, v58;
	v18 =	vld.idx.msk [tilespmem:v1+s6+$0x0], $0xffff;
	s14 =	sadd.s32 $0x6900, s5;
	s16 =	sor.u32 s4, s13;
	[tilespmem:s15+$0x0] =	vst v53  }
0x97: {  	v2 =	vand.u32 $0xF80, v48;
	v48 =	vld [tilespmem:s17+$0xFFFFFFF0];
	s15 =	sadd.s32 $0x6980, s5;
	s18 =	sor.u32 s4, s14;
	[tilespmem:s16+$0x0] =	vst v54  }
0x98: {  	v61 =	vadd.s32 $0x5A0, v58;
	v55 =	vor.u32 v55, v2;
	v2 =	vld.idx.msk [tilespmem:v58+s6+$0x0], $0xffff;
	s16 =	sadd.s32 $0x6A00, s5;
	s19 =	sor.u32 s4, s15;
	[tilespmem:s18+$0x0] =	vst v0  }
0x99: {  	s20 =	sadd.s32 $0x6A80, s5;
	v56 =	vld.idx.msk [tilespmem:v60+s6+$0x0], $0xffff;
	s21 =	sor.u32 s4, s16;
	[tilespmem:s19+$0x0] =	vst v46  }
0x9a: {  	s24 =	sadd.s32 $0x6B00, s5;
	s22 =	sor.u32 s4, s20;
	v50 =	vadd.s32 $0x240, v58;
	v51 =	vld.idx.msk [tilespmem:v47+s6+$0x0], $0xffff;
	[tilespmem:s21+$0x0] =	vst v45  }
0x9b: {  	s23 =	sor.u32 s4, s24;
	v60 =	vadd.s32 $0x360, v58;
	v49 =	vld.idx.msk [tilespmem:v62+s6+$0x0], $0xffff;
	s21 =	sadd.s32 $0x6B80, s5;
	[tilespmem:s22+$0x0] =	vst v44  }
0x9c: {  	v62 =	vadd.s32 $0x6C0, v58;
	v57 =	vld [tilespmem:s17+$0x0];
	s17 =	sadd.s32 $0x6C00, s5;
	s25 =	sor.u32 s4, s21;
	[tilespmem:s23+$0x0] =	vst v43  }
0x9d: {  	v59 =	vadd.s32 $0xA20, v58;
	v52 =	vld.idx.msk [tilespmem:v61+s6+$0x0], $0xffff;
	s26 =	sor.u32 s4, s17;
	s18 =	sadd.s32 $0x6C80, s5;
	[tilespmem:s25+$0x0] =	vst v42  }
0x9e: {  	v1 =	vld.idx.msk [tilespmem:v55+s6+$0x0], $0xffff;
	s19 =	sadd.s32 $0x8900, s5;
	s22 =	sor.u32 s4, s18;
	[tilespmem:s26+$0x0] =	vst v41  }
0x9f: {  	v47 =	vadd.s32 $0xEA0, v58;
	v50 =	vld.idx.msk [tilespmem:v50+s6+$0x0], $0xffff;
	s23 =	sor.u32 s4, s19;
	s25 =	sadd.s32 $0x8980, s5;
	[tilespmem:s22+$0x0] =	vst v40  }
0xa0: {  	v55 =	vld.idx.msk [tilespmem:v60+s6+$0x0], $0xffff;
	v60 =	vadd.s32 $0xC60, v58;
	s26 =	sadd.s32 $0x8A00, s5;
	s22 =	sor.u32 s4, s25;
	[tilespmem:s23+$0x0] =	vst v39  }
0xa1: {  	v54 =	vadd.s32 $0x10E0, v58;
	v53 =	vld.idx.msk [tilespmem:v62+s6+$0x0], $0xffff;
	vm12 =	vgt.s32 v57, $0x0;
	s23 =	sor.u32 s4, s26;
	[tilespmem:s22+$0x0] =	vst v38  }
0xa2: {  	v0 =	vadd.s32 $0x7E0, v58;
	v61 =	vnsel vm12, $0x0, v57;
	v57 =	vld.idx.msk [tilespmem:v59+s6+$0x0], $0xffff;
	[tilespmem:s23+$0x0] =	vst v24  }
0xa3: {  	v3 =	vld [tilespmem:$0x1FF80]  }
0xa4: {  	v45 =	vadd.s32 $0xB40, v58;
	v62 =	vmin.u32 v61, $0x6;
	v61 =	vld.idx.msk [tilespmem:v47+s6+$0x0], $0xffff  }
0xa5: {  	s28 =	sadd.s32 $0x8A80, s5;
	v43 =	vadd.s32 $0xFC0, v58;
	v59 =	vshll.u32 v62, $0x4;
	v60 =	vld.idx.msk [tilespmem:v60+s6+$0x0], $0xffff  }
0xa6: {  	v54 =	vld.idx.msk [tilespmem:v54+s6+$0x0], $0xffff;
	v46 =	vor.u32 v14, v59;
	s22 =	sadd.s32 $0x8B00, s5;
	s23 =	sor.u32 s4, s28  }
0xa7: {  	v0 =	vld.idx.msk [tilespmem:v0+s6+$0x0], $0xffff;
	v40 =	vadd.s32 v10, v59;
	s29 =	sor.u32 s4, s22;
	[tilespmem:s23+$0x0] =	vst v23;
	s23 =	sadd.s32 $0x8B80, s5  }
0xa8: {  	s30 =	sor.u32 s4, s23;
	v24 =	vadd.s32 v3, v59;
	v3 =	vld [tilespmem:$0x1FF20];
	[tilespmem:s29+$0x0] =	vst v22;
	s29 =	sadd.s32 $0x8C00, s5  }
0xa9: {  	s31 =	simm.s32 $0x0;
	v58 =	vld.idx.msk [tilespmem:v45+s6+$0x0], $0xffff;
	v38 =	vadd.s32 v15, v59;
	s5 =	sadd.s32 $0x8C80, s5;
	[tilespmem:s30+$0x0] =	vst v21;
	s30 =	sor.u32 s4, s29  }
0xaa: {  	v62 =	vld.idx.msk [tilespmem:v43+s6+$0x0], $0xffff;
	s4 =	sor.u32 s4, s5;
	[tilespmem:s30+$0x0] =	vst v20;
	s30 =	sand.u32 $0x60, s31  }
0xab: {  	v47 =	vld.idx.msk [tilespmem:v46+s6+$0x0], $0xffff;
	v21 =	vadd.s32 v11, v59;
	[tilespmem:s4+$0x0] =	vst v19;
	s1 =	sor.u32 s30, s1  }
0xac: {  	s10 =	simm.s32 $0x1930;
	v43 =	vld.idx.msk [tilespmem:v40+s6+$0x0], $0xffff;
	v20 =	vadd.s32 v12, v59;
	[tilespmem:s1+$0x200] =	vst v56  }
0xad: {  	v22 =	vld [tilespmem:s10+$0x0];
	v19 =	vadd.s32 v5, v59;
	[tilespmem:s1+$0x80] =	vst v51  }
0xae: {  	v46 =	vld.idx.msk [tilespmem:v38+s6+$0x0], $0xffff;
	s4 =	sand.u32 $0x3, s0;
	[tilespmem:s1+$0x100] =	vst v50;
	v23 =	vadd.s32 v3, v59  }
0xaf: {  	s4 =	sshll.u32 s4, $0x5;
	[tilespmem:s1+$0x180] =	vst v55;
	v45 =	vld.idx.msk [tilespmem:v24+s6+$0x0], $0xffff  }
0xb0: {  	[tilespmem:s1+$0x280] =	vst v52;
	v24 =	vadd.s32 v7, v59;
	s4 =	sadd.s32 $0x0, s4;
	v40 =	vld.idx.msk [tilespmem:v21+s6+$0x0], $0xffff  }
0xb1: {  	s0 =	sor.u32 s31, s0;
	[tilespmem:s1+$0x0] =	vst v2;
	s4 =	sor.u32 $0x300, s4;
	v42 =	vld.idx.msk [tilespmem:v20+s6+$0x0], $0xffff;
	v20 =	vadd.s32 v9, v59  }
0xb2: {  	v2 =	vadd.s32 v25, v59;
	s0 =	sor.u32 $0x380, s0;
	v51 =	vadd.s32 v13, v59;
	v22 =	vmul.f32 $2.880000000e+02, v22;
	[tilespmem:s4+$0x2900] =	vst v53;
	v41 =	vld.idx.msk [tilespmem:v19+s6+$0x0], $0xffff  }
0xb3: {  	s2 =	sor.u32 s30, s2;
	v50 =	vadd.s32 v4, v59;
	v19 =	vadd.s32 v63, v59;
	[tilespmem:s0+$0x2900] =	vst v0;
	v44 =	vld.idx.msk [tilespmem:v23+s6+$0x0], $0xffff  }
0xb4: {  	v21 =	vadd.s32 v8, v59;
	v22 =	vtrunc.f32 v22;
	s4 =	sor.u32 s30, s3;
	v23 =	vor.u32 v6, v59;
	v59 =	vld [tilespmem:$0x1FF20];
	[tilespmem:s2+$0x0] =	vst v49  }
0xb5: {  	v22 =	vcvt.f32.s32 v22;
	v38 =	vld.idx.msk [tilespmem:v24+s6+$0x0], $0xffff;
	s2 =	sor.u32 s30, s7;
	[tilespmem:s4+$0x0] =	vst v57  }
0xb6: {  	s3 =	sor.u32 s30, s8;
	v24 =	vld.idx.msk [tilespmem:v20+s6+$0x0], $0xffff;
	[tilespmem:s2+$0x0] =	vst v58  }
0xb7: {  	vm13 =	vgt.s32 v22, $0x0;
	s4 =	sor.u32 s30, s9;
	v20 =	vld.idx.msk [tilespmem:v51+s6+$0x0], $0xffff;
	[tilespmem:s3+$0x0] =	vst v60  }
0xb8: {  	s7 =	sor.u32 s30, s11;
	v0 =	vnsel vm13, $0x0, v22;
	v22 =	vld.idx.msk [tilespmem:v19+s6+$0x0], $0xffff;
	[tilespmem:s4+$0x0] =	vst v1  }
0xb9: {  	s8 =	sor.u32 s30, s12;
	v0 =	vmin.u32 v0, $0x11F;
	v19 =	vld.idx.msk [tilespmem:v50+s6+$0x0], $0xffff;
	[tilespmem:s7+$0x0] =	vst v61  }
0xba: {  	s9 =	sor.u32 s30, s13;
	v56 =	vadd.s32 $0x120, v0;
	v61 =	vld [tilespmem:$0x1FF80];
	[tilespmem:s8+$0x0] =	vst v62  }
0xbb: {  	s11 =	sor.u32 s30, s14;
	v57 =	vadd.s32 $0x240, v0;
	v39 =	vld.idx.msk [tilespmem:v23+s6+$0x0], $0xffff;
	[tilespmem:s9+$0x0] =	vst v54  }
0xbc: {  	s12 =	sor.u32 s30, s15;
	v60 =	vadd.s32 $0x7E0, v0;
	v23 =	vld.idx.msk [tilespmem:v21+s6+$0x0], $0xffff;
	[tilespmem:s11+$0x0] =	vst v37  }
0xbd: {  	s13 =	sor.u32 s30, s16;
	v1 =	vadd.s32 $0x5A0, v0;
	v21 =	vld.idx.msk [tilespmem:v2+s6+$0x0], $0xffff;
	[tilespmem:s12+$0x0] =	vst v36  }
0xbe: {  	s14 =	sor.u32 s30, s20;
	v2 =	vadd.s32 $0x360, v0;
	v50 =	vld.idx.msk [tilespmem:v0+s6+$0x0], $0xffff;
	[tilespmem:s13+$0x0] =	vst v34  }
0xbf: {  	s15 =	sor.u32 s30, s24;
	v58 =	vadd.s32 $0x6C0, v0;
	v49 =	vld.idx.msk [tilespmem:v56+s6+$0x0], $0xffff;
	[tilespmem:s14+$0x0] =	vst v35  }
0xc0: {  	s16 =	sor.u32 s30, s21;
	v54 =	vadd.s32 $0xA20, v0;
	v52 =	vld.idx.msk [tilespmem:v57+s6+$0x0], $0xffff;
	[tilespmem:s15+$0x0] =	vst v33  }
0xc1: {  	s17 =	sor.u32 s30, s17;
	v37 =	vadd.s32 $0xB40, v0;
	v53 =	vld.idx.msk [tilespmem:v60+s6+$0x0], $0xffff;
	[tilespmem:s16+$0x0] =	vst v32  }
0xc2: {  	s18 =	sor.u32 s30, s18;
	v1 =	vld.idx.msk [tilespmem:v1+s6+$0x0], $0xffff;
	v36 =	vadd.s32 $0xC60, v0;
	[tilespmem:s17+$0x0] =	vst v30  }
0xc3: {  	v51 =	vadd.s32 $0xEA0, v0;
	v2 =	vld.idx.msk [tilespmem:v2+s6+$0x0], $0xffff;
	[tilespmem:s18+$0x0] =	vst v31  }
0xc4: {  	v55 =	vadd.s32 $0xFC0, v0;
	v62 =	vadd.s32 $0x480, v0;
	v34 =	vld.idx.msk [tilespmem:v58+s6+$0x0], $0xffff;
	s1 =	sld [smem:$0x7F9]  }
0xc5: {  	s19 =	sor.u32 s30, s19;
	v56 =	vadd.s32 $0x10E0, v0;
	v60 =	vand.u32 $0x780, v62;
	v54 =	vld.idx.msk [tilespmem:v54+s6+$0x0], $0xffff  }
0xc6: {  	v62 =	vadd.s32 $0x900, v0;
	v35 =	vand.u32 $0x7F, v0;
	v0 =	vadd.s32 $0xD80, v0;
	v37 =	vld.idx.msk [tilespmem:v37+s6+$0x0], $0xffff;
	[tilespmem:s19+$0x0] =	vst v28  }
0xc7: {  	v62 =	vand.u32 $0xB80, v62;
	v0 =	vand.u32 $0xF80, v0;
	v33 =	vld.idx.msk [tilespmem:v36+s6+$0x0], $0xffff;
	s0 =	rddreg [dreg:$0x19];
	s1 =	sshll.u32 s1, $0x1  }
0xc8: {  	v60 =	vor.u32 v35, v60;
	v0 =	vor.u32 v35, v0;
	v30 =	vor.u32 v35, v62;
	v35 =	vld.idx.msk [tilespmem:v51+s6+$0x0], $0xffff;
	s0 =	sadd.s32 s0, s1  }
0xc9: {  	s20 =	sor.u32 s30, s25;
	v36 =	vld.idx.msk [tilespmem:v55+s6+$0x0], $0xffff;
	[smem:$0x7FA] =	sst s0  }
0xca: {  	s21 =	sor.u32 s30, s26;
	[tilespmem:s20+$0x0] =	vst v29  }
0xcb: {  	[tilespmem:s21+$0x0] =	vst v27  }
0xcc: {  	v3 =	vmov v25;
	v25 =	vld [tilespmem:$0x1FEF0];
	_ =	sdelay $0x2  }
0xcd: {  	vm14 =	vgt.s32 v48, $0x0  }
0xce: {  	s24 =	sor.u32 s30, s28;
	v28 =	vnsel vm14, $0x0, v48;
	v48 =	vld.idx.msk [tilespmem:v56+s6+$0x0], $0xffff  }
0xcf: {  	s25 =	sor.u32 s30, s22;
	s4 =	simm.s32 $0x100;
	s9 =	sor.u32 s30, s23;
	v30 =	vld.idx.msk [tilespmem:v30+s6+$0x0], $0xffff;
	[tilespmem:s24+$0x0] =	vst v25  }
0xd0: {  	s2 =	sand.u32 $0x1C00, s4;
	s17 =	simm.s32 $0x30;
	v27 =	vld.idx.msk [tilespmem:v60+s6+$0x0], $0xffff;
	[dreg:$0x5] =	wrdreg s9  }
0xd1: {  	s26 =	sadd.s32 $0x2900, s2;
	s12 =	sor.u32 s30, s29;
	s3 =	sand.u32 $0x70, s17;
	[tilespmem:s25+$0x0] =	vst v26  }
0xd2: {  	s18 =	simm.s32 $0x1;
	s11 =	sor.u32 s3, s26;
	v28 =	vmin.u32 v28, $0x6;
	v0 =	vld.idx.msk [tilespmem:v0+s6+$0x0], $0xffff;
	[dreg:$0x7] =	wrdreg s12  }
0xd3: {  	s13 =	sand.u32 $0x3, s18;
	v51 =	vshll.u32 v28, $0x4;
	[tilespmem:s11+$0x0] =	vst v50  }
0xd4: {  	s0 =	sshll.u32 s13, $0x5;
	v25 =	vor.u32 v14, v51;
	[tilespmem:s11+$0x80] =	vst v49  }
0xd5: {  	s31 =	sor.u32 s30, s5;
	s19 =	simm.s32 $0x2;
	s0 =	sadd.s32 $0x100, s0;
	v26 =	vadd.s32 v15, v51;
	[tilespmem:s11+$0x100] =	vst v52  }
0xd6: {  	s15 =	simm.s32 $0x20;
	s14 =	sand.u32 $0x7, s19;
	v28 =	vadd.s32 v61, v51;
	s0 =	sor.u32 $0x300, s0;
	[tilespmem:s11+$0x180] =	vst v2  }
0xd7: {  	s8 =	sor.u32 s15, s4;
	s5 =	sshll.u32 s14, $0x4;
	v29 =	vadd.s32 v59, v51;
	v31 =	vld [tilespmem:s10+$0xFFFFFFF0];
	[dreg:$0xa] =	wrdreg s0  }
0xd8: {  	s5 =	sadd.s32 $0x100, s5;
	s20 =	sor.u32 $0x380, s8;
	[tilespmem:s11+$0x280] =	vst v1  }
0xd9: {  	s16 =	sadd.s32 $0x10, s5;
	v14 =	vld.idx.msk [tilespmem:v25+s6+$0x0], $0xffff;
	[dreg:$0xc] =	wrdreg s20  }
0xda: {  	s22 =	sadd.s32 $0x4900, s2;
	s30 =	sand.u32 $0x60, s15;
	v55 =	vadd.s32 v10, v51;
	s0 =	sor.u32 $0x300, s16;
	v15 =	vld.idx.msk [tilespmem:v26+s6+$0x0], $0xffff;
	[tilespmem:s11+$0x200] =	vst v27  }
0xdb: {  	s23 =	sor.u32 s30, s26;
	s26 =	sor.u32 s30, s22;
	s21 =	sor.u32 s17, s4;
	v2 =	vadd.s32 v11, v51;
	v25 =	vld.idx.msk [tilespmem:v28+s6+$0x0], $0xffff;
	[tilespmem:s0+$0x2900] =	vst v34  }
0xdc: {  	s24 =	sor.u32 $0x380, s21;
	s25 =	sadd.s32 $0x4980, s2;
	v26 =	vld.idx.msk [tilespmem:v29+s6+$0x0], $0xffff;
	[dreg:$0xe] =	wrdreg s26  }
0xdd: {  	s9 =	sor.u32 s30, s25;
	[tilespmem:s24+$0x2900] =	vst v53  }
0xde: {  	s8 =	sor.u32 s3, s22;
	v1 =	vadd.s32 v12, v51;
	s11 =	sadd.s32 $0x4A00, s2;
	[dreg:$0x10] =	wrdreg s9  }
0xdf: {  	v56 =	vadd.s32 v5, v51;
	s14 =	sor.u32 s30, s11;
	v27 =	vld.idx.msk [tilespmem:v55+s6+$0x0], $0xffff;
	[tilespmem:s8+$0x0] =	vst v30  }
0xe0: {  	v57 =	vor.u32 v6, v51;
	s13 =	sadd.s32 $0x4A80, s2;
	s12 =	sor.u32 s3, s25;
	v31 =	vmul.f32 $2.880000000e+02, v31;
	v28 =	vld.idx.msk [tilespmem:v2+s6+$0x0], $0xffff;
	[dreg:$0x12] =	wrdreg s14  }
0xe1: {  	v58 =	vadd.s32 v7, v51;
	s16 =	sor.u32 s30, s13;
	[tilespmem:s12+$0x0] =	vst v54  }
0xe2: {  	v60 =	vadd.s32 v8, v51;
	s15 =	sor.u32 s3, s11;
	v2 =	vtrunc.f32 v31;
	[dreg:$0x14] =	wrdreg s16  }
0xe3: {  	v62 =	vadd.s32 v9, v51;
	s1 =	sadd.s32 $0x4C80, s2;
	s21 =	sor.u32 s3, s13;
	s20 =	sadd.s32 $0x4B00, s2;
	v29 =	vld.idx.msk [tilespmem:v1+s6+$0x0], $0xffff;
	v1 =	vcvt.f32.s32 v2;
	[tilespmem:s15+$0x0] =	vst v37  }
0xe4: {  	s28 =	sor.u32 s30, s1;
	s22 =	sadd.s32 $0x4B80, s2;
	s24 =	sor.u32 s3, s20;
	v2 =	vadd.s32 v63, v51;
	v30 =	vld.idx.msk [tilespmem:v56+s6+$0x0], $0xffff;
	[tilespmem:s21+$0x0] =	vst v33  }
0xe5: {  	s25 =	sadd.s32 $0x4C00, s2;
	s13 =	sadd.s32 $0x6980, s2;
	s26 =	sor.u32 s3, s22;
	v63 =	vadd.s32 v3, v51;
	v31 =	vld.idx.msk [tilespmem:v57+s6+$0x0], $0xffff;
	vm15 =	vgt.s32 v1, $0x0;
	[tilespmem:s24+$0x0] =	vst v0  }
0xe6: {  	s7 =	sor.u32 s30, s20;
	s11 =	sadd.s32 $0x6900, s2;
	s9 =	sor.u32 s3, s25;
	v37 =	vld.idx.msk [tilespmem:v58+s6+$0x0], $0xffff;
	v0 =	vadd.s32 v4, v51;
	v1 =	vnsel vm15, $0x0, v1;
	[tilespmem:s26+$0x0] =	vst v35  }
0xe7: {  	s0 =	simm.s32 $0x2;
	s29 =	sor.u32 s30, s11;
	s12 =	sor.u32 s3, s1;
	v33 =	vld.idx.msk [tilespmem:v60+s6+$0x0], $0xffff;
	v5 =	vmin.u32 v1, $0x11F;
	[tilespmem:s9+$0x0] =	vst v36  }
0xe8: {  	s20 =	sadd.s32 $0x6A80, s2;
	s14 =	sor.u32 s3, s11;
	s1 =	sadd.s32 $0x6B80, s2;
	v1 =	vadd.s32 v13, v51;
	v13 =	vld.idx.msk [tilespmem:v62+s6+$0x0], $0xffff;
	v6 =	vadd.s32 $0x480, v5;
	v7 =	vadd.s32 $0x900, v5;
	[tilespmem:s12+$0x0] =	vst v48  }
0xe9: {  	s16 =	sadd.s32 $0x6A00, s2;
	s15 =	sor.u32 s3, s13;
	s21 =	sor.u32 s30, s22;
	v34 =	vld.idx.msk [tilespmem:v2+s6+$0x0], $0xffff;
	v35 =	vadd.s32 $0x120, v5;
	v36 =	vand.u32 $0x7F, v5;
	[tilespmem:s14+$0x0] =	vst v47;
	v2 =	vand.u32 $0x780, v6  }
0xea: {  	s22 =	sor.u32 s30, s25;
	s24 =	sor.u32 s3, s16;
	s26 =	sadd.s32 $0x6B00, s2;
	v57 =	vadd.s32 $0xD80, v5;
	v50 =	vld.idx.msk [tilespmem:v63+s6+$0x0], $0xffff;
	v58 =	vand.u32 $0xB80, v7;
	[tilespmem:s15+$0x0] =	vst v46;
	v2 =	vor.u32 v36, v2  }
0xeb: {  	s25 =	sor.u32 s3, s20;
	s8 =	sor.u32 s30, s26;
	s5 =	sor.u32 s3, s26;
	v60 =	vand.u32 $0xF80, v57;
	v51 =	vld.idx.msk [tilespmem:v0+s6+$0x0], $0xffff;
	v0 =	vor.u32 v36, v58;
	[tilespmem:s24+$0x0] =	vst v45  }
0xec: {  	s9 =	sor.u32 s30, s1;
	s26 =	sadd.s32 $0x8900, s2;
	s12 =	sor.u32 s30, s13;
	v62 =	vor.u32 v36, v60;
	[tilespmem:s25+$0x0] =	vst v44;
	v48 =	vld.idx.msk [tilespmem:v5+s6+$0x0], $0xffff  }
0xed: {  	s13 =	sor.u32 s30, s16;
	v63 =	vadd.s32 $0x240, v5;
	s16 =	sadd.s32 $0x6C00, s2;
	s15 =	sor.u32 s3, s1;
	v45 =	vld.idx.msk [tilespmem:v1+s6+$0x0], $0xffff;
	[tilespmem:s5+$0x0] =	vst v43  }
0xee: {  	s14 =	sor.u32 s30, s20;
	s20 =	sadd.s32 $0x6C80, s2;
	s24 =	sor.u32 s3, s16;
	v43 =	vld.idx.msk [tilespmem:v35+s6+$0x0], $0xffff;
	[tilespmem:s15+$0x0] =	vst v40  }
0xef: {  	v55 =	vadd.s32 $0x360, v5;
	s11 =	sor.u32 s30, s16;
	s1 =	sadd.s32 $0x8980, s2;
	s25 =	sor.u32 s3, s20;
	[tilespmem:s24+$0x0] =	vst v42;
	v42 =	vld.idx.msk [tilespmem:v2+s6+$0x0], $0xffff  }
0xf0: {  	v53 =	vadd.s32 $0x5A0, v5;
	v52 =	vadd.s32 $0x6C0, v5;
	v47 =	vadd.s32 $0xA20, v5;
	s16 =	sor.u32 s30, s26;
	s5 =	simm.s32 $0x2150;
	v57 =	vld.idx.msk [tilespmem:v0+s6+$0x0], $0xffff;
	[tilespmem:s25+$0x0] =	vst v41;
	s25 =	sor.u32 s3, s26  }
0xf1: {  	v49 =	vadd.s32 $0x7E0, v5;
	v46 =	vadd.s32 $0xB40, v5;
	v1 =	vadd.s32 $0xFC0, v5;
	s15 =	sor.u32 s30, s20;
	v54 =	vld.idx.msk [tilespmem:v62+s6+$0x0], $0xffff;
	s24 =	sadd.s32 $0x8A00, s2;
	s26 =	sor.u32 s3, s1;
	[tilespmem:s25+$0x0] =	vst v39  }
0xf2: {  	v44 =	vadd.s32 $0x10E0, v5;
	s20 =	sor.u32 s30, s1;
	v2 =	vadd.s32 $0xC60, v5;
	v0 =	vadd.s32 $0xEA0, v5;
	s25 =	sadd.s32 $0x8A80, s2;
	[tilespmem:s26+$0x0] =	vst v38;
	v38 =	vld.idx.msk [tilespmem:v63+s6+$0x0], $0xffff;
	s26 =	sor.u32 s3, s24  }
.LBB2_3:
0xf3: {  	v39 =	vld [tilespmem:s5+$0x0]  }
0xf4: {  	s24 =	sor.u32 s30, s24;
	[tilespmem:s26+$0x0] =	vst v23;
	s26 =	sor.u32 s3, s25;
	v23 =	vld [tilespmem:s5+$0xFFFFFFF0];
	s25 =	sor.u32 s30, s25  }
0xf5: {  	s1 =	smov.u32 s31;
	s31 =	sadd.s32 $0x8B00, s2;
	v3 =	vld.idx.msk [tilespmem:v47+s6+$0x0], $0xffff;
	[dreg:$0x15] =	wrdreg s25  }
0xf6: {  	v7 =	vld [tilespmem:$0x1FF10];
	s25 =	sadd.s32 $0x8B80, s2;
	[tilespmem:s26+$0x0] =	vst v24;
	s26 =	sor.u32 s3, s31;
	s31 =	sor.u32 s30, s31  }
0xf7: {  	v24 =	vld.idx.msk [tilespmem:v55+s6+$0x0], $0xffff;
	[dreg:$0x16] =	wrdreg s31;
	s31 =	sadd.s32 $0x8C00, s2;
	[tilespmem:s26+$0x0] =	vst v22;
	s26 =	sor.u32 s3, s25  }
0xf8: {  	v22 =	vld.idx.msk [tilespmem:v53+s6+$0x0], $0xffff;
	s25 =	sor.u32 s30, s25;
	s2 =	sadd.s32 $0x8C80, s2;
	[tilespmem:s26+$0x0] =	vst v21;
	s26 =	sor.u32 s3, s31  }
0xf9: {  	v21 =	vld.idx.msk [tilespmem:v52+s6+$0x0], $0xffff;
	s31 =	sor.u32 s30, s31;
	s30 =	sor.u32 s30, s2;
	s2 =	sor.u32 s3, s2;
	[tilespmem:s26+$0x0] =	vst v19  }
0xfa: {  	v19 =	vld.idx.msk [tilespmem:v49+s6+$0x0], $0xffff;
	s26 =	rddreg [dreg:$0x5];
	[tilespmem:s2+$0x0] =	vst v20  }
0xfb: {  	s3 =	smov.u32 s25;
	s25 =	rddreg [dreg:$0x7];
	vm0 =	vgt.s32 v39, $0x0;
	[tilespmem:s26+$0x0] =	vst v16;
	v16 =	vld [tilespmem:$0x1FFD0]  }
0xfc: {  	v20 =	vnsel vm0, $0x0, v39;
	v4 =	vld.idx.msk [tilespmem:v46+s6+$0x0], $0xffff;
	[tilespmem:s25+$0x0] =	vst v17  }
0xfd: {  	vm1 =	vgt.s32 v23, $0x0;
	v20 =	vmin.u32 v20, $0x6;
	v5 =	vld.idx.msk [tilespmem:v2+s6+$0x0], $0xffff  }
0xfe: {  	v23 =	vnsel vm1, $0x0, v23;
	[tilespmem:s1+$0x0] =	vst v18;
	v2 =	vld [tilespmem:$0x1FF00];
	v20 =	vshll.u32 v20, $0x4  }
0xff: {  	v23 =	vmin.u32 v23, $0x6;
	v6 =	vld.idx.msk [tilespmem:v0+s6+$0x0], $0xffff;
	v40 =	vadd.s32 v7, v20  }
0x100: {  	v23 =	vshll.u32 v23, $0x4;
	v8 =	vld.idx.msk [tilespmem:v44+s6+$0x0], $0xffff  }
0x101: {  	s10 =	sadd.s32 $0x20, s10;
	v47 =	vadd.s32 v7, v23;
	v7 =	vld.idx.msk [tilespmem:v1+s6+$0x0], $0xffff  }
0x102: {  	[tilespmem:s23+$0x200] =	vst v42;
	v42 =	vld [tilespmem:s10+$0x0]  }
0x103: {  	v32 =	vmovc v27;
	v27 =	vmovc v45;
	v53 =	vor.u32 v2, v20;
	v45 =	vor.u32 v2, v23;
	v2 =	vmov v13;
	v13 =	vld [tilespmem:$0x1FF90]  }
0x104: {  	v41 =	vadd.s32 v61, v20;
	v0 =	vld.idx.msk [tilespmem:v40+s6+$0x0], $0xffff  }
0x105: {  	v17 =	vld [tilespmem:$0x1FFE0]  }
0x106: {  	v18 =	vld [tilespmem:$0x1FFF0];
	v44 =	vadd.s32 v59, v20;
	[tilespmem:s23+$0x80] =	vst v43  }
0x107: {  	v62 =	vadd.s32 v10, v23;
	v43 =	vld [tilespmem:$0x1FFA0];
	[tilespmem:s23+$0x100] =	vst v38  }
0x108: {  	v1 =	vmovc v33;
	v33 =	vmov v28;
	v28 =	vmov v14;
	v14 =	vld [tilespmem:$0x1FFB0];
	[tilespmem:s23+$0x180] =	vst v24;
	v40 =	vadd.s32 v12, v20  }
0x109: {  	v9 =	vadd.s32 v10, v20;
	v10 =	vadd.s32 v13, v20;
	[tilespmem:$0x1FEC0] =	vst v0;
	v0 =	vld.idx.msk [tilespmem:v41+s6+$0x0], $0xffff;
	v41 =	vmul.f32 $2.880000000e+02, v42  }
0x10a: {  	[dreg:$0x5] =	wrdreg s3;
	v46 =	vadd.s32 v61, v23;
	v61 =	vadd.s32 v11, v23;
	v39 =	vadd.s32 v11, v20;
	v11 =	vld [tilespmem:$0x1FFC0];
	[tilespmem:s23+$0x280] =	vst v22  }
0x10b: {  	s3 =	rddreg [dreg:$0xa];
	v63 =	vadd.s32 v59, v23;
	[tilespmem:s23+$0x0] =	vst v48;
	v44 =	vld.idx.msk [tilespmem:v44+s6+$0x0], $0xffff;
	v24 =	vtrunc.f32 v41  }
0x10c: {  	s23 =	rddreg [dreg:$0xc];
	[tilespmem:s3+$0x2900] =	vst v21;
	v48 =	vadd.s32 v18, v20;
	v59 =	vadd.s32 v13, v23;
	v13 =	vld [tilespmem:$0x1FF60];
	v22 =	vcvt.f32.s32 v24  }
0x10d: {  	v36 =	vmov v31;
	v31 =	vmov v26;
	v35 =	vmov v30;
	s26 =	smov.u32 s31;
	s25 =	rddreg [dreg:$0xe];
	[tilespmem:s23+$0x2900] =	vst v19;
	v41 =	vld.idx.msk [tilespmem:v40+s6+$0x0], $0xffff  }
0x10e: {  	v30 =	vmovc v25;
	v25 =	vmov v50;
	[dreg:$0x7] =	wrdreg s26;
	[tilespmem:s25+$0x0] =	vst v57;
	v40 =	vld.idx.msk [tilespmem:v10+s6+$0x0], $0xffff;
	v10 =	vadd.s32 v17, v20;
	vm14 =	vgt.s32 v22, $0x0  }
0x10f: {  	v26 =	vmovc v51;
	s26 =	rddreg [dreg:$0x10];
	[tilespmem:$0x1FED0] =	vst v0;
	v0 =	vmovc v34;
	v34 =	vmov v29;
	v29 =	vmov v15;
	v15 =	vld [tilespmem:$0x1FF70];
	v19 =	vnsel vm14, $0x0, v22  }
0x110: {  	s2 =	rddreg [dreg:$0x12];
	v60 =	vadd.s32 v12, v23;
	v52 =	vadd.s32 v17, v23;
	[tilespmem:s26+$0x0] =	vst v3;
	v49 =	vld.idx.msk [tilespmem:v53+s6+$0x0], $0xffff;
	v57 =	vmin.u32 v19, $0x11F  }
0x111: {  	s3 =	rddreg [dreg:$0x14];
	v50 =	vadd.s32 v18, v23;
	v58 =	vor.u32 v43, v23;
	[tilespmem:s2+$0x0] =	vst v4;
	v21 =	vld.idx.msk [tilespmem:v48+s6+$0x0], $0xffff;
	v3 =	vadd.s32 $0x120, v57  }
0x112: {  	v56 =	vadd.s32 v14, v23;
	v55 =	vadd.s32 v11, v23;
	[tilespmem:s3+$0x0] =	vst v5;
	v42 =	vld.idx.msk [tilespmem:v39+s6+$0x0], $0xffff;
	v4 =	vadd.s32 $0x240, v57  }
0x113: {  	[tilespmem:s7+$0x0] =	vst v54;
	v53 =	vadd.s32 v16, v23;
	v51 =	vadd.s32 v13, v23;
	v22 =	vld.idx.msk [tilespmem:v10+s6+$0x0], $0xffff;
	v48 =	vadd.s32 $0x360, v57  }
0x114: {  	[tilespmem:s21+$0x0] =	vst v6;
	v10 =	vadd.s32 $0x6C0, v57;
	v12 =	vadd.s32 v15, v23;
	v23 =	vor.u32 v43, v20;
	v43 =	vld.idx.msk [tilespmem:v9+s6+$0x0], $0xffff  }
0x115: {  	[tilespmem:s22+$0x0] =	vst v7;
	v54 =	vadd.s32 $0x7E0, v57;
	v6 =	vld.idx.msk [tilespmem:v57+s6+$0x0], $0xffff  }
0x116: {  	[tilespmem:s28+$0x0] =	vst v8;
	v8 =	vadd.s32 $0xA20, v57;
	v3 =	vld.idx.msk [tilespmem:v3+s6+$0x0], $0xffff  }
0x117: {  	v18 =	vmov v27;
	[tilespmem:s29+$0x0] =	vst v28;
	v27 =	vadd.s32 $0xFC0, v57;
	v4 =	vld.idx.msk [tilespmem:v4+s6+$0x0], $0xffff  }
0x118: {  	[tilespmem:s12+$0x0] =	vst v29;
	v5 =	vld.idx.msk [tilespmem:v48+s6+$0x0], $0xffff  }
0x119: {  	v17 =	vmov v26;
	[tilespmem:s13+$0x0] =	vst v30;
	v26 =	vadd.s32 $0x480, v57;
	v9 =	vadd.s32 v14, v20;
	v10 =	vld.idx.msk [tilespmem:v10+s6+$0x0], $0xffff  }
0x11a: {  	v11 =	vadd.s32 v11, v20;
	[tilespmem:s14+$0x0] =	vst v31;
	v29 =	vand.u32 $0x7F, v57;
	v26 =	vand.u32 $0x780, v26;
	v7 =	vld.idx.msk [tilespmem:v54+s6+$0x0], $0xffff  }
0x11b: {  	[tilespmem:s8+$0x0] =	vst v32;
	v26 =	vor.u32 v29, v26;
	v8 =	vld.idx.msk [tilespmem:v8+s6+$0x0], $0xffff  }
0x11c: {  	v32 =	vadd.s32 $0x900, v57;
	[tilespmem:$0x1FEE0] =	vst v12;
	v12 =	vadd.s32 v16, v20;
	v54 =	vld.idx.msk [tilespmem:v27+s6+$0x0], $0xffff  }
0x11d: {  	[tilespmem:s9+$0x0] =	vst v33;
	v30 =	vand.u32 $0xB80, v32;
	v33 =	vadd.s32 $0xD80, v57;
	v16 =	vmovc v25;
	v25 =	vadd.s32 $0xEA0, v57;
	v38 =	vld.idx.msk [tilespmem:v23+s6+$0x0], $0xffff  }
0x11e: {  	v30 =	vor.u32 v29, v30;
	v31 =	vand.u32 $0xF80, v33;
	v39 =	vld.idx.msk [tilespmem:v9+s6+$0x0], $0xffff  }
0x11f: {  	v29 =	vor.u32 v29, v31;
	v23 =	vld.idx.msk [tilespmem:v11+s6+$0x0], $0xffff  }
0x120: {  	[tilespmem:s11+$0x0] =	vst v34;
	v9 =	vadd.s32 v13, v20;
	v31 =	vld.idx.msk [tilespmem:v26+s6+$0x0], $0xffff  }
0x121: {  	[tilespmem:s15+$0x0] =	vst v35;
	v11 =	vadd.s32 v15, v20;
	v24 =	vld.idx.msk [tilespmem:v12+s6+$0x0], $0xffff  }
0x122: {  	[tilespmem:s16+$0x0] =	vst v36;
	v48 =	vld.idx.msk [tilespmem:v25+s6+$0x0], $0xffff  }
0x123: {  	v28 =	vadd.s32 $0x10E0, v57;
	[tilespmem:s20+$0x0] =	vst v37;
	v32 =	vld.idx.msk [tilespmem:v30+s6+$0x0], $0xffff  }
0x124: {  	s16 =	rddreg [dreg:$0x15];
	[tilespmem:s24+$0x0] =	vst v1;
	v12 =	vadd.s32 $0xC60, v57;
	v36 =	vld.idx.msk [tilespmem:v29+s6+$0x0], $0xffff  }
0x125: {  	s21 =	rddreg [dreg:$0x16];
	[tilespmem:s16+$0x0] =	vst v2;
	v19 =	vld.idx.msk [tilespmem:v9+s6+$0x0], $0xffff;
	v9 =	vadd.s32 $0x5A0, v57  }
0x126: {  	[tilespmem:s21+$0x0] =	vst v0;
	v20 =	vld.idx.msk [tilespmem:v11+s6+$0x0], $0xffff;
	v11 =	vadd.s32 $0xB40, v57  }
0x127: {  	s4 =	sadd.s32 $0x100, s4;
	v37 =	vld [tilespmem:s10+$0xFFFFFFF0]  }
0x128: {  	s18 =	sadd.s32 $0x1, s18;
	s17 =	sadd.s32 $0x20, s17;
	s2 =	sand.u32 $0x1C00, s4;
	v57 =	vld.idx.msk [tilespmem:v28+s6+$0x0], $0xffff  }
0x129: {  	s3 =	sand.u32 $0x70, s17;
	s13 =	sand.u32 $0x3, s18;
	s15 =	sadd.s32 $0x2900, s2;
	v12 =	vld.idx.msk [tilespmem:v12+s6+$0x0], $0xffff  }
0x12a: {  	s1 =	sshll.u32 s13, $0x5;
	s20 =	sor.u32 s3, s15;
	v9 =	vld.idx.msk [tilespmem:v9+s6+$0x0], $0xffff  }
0x12b: {  	s19 =	sadd.s32 $0x2, s19;
	s1 =	sadd.s32 s1, s4;
	v11 =	vld.idx.msk [tilespmem:v11+s6+$0x0], $0xffff;
	[tilespmem:s20+$0x0] =	vst v6  }
0x12c: {  	s22 =	sand.u32 $0x7, s19;
	s1 =	sor.u32 $0x300, s1;
	v14 =	vld.idx.msk [tilespmem:v45+s6+$0x0], $0xffff;
	[tilespmem:s20+$0x80] =	vst v3  }
0x12d: {  	[dreg:$0xa] =	wrdreg s1;
	s1 =	sshll.u32 s22, $0x4;
	v15 =	vld.idx.msk [tilespmem:v47+s6+$0x0], $0xffff;
	v0 =	vmul.f32 $2.880000000e+02, v37;
	[tilespmem:s20+$0x100] =	vst v4  }
0x12e: {  	s1 =	sadd.s32 s4, s1;
	v25 =	vld.idx.msk [tilespmem:v46+s6+$0x0], $0xffff;
	[tilespmem:s20+$0x180] =	vst v5  }
0x12f: {  	s31 =	smov.u32 s30;
	s1 =	sadd.s32 $0x10, s1;
	v26 =	vld.idx.msk [tilespmem:v63+s6+$0x0], $0xffff;
	[tilespmem:s20+$0x200] =	vst v31;
	v0 =	vtrunc.f32 v0  }
0x130: {  	s25 =	sadd.s32 $0x4900, s2;
	s1 =	sor.u32 $0x300, s1;
	s24 =	sor.u32 s17, s4;
	v27 =	vld.idx.msk [tilespmem:v62+s6+$0x0], $0xffff;
	v0 =	vcvt.f32.s32 v0;
	[tilespmem:s20+$0x280] =	vst v9  }
0x131: {  	s12 =	sor.u32 s3, s25;
	s14 =	sadd.s32 $0xFFFFFFF0, s17;
	s26 =	sor.u32 $0x380, s24;
	v29 =	vld.idx.msk [tilespmem:v60+s6+$0x0], $0xffff;
	[tilespmem:s1+$0x2900] =	vst v10  }
0x132: {  	s30 =	sand.u32 $0x60, s14;
	s7 =	sor.u32 s14, s4;
	s11 =	sadd.s32 $0x4980, s2;
	v30 =	vld.idx.msk [tilespmem:v59+s6+$0x0], $0xffff;
	vm15 =	vgt.s32 v0, $0x0;
	[tilespmem:s26+$0x2900] =	vst v7  }
0x133: {  	s14 =	sadd.s32 $0x4A00, s2;
	s23 =	sor.u32 s30, s15;
	s15 =	sor.u32 s3, s11;
	v59 =	vld [tilespmem:$0x1FF20];
	v0 =	vnsel vm15, $0x0, v0;
	[tilespmem:s12+$0x0] =	vst v32  }
0x134: {  	s8 =	sor.u32 s3, s14;
	v33 =	vld.idx.msk [tilespmem:v55+s6+$0x0], $0xffff;
	s20 =	sadd.s32 $0x4A80, s2;
	v3 =	vmin.u32 v0, $0x11F;
	[tilespmem:s15+$0x0] =	vst v8  }
0x135: {  	s9 =	sor.u32 s30, s25;
	s22 =	sadd.s32 $0x4B00, s2;
	v13 =	vld.idx.msk [tilespmem:v53+s6+$0x0], $0xffff;
	s24 =	sor.u32 s3, s20;
	v0 =	vadd.s32 $0x480, v3;
	[tilespmem:s8+$0x0] =	vst v11  }
0x136: {  	s25 =	sadd.s32 $0x4B80, s2;
	s13 =	sor.u32 s30, s11;
	v34 =	vld.idx.msk [tilespmem:v52+s6+$0x0], $0xffff;
	v62 =	vand.u32 $0x7F, v3;
	s26 =	sor.u32 s3, s22;
	v0 =	vand.u32 $0x780, v0;
	[tilespmem:s24+$0x0] =	vst v12  }
0x137: {  	[dreg:$0x10] =	wrdreg s13;
	s1 =	sadd.s32 $0x4C00, s2;
	s12 =	sor.u32 s3, s25;
	v63 =	vor.u32 v62, v0;
	v0 =	vld [tilespmem:$0x1FEC0];
	[tilespmem:s26+$0x0] =	vst v36  }
0x138: {  	s13 =	sadd.s32 $0x4C80, s2;
	s16 =	sor.u32 s30, s14;
	v50 =	vld.idx.msk [tilespmem:v50+s6+$0x0], $0xffff;
	s14 =	sor.u32 s3, s1;
	[tilespmem:s12+$0x0] =	vst v48  }
0x139: {  	[dreg:$0x12] =	wrdreg s16;
	s16 =	sor.u32 s3, s13;
	v51 =	vld.idx.msk [tilespmem:v51+s6+$0x0], $0xffff;
	s15 =	sadd.s32 $0x6900, s2;
	[tilespmem:s14+$0x0] =	vst v54  }
0x13a: {  	v28 =	vld.idx.msk [tilespmem:v61+s6+$0x0], $0xffff;
	s21 =	sor.u32 s30, s20;
	s20 =	sadd.s32 $0x6980, s2;
	s24 =	sor.u32 s3, s15;
	[tilespmem:s16+$0x0] =	vst v57  }
0x13b: {  	v61 =	vld [tilespmem:$0x1FF80];
	s26 =	sor.u32 s3, s20;
	[tilespmem:s24+$0x0] =	vst v49  }
0x13c: {  	s0 =	sadd.s32 $0x2, s0;
	s7 =	sor.u32 $0x380, s7;
	[tilespmem:s26+$0x0] =	vst v0;
	v0 =	vld [tilespmem:$0x1FED0]  }
0x13d: {  	s5 =	sadd.s32 $0x20, s5;
	p1 =	slt.u32 s0, $0x3E;
	[dreg:$0xc] =	wrdreg s7;
	v37 =	vld.idx.msk [tilespmem:v56+s6+$0x0], $0xffff;
	v2 =	vadd.s32 $0xD80, v3  }
0x13e: {  	[dreg:$0xe] =	wrdreg s9;
	s7 =	sor.u32 s30, s22;
	s28 =	sor.u32 s30, s13;
	v31 =	vld.idx.msk [tilespmem:v58+s6+$0x0], $0xffff;
	v1 =	vadd.s32 $0x900, v3;
	v2 =	vand.u32 $0xF80, v2  }
0x13f: {  	v10 =	vld [tilespmem:$0x1FF30];
	[dreg:$0x14] =	wrdreg s21;
	s21 =	sor.u32 s30, s25;
	v1 =	vand.u32 $0xB80, v1;
	s25 =	sadd.s32 $0x6A00, s2;
	v6 =	vor.u32 v62, v2  }
0x140: {  	s22 =	sor.u32 s30, s1;
	s1 =	sadd.s32 $0x6A80, s2;
	v8 =	vor.u32 v62, v1;
	s9 =	sor.u32 s3, s25;
	v11 =	vld [tilespmem:$0x1FF40]  }
0x141: {  	v58 =	vadd.s32 $0x120, v3;
	s11 =	sor.u32 s3, s1;
	s29 =	sor.u32 s30, s15;
	s15 =	sadd.s32 $0x6B00, s2;
	[tilespmem:s9+$0x0] =	vst v0;
	v0 =	vld [tilespmem:$0x1FEE0]  }
0x142: {  	s13 =	sor.u32 s30, s25;
	s25 =	sadd.s32 $0x6C80, s2;
	v12 =	vld [tilespmem:$0x1FF50];
	s8 =	sor.u32 s30, s15  }
0x143: {  	v60 =	vadd.s32 $0x240, v3;
	s12 =	sor.u32 s30, s20;
	v48 =	vld.idx.msk [tilespmem:v3+s6+$0x0], $0xffff;
	s20 =	sor.u32 s3, s15;
	s16 =	sadd.s32 $0x6B80, s2;
	[tilespmem:s11+$0x0] =	vst v44  }
0x144: {  	v54 =	vld.idx.msk [tilespmem:v6+s6+$0x0], $0xffff;
	s24 =	sadd.s32 $0x6C00, s2;
	s15 =	sor.u32 s3, s16;
	s26 =	sadd.s32 $0x8900, s2;
	[tilespmem:s20+$0x0] =	vst v43  }
.Ltmp2:
0x145: {  	v57 =	vld.idx.msk [tilespmem:v8+s6+$0x0], $0xffff;
	s9 =	sor.u32 s30, s16;
	s16 =	sor.u32 s3, s24;
	[tilespmem:s15+$0x0] =	vst v42;
	(pc) =	sbr.rel @p1 .LBB2_3-.Ltmp2, $4  }
0x146: {  	v55 =	vadd.s32 $0x360, v3;
	s14 =	sor.u32 s30, s1;
	s1 =	sor.u32 s3, s26;
	v43 =	vld.idx.msk [tilespmem:v58+s6+$0x0], $0xffff;
	s20 =	sor.u32 s3, s25;
	[tilespmem:s16+$0x0] =	vst v41  }
0x147: {  	v53 =	vadd.s32 $0x5A0, v3;
	v52 =	vadd.s32 $0x6C0, v3;
	v47 =	vadd.s32 $0xA20, v3;
	s11 =	sor.u32 s30, s24;
	v42 =	vld.idx.msk [tilespmem:v63+s6+$0x0], $0xffff;
	s15 =	sor.u32 s30, s25;
	s25 =	sadd.s32 $0x8980, s2;
	[tilespmem:s20+$0x0] =	vst v40  }
0x148: {  	v46 =	vadd.s32 $0xB40, v3;
	v2 =	vadd.s32 $0xC60, v3;
	v1 =	vadd.s32 $0xFC0, v3;
	s24 =	sadd.s32 $0x8A00, s2;
	s16 =	sor.u32 s30, s26;
	[tilespmem:s1+$0x0] =	vst v38;
	s1 =	sor.u32 s3, s25;
	v38 =	vld.idx.msk [tilespmem:v60+s6+$0x0], $0xffff  }
0x149: {  	v49 =	vadd.s32 $0x7E0, v3;
	v44 =	vadd.s32 $0x10E0, v3;
	s26 =	sor.u32 s3, s24;
	s20 =	sor.u32 s30, s25;
	s25 =	sadd.s32 $0x8A80, s2;
	[tilespmem:s1+$0x0] =	vst v39;
	v45 =	vld.idx.msk [tilespmem:v0+s6+$0x0], $0xffff;
	v0 =	vadd.s32 $0xEA0, v3  }
0x14a: {  	_ =	sdelay $0x3  }
0x14b: {  	v3 =	vld.idx.msk [tilespmem:v55+s6+$0x0], $0xffff  }
0x14c: {  	[tilespmem:s26+$0x0] =	vst v23;
	v4 =	vld.idx.msk [tilespmem:v53+s6+$0x0], $0xffff;
	s0 =	sadd.s32 $0x8B00, s2;
	s4 =	sor.u32 s3, s25  }
0x14d: {  	v5 =	vld.idx.msk [tilespmem:v52+s6+$0x0], $0xffff;
	s18 =	sadd.s32 $0x8B80, s2;
	[tilespmem:s4+$0x0] =	vst v24;
	s5 =	sor.u32 s3, s0  }
0x14e: {  	v6 =	vld.idx.msk [tilespmem:v49+s6+$0x0], $0xffff;
	s19 =	sadd.s32 $0x8C00, s2;
	s10 =	sor.u32 s3, s18;
	[tilespmem:s5+$0x0] =	vst v22  }
0x14f: {  	s26 =	sadd.s32 $0x8C80, s2;
	v7 =	vld.idx.msk [tilespmem:v47+s6+$0x0], $0xffff;
	s1 =	sor.u32 s3, s19;
	[tilespmem:s10+$0x0] =	vst v21  }
0x150: {  	v8 =	vld.idx.msk [tilespmem:v46+s6+$0x0], $0xffff;
	s10 =	sor.u32 s3, s26;
	[tilespmem:s1+$0x0] =	vst v19  }
0x151: {  	v2 =	vld.idx.msk [tilespmem:v2+s6+$0x0], $0xffff;
	[tilespmem:s10+$0x0] =	vst v20  }
0x152: {  	v0 =	vld.idx.msk [tilespmem:v0+s6+$0x0], $0xffff;
	s3 =	rddreg [dreg:$0x5]  }
0x153: {  	v1 =	vld.idx.msk [tilespmem:v1+s6+$0x0], $0xffff;
	[tilespmem:s3+$0x0] =	vst v16  }
0x154: {  	v9 =	vld.idx.msk [tilespmem:v44+s6+$0x0], $0xffff;
	s3 =	rddreg [dreg:$0x7];
	[tilespmem:s23+$0x200] =	vst v42  }
0x155: {  	[tilespmem:s23+$0x80] =	vst v43  }
0x156: {  	[tilespmem:s23+$0x100] =	vst v38  }
0x157: {  	[tilespmem:s23+$0x180] =	vst v3  }
0x158: {  	[tilespmem:s23+$0x280] =	vst v4  }
0x159: {  	[tilespmem:s23+$0x0] =	vst v48  }
0x15a: {  	[tilespmem:s3+$0x0] =	vst v17  }
0x15b: {  	[tilespmem:s31+$0x0] =	vst v18  }
0x15c: {  	s1 =	rddreg [dreg:$0xa]  }
0x15d: {  	[tilespmem:s1+$0x2900] =	vst v5  }
0x15e: {  	s1 =	rddreg [dreg:$0xc]  }
0x15f: {  	[tilespmem:s1+$0x2900] =	vst v6  }
0x160: {  	s1 =	rddreg [dreg:$0xe]  }
0x161: {  	[tilespmem:s1+$0x0] =	vst v57  }
0x162: {  	s1 =	rddreg [dreg:$0x10]  }
0x163: {  	[tilespmem:s1+$0x0] =	vst v7  }
0x164: {  	s1 =	rddreg [dreg:$0x12]  }
0x165: {  	[tilespmem:s1+$0x0] =	vst v8  }
0x166: {  	s1 =	rddreg [dreg:$0x14]  }
0x167: {  	[tilespmem:s1+$0x0] =	vst v2  }
0x168: {  	[tilespmem:s7+$0x0] =	vst v54  }
0x169: {  	[tilespmem:s21+$0x0] =	vst v0  }
0x16a: {  	[tilespmem:s22+$0x0] =	vst v1  }
0x16b: {  	[tilespmem:s28+$0x0] =	vst v9  }
0x16c: {  	[tilespmem:s29+$0x0] =	vst v14  }
0x16d: {  	[tilespmem:s12+$0x0] =	vst v15  }
0x16e: {  	[tilespmem:s13+$0x0] =	vst v25  }
0x16f: {  	[tilespmem:s14+$0x0] =	vst v26  }
0x170: {  	[tilespmem:s8+$0x0] =	vst v27  }
0x171: {  	[tilespmem:s9+$0x0] =	vst v28  }
0x172: {  	[tilespmem:s11+$0x0] =	vst v29  }
0x173: {  	[tilespmem:s15+$0x0] =	vst v30  }
0x174: {  	[tilespmem:s16+$0x0] =	vst v31  }
0x175: {  	s12 =	sor.u32 s30, s24;
	[tilespmem:s20+$0x0] =	vst v37  }
0x176: {  	s13 =	sor.u32 s30, s25;
	[tilespmem:s12+$0x0] =	vst v33  }
0x177: {  	[tilespmem:s13+$0x0] =	vst v13  }
0x178: {  	s0 =	sor.u32 s30, s0;
	s7 =	sld [smem:$0x7FA]  }
0x179: {  	s4 =	sor.u32 s30, s18;
	[tilespmem:s0+$0x0] =	vst v34  }
0x17a: {  	s18 =	sor.u32 s30, s19;
	[tilespmem:s4+$0x0] =	vst v50  }
0x17b: {  	s19 =	sor.u32 s30, s26;
	[tilespmem:s18+$0x0] =	vst v51;
	s14 =	sshll.u32 s7, $0xD;
	s15 =	sshll.u32 s7, $0xF  }
0x17c: {  	s21 =	rddreg [dreg:$0x3];
	[tilespmem:s19+$0x0] =	vst v45;
	s16 =	sand.u32 $0x1C000, s14;
	s17 =	sand.u32 $0x7FF80000, s15  }
0x17d: {  	s23 =	rddreg [dreg:$0x1e];
	s0 =	sor.u32 s16, s17  }
0x17e: {  	s25 =	rddreg [dreg:$0x1f];
	s20 =	sshrl.u32 s0, $0x3  }
0x17f: {  	s22 =	simm.s32 $0x2900;
	s3 =	sld [smem:$0x7FC];
	s0 =	sadd.s32 s21, s20  }
0x180: {  	[hbm4b:s0+s6] =	stream.linear.scatter [tilespmem:s22], [sflag:$0x5], $0x2000, $0x38;
	[tilespmem:$0x12900] =	vst v63  }
0x181: {  	s24 =	simm.s32 $0x4900;
	s5 =	sld [smem:$0x7F9];
	s0 =	sadd.s32 s20, s23  }
0x182: {  	[hbm4b:s0+s6] =	stream.linear.scatter [tilespmem:s24], [sflag:$0x5], $0x2000, $0x38;
	[tilespmem:$0x12900] =	vst v63  }
0x183: {  	s26 =	simm.s32 $0x6900;
	s0 =	sadd.s32 s20, s25  }
0x184: {  	[hbm4b:s0+s6] =	stream.linear.scatter [tilespmem:s26], [sflag:$0x5], $0x2000, $0x38;
	[tilespmem:$0x12900] =	vst v63  }
0x185: {  	s4 =	simm.s32 $0x8900;
	p1 =	seq.s32 s5, $0x31;
	s0 =	sadd.s32 s20, s3  }
0x186: {  	[hbm4b:s0+s6] =	stream.linear.scatter [tilespmem:s4], [sflag:$0x5], $0x2000, $0x38;
	[tilespmem:$0x12900] =	vst v63  }
0x187: {  	s1 =	rddreg [dreg:$0x0];
	s0 =	sshll.u32 @!p1 s7, $0x7  }
0x188: {  	[smem:$0x7F8] =	sst s20;
	s0 =	sadd.s32 @!p1 $0x100, s0  }
0x189: {  	s2 =	simm.s32 @!p1 $0x0;
	s3 =	simm.s32 @!p1 $0x1900;
	s1 =	sadd.s32 @!p1 s1, s0  }
0x18a: {  	[tilespmem:s3], [sflag:$0x1] =	stream.linear.gather @!p1 [hbm4b:s1+s2], $0x400, $0x38;
	[tilespmem:$0x12900] =	vst v63  }
0x18b: {  	s1 =	rddreg [dreg:$0x1]  }
0x18c: {  	s7 =	simm.s32 $0x2;
	s0 =	sadd.s32 @!p1 s1, s0;
	s1 =	simm.s32 @!p1 $0x2100  }
0x18d: {  	[tilespmem:s1], [sflag:$0x3] =	stream.linear.gather @!p1 [hbm4b:s0+s2], $0x400, $0x38;
	[tilespmem:$0x12900] =	vst v63  }
0x18e: {  	_ =	swait.ge [sflag:s7], $0x400  }
0x18f: {  	[sflag:s7] =	ssyncset.done $0x0  }
0x190: {  	s8 =	simm.s32 $0x4;
	[sflag:s7] =	ssyncadd.s32 $0xFFFFFC00  }
0x191: {  	_ =	swait.ge [sflag:s8], $0x400  }
0x192: {  	[sflag:s8] =	ssyncset.done $0x0  }
0x193: {  	s0 =	simm.s32 @!p0 $0x6;
	[sflag:s8] =	ssyncadd.s32 $0xFFFFFC00  }
0x194: {  	_ =	swait.ge @!p0 [sflag:s0], $0x2000  }
0x195: {  	[sflag:s0] =	ssyncset.done @!p0 $0x0  }
0x196: {  	[sflag:s0] =	ssyncadd.s32 @!p0 $0xFFFFE000  }
0x197: {  	_ =	swait.ge @!p0 [sflag:s0], $0x2000  }
0x198: {  	[sflag:s0] =	ssyncset.done @!p0 $0x0  }
0x199: {  	[sflag:s0] =	ssyncadd.s32 @!p0 $0xFFFFE000  }
0x19a: {  	_ =	swait.ge @!p0 [sflag:s0], $0x2000  }
0x19b: {  	[sflag:s0] =	ssyncset.done @!p0 $0x0  }
0x19c: {  	[sflag:s0] =	ssyncadd.s32 @!p0 $0xFFFFE000  }
0x19d: {  	_ =	swait.ge @!p0 [sflag:s0], $0x2000  }
0x19e: {  	[sflag:s0] =	ssyncset.done @!p0 $0x0  }
0x19f: {  	s9 =	simm.s32 $0x2510;
	[sflag:s0] =	ssyncadd.s32 @!p0 $0xFFFFE000  }
0x1a0: {  	v0 =	vld [tilespmem:s9+$0x0]  }
0x1a1: {  	v15 =	vld [tilespmem:$0x1FF00]  }
0x1a2: {  	v31 =	vld [tilespmem:$0x1FF10]  }
0x1a3: {  	v54 =	vld [tilespmem:$0x1FF90]  }
0x1a4: {  	v55 =	vld [tilespmem:$0x1FFA0]  }
0x1a5: {  	v56 =	vld [tilespmem:$0x1FFB0];
	vm0 =	vgt.s32 v0, $0x0  }
0x1a6: {  	s10 =	simm.s32 $0x1D10;
	v57 =	vld [tilespmem:$0x1FFC0];
	v0 =	vnsel vm0, $0x0, v0  }
0x1a7: {  	v36 =	vld [tilespmem:s10+$0x0];
	v0 =	vmin.u32 v0, $0x6  }
0x1a8: {  	v58 =	vld [tilespmem:$0x1FFD0];
	v1 =	vshll.u32 v0, $0x4  }
0x1a9: {  	v60 =	vld [tilespmem:$0x1FFE0];
	v0 =	vor.u32 v15, v1  }
0x1aa: {  	v34 =	vld [tilespmem:s9+$0xFFFFFFF0];
	v2 =	vadd.s32 v31, v1  }
0x1ab: {  	v62 =	vld [tilespmem:$0x1FFF0];
	v3 =	vadd.s32 v61, v1  }
0x1ac: {  	v53 =	vld [tilespmem:$0x1FF60];
	v6 =	vmul.f32 $2.880000000e+02, v36;
	v35 =	vadd.s32 v59, v1  }
0x1ad: {  	v41 =	vld [tilespmem:$0x1FF70];
	v37 =	vadd.s32 v10, v1  }
0x1ae: {  	v6 =	vtrunc.f32 v6;
	v8 =	vadd.s32 v11, v1;
	v0 =	vld.idx.msk [tilespmem:v0+s6+$0x0], $0xffff  }
0x1af: {  	vm10 =	vgt.s32 v34, $0x0;
	v6 =	vcvt.f32.s32 v6;
	v38 =	vor.u32 v55, v1;
	v46 =	vld.idx.msk [tilespmem:v2+s6+$0x0], $0xffff  }
0x1b0: {  	v4 =	vnsel vm10, $0x0, v34;
	v47 =	vadd.s32 v56, v1;
	v45 =	vld.idx.msk [tilespmem:v3+s6+$0x0], $0xffff  }
0x1b1: {  	v4 =	vmin.u32 v4, $0x6;
	v48 =	vadd.s32 v62, v1;
	vm9 =	vgt.s32 v6, $0x0;
	v44 =	vld.idx.msk [tilespmem:v35+s6+$0x0], $0xffff  }
0x1b2: {  	v63 =	vmovc v10;
	v4 =	vshll.u32 v4, $0x4;
	v49 =	vadd.s32 v53, v1;
	v6 =	vnsel vm9, $0x0, v6;
	v43 =	vld.idx.msk [tilespmem:v37+s6+$0x0], $0xffff  }
0x1b3: {  	v28 =	vadd.s32 v63, v4;
	v6 =	vmin.u32 v6, $0x11F;
	v42 =	vld.idx.msk [tilespmem:v8+s6+$0x0], $0xffff  }
0x1b4: {  	v50 =	vadd.s32 $0x360, v6;
	v39 =	vld.idx.msk [tilespmem:v38+s6+$0x0], $0xffff  }
0x1b5: {  	v51 =	vadd.s32 $0x5A0, v6;
	v38 =	vld.idx.msk [tilespmem:v47+s6+$0x0], $0xffff  }
0x1b6: {  	v9 =	vadd.s32 $0x7E0, v6;
	v21 =	vld.idx.msk [tilespmem:v48+s6+$0x0], $0xffff  }
0x1b7: {  	v10 =	vadd.s32 $0xA20, v6;
	v20 =	vld.idx.msk [tilespmem:v49+s6+$0x0], $0xffff  }
0x1b8: {  	v13 =	vmov v11;
	v11 =	vadd.s32 $0xB40, v6;
	v33 =	vld.idx.msk [tilespmem:v28+s6+$0x0], $0xffff  }
0x1b9: {  	v16 =	vadd.s32 $0xEA0, v6;
	v5 =	vld.idx.msk [tilespmem:v50+s6+$0x0], $0xffff  }
0x1ba: {  	v18 =	vadd.s32 $0xFC0, v6;
	v7 =	vld.idx.msk [tilespmem:v51+s6+$0x0], $0xffff  }
0x1bb: {  	v25 =	vadd.s32 $0x10E0, v6;
	v9 =	vld.idx.msk [tilespmem:v9+s6+$0x0], $0xffff  }
0x1bc: {  	v2 =	vadd.s32 v12, v1;
	v10 =	vld.idx.msk [tilespmem:v10+s6+$0x0], $0xffff  }
0x1bd: {  	v3 =	vadd.s32 v54, v1;
	v11 =	vld.idx.msk [tilespmem:v11+s6+$0x0], $0xffff  }
0x1be: {  	v17 =	vadd.s32 $0x480, v6;
	v8 =	vadd.s32 v57, v1;
	v47 =	vld.idx.msk [tilespmem:v16+s6+$0x0], $0xffff  }
0x1bf: {  	v14 =	vmovc v12;
	v26 =	vand.u32 $0x7F, v6;
	v12 =	vadd.s32 $0xC60, v6;
	v17 =	vand.u32 $0x780, v17;
	v48 =	vld.idx.msk [tilespmem:v18+s6+$0x0], $0xffff  }
0x1c0: {  	v17 =	vor.u32 v26, v17;
	v50 =	vld.idx.msk [tilespmem:v25+s6+$0x0], $0xffff  }
0x1c1: {  	v19 =	vld.idx.msk [tilespmem:v2+s6+$0x0], $0xffff;
	v2 =	vadd.s32 v58, v1  }
0x1c2: {  	v40 =	vld.idx.msk [tilespmem:v3+s6+$0x0], $0xffff;
	v3 =	vadd.s32 v60, v1  }
0x1c3: {  	v27 =	vadd.s32 $0x900, v6;
	v24 =	vld.idx.msk [tilespmem:v8+s6+$0x0], $0xffff;
	v1 =	vadd.s32 v41, v1  }
0x1c4: {  	v27 =	vand.u32 $0xB80, v27;
	v12 =	vld.idx.msk [tilespmem:v12+s6+$0x0], $0xffff  }
0x1c5: {  	v27 =	vor.u32 v26, v27;
	v17 =	vld.idx.msk [tilespmem:v17+s6+$0x0], $0xffff  }
0x1c6: {  	v23 =	vld.idx.msk [tilespmem:v2+s6+$0x0], $0xffff  }
0x1c7: {  	v16 =	vor.u32 v15, v4;
	v22 =	vld.idx.msk [tilespmem:v3+s6+$0x0], $0xffff  }
0x1c8: {  	v8 =	vadd.s32 $0x6C0, v6;
	v30 =	vld.idx.msk [tilespmem:v1+s6+$0x0], $0xffff  }
0x1c9: {  	v2 =	vadd.s32 $0x120, v6;
	v3 =	vadd.s32 $0x240, v6;
	v1 =	vld.idx.msk [tilespmem:v6+s6+$0x0], $0xffff;
	v6 =	vadd.s32 $0xD80, v6  }
0x1ca: {  	v49 =	vld.idx.msk [tilespmem:v27+s6+$0x0], $0xffff;
	v6 =	vand.u32 $0xF80, v6  }
0x1cb: {  	v27 =	vld [tilespmem:s10+$0xFFFFFFF0];
	v6 =	vor.u32 v26, v6  }
0x1cc: {  	s0 =	simm.s32 $0x0;
	v37 =	vld.idx.msk [tilespmem:v16+s6+$0x0], $0xffff;
	v16 =	vadd.s32 v14, v4  }
0x1cd: {  	s11 =	simm.s32 $0x10;
	s5 =	sand.u32 $0x1C00, s0;
	v25 =	vadd.s32 v61, v4;
	v8 =	vld.idx.msk [tilespmem:v8+s6+$0x0], $0xffff  }
0x1ce: {  	s4 =	sand.u32 $0x70, s11;
	s1 =	sadd.s32 $0xA900, s5;
	v29 =	vadd.s32 v13, v4;
	v2 =	vld.idx.msk [tilespmem:v2+s6+$0x0], $0xffff  }
0x1cf: {  	s12 =	sor.u32 s4, s1;
	v18 =	vadd.s32 v31, v4;
	v3 =	vld.idx.msk [tilespmem:v3+s6+$0x0], $0xffff  }
0x1d0: {  	v26 =	vadd.s32 v59, v4;
	v6 =	vld.idx.msk [tilespmem:v6+s6+$0x0], $0xffff;
	[tilespmem:s12+$0x0] =	vst v1  }
0x1d1: {  	s13 =	sand.u32 $0x7, s0;
	v28 =	vld.idx.msk [tilespmem:v16+s6+$0x0], $0xffff;
	v16 =	vadd.s32 v60, v4;
	[tilespmem:s12+$0x180] =	vst v5  }
0x1d2: {  	s7 =	sshll.u32 s13, $0x4;
	v34 =	vld.idx.msk [tilespmem:v25+s6+$0x0], $0xffff;
	v25 =	vor.u32 v55, v4;
	[tilespmem:s12+$0x280] =	vst v7  }
0x1d3: {  	s7 =	sadd.s32 $0x0, s7;
	v52 =	vadd.s32 v58, v4;
	v32 =	vld.idx.msk [tilespmem:v29+s6+$0x0], $0xffff;
	[tilespmem:s12+$0x200] =	vst v17  }
0x1d4: {  	s7 =	sadd.s32 $0x10, s7;
	v36 =	vld.idx.msk [tilespmem:v18+s6+$0x0], $0xffff;
	v18 =	vadd.s32 v54, v4;
	[tilespmem:s12+$0x80] =	vst v2  }
0x1d5: {  	s14 =	sor.u32 $0x300, s7;
	v35 =	vld.idx.msk [tilespmem:v26+s6+$0x0], $0xffff;
	v26 =	vmul.f32 $2.880000000e+02, v27;
	v27 =	vadd.s32 v56, v4;
	[tilespmem:s12+$0x100] =	vst v3  }
0x1d6: {  	v51 =	vadd.s32 v57, v4;
	[tilespmem:s14+$0xA900] =	vst v8;
	v8 =	vld.idx.msk [tilespmem:v16+s6+$0x0], $0xffff  }
0x1d7: {  	v25 =	vld.idx.msk [tilespmem:v25+s6+$0x0], $0xffff;
	v2 =	vadd.s32 v62, v4  }
0x1d8: {  	v17 =	vld.idx.msk [tilespmem:v52+s6+$0x0], $0xffff;
	v26 =	vtrunc.f32 v26  }
0x1d9: {  	v1 =	vcvt.f32.s32 v26;
	v26 =	vld.idx.msk [tilespmem:v18+s6+$0x0], $0xffff  }
0x1da: {  	v29 =	vld.idx.msk [tilespmem:v27+s6+$0x0], $0xffff  }
0x1db: {  	v27 =	vld.idx.msk [tilespmem:v51+s6+$0x0], $0xffff;
	[tilespmem:$0x1FEB0] =	vst v8  }
0x1dc: {  	v2 =	vld.idx.msk [tilespmem:v2+s6+$0x0], $0xffff  }
0x1dd: {  	v3 =	vadd.s32 v53, v4  }
0x1de: {  	s15 =	sor.u32 s11, s0  }
0x1df: {  	s7 =	sor.u32 $0x380, s15  }
0x1e0: {  	[tilespmem:s7+$0xA900] =	vst v9  }
0x1e1: {  	vm11 =	vgt.s32 v1, $0x0;
	[tilespmem:$0x1FE80] =	vst v2  }
0x1e2: {  	v1 =	vnsel vm11, $0x0, v1;
	v3 =	vld.idx.msk [tilespmem:v3+s6+$0x0], $0xffff  }
0x1e3: {  	v5 =	vmin.u32 v1, $0x11F;
	v1 =	vadd.s32 v41, v4  }
0x1e4: {  	s2 =	sadd.s32 $0xC900, s5  }
0x1e5: {  	s16 =	sor.u32 s4, s2  }
0x1e6: {  	[tilespmem:s16+$0x0] =	vst v49  }
0x1e7: {  	[tilespmem:$0x1FE90] =	vst v3  }
0x1e8: {  	v1 =	vld.idx.msk [tilespmem:v1+s6+$0x0], $0xffff  }
0x1e9: {  	s3 =	sadd.s32 $0xC980, s5  }
0x1ea: {  	s17 =	sor.u32 s4, s3;
	s7 =	sadd.s32 $0xCA00, s5  }
0x1eb: {  	v52 =	vadd.s32 $0x480, v5;
	v9 =	vadd.s32 $0xD80, v5;
	s18 =	sor.u32 s4, s7;
	[tilespmem:s17+$0x0] =	vst v10  }
0x1ec: {  	s8 =	sadd.s32 $0xCA80, s5;
	v51 =	vadd.s32 $0x900, v5;
	v18 =	vand.u32 $0x7F, v5;
	v2 =	vand.u32 $0xF80, v9;
	[tilespmem:s18+$0x0] =	vst v11  }
0x1ed: {  	s9 =	sadd.s32 $0xCB00, s5;
	s19 =	sor.u32 s4, s8;
	v4 =	vand.u32 $0x780, v52;
	v8 =	vadd.s32 $0x120, v5;
	v52 =	vor.u32 v18, v2;
	v2 =	vld.idx.msk [tilespmem:v5+s6+$0x0], $0xffff;
	[tilespmem:$0x1FEA0] =	vst v1  }
0x1ee: {  	s20 =	sor.u32 s4, s9;
	s10 =	sadd.s32 $0xCB80, s5;
	v7 =	vand.u32 $0xB80, v51;
	v4 =	vor.u32 v18, v4;
	[tilespmem:s19+$0x0] =	vst v12  }
0x1ef: {  	s21 =	sor.u32 s4, s10;
	s12 =	sadd.s32 $0xCC00, s5;
	v3 =	vor.u32 v18, v7;
	[tilespmem:s20+$0x0] =	vst v6  }
0x1f0: {  	s13 =	sadd.s32 $0xCC80, s5;
	s22 =	sor.u32 s4, s12;
	[tilespmem:s21+$0x0] =	vst v47  }
0x1f1: {  	s23 =	sor.u32 s4, s13;
	s14 =	sadd.s32 $0xE900, s5;
	[tilespmem:s22+$0x0] =	vst v48  }
0x1f2: {  	s15 =	sadd.s32 $0xE980, s5;
	s24 =	sor.u32 s4, s14;
	v8 =	vld.idx.msk [tilespmem:v8+s6+$0x0], $0xffff;
	[tilespmem:s23+$0x0] =	vst v50  }
0x1f3: {  	s25 =	sor.u32 s4, s15;
	v9 =	vadd.s32 $0x240, v5;
	s16 =	sadd.s32 $0xEA00, s5;
	v4 =	vld.idx.msk [tilespmem:v4+s6+$0x0], $0xffff;
	[tilespmem:s24+$0x0] =	vst v0  }
0x1f4: {  	s26 =	sor.u32 s4, s16;
	v7 =	vadd.s32 $0x6C0, v5;
	v49 =	vld.idx.msk [tilespmem:v3+s6+$0x0], $0xffff;
	s20 =	sadd.s32 $0xEA80, s5;
	[tilespmem:s25+$0x0] =	vst v46  }
0x1f5: {  	s17 =	simm.s32 $0x2530;
	v11 =	vadd.s32 $0xA20, v5;
	v1 =	vld.idx.msk [tilespmem:v52+s6+$0x0], $0xffff;
	s18 =	sor.u32 s4, s20;
	s22 =	sadd.s32 $0xEB00, s5;
	[tilespmem:s26+$0x0] =	vst v45  }
0x1f6: {  	v51 =	vadd.s32 $0xC60, v5;
	v10 =	vld [tilespmem:s17+$0x0];
	s21 =	sadd.s32 $0xEB80, s5;
	s19 =	sor.u32 s4, s22;
	[tilespmem:s18+$0x0] =	vst v44  }
0x1f7: {  	v3 =	vadd.s32 $0x5A0, v5;
	v48 =	vld [tilespmem:s17+$0xFFFFFFF0];
	s17 =	sadd.s32 $0xEC00, s5;
	s23 =	sor.u32 s4, s21;
	[tilespmem:s19+$0x0] =	vst v43  }
0x1f8: {  	v9 =	vld.idx.msk [tilespmem:v9+s6+$0x0], $0xffff;
	v12 =	vadd.s32 $0xB40, v5;
	s24 =	sor.u32 s4, s17;
	s18 =	sadd.s32 $0xEC80, s5;
	[tilespmem:s23+$0x0] =	vst v42  }
0x1f9: {  	v52 =	vadd.s32 $0xEA0, v5;
	v7 =	vld.idx.msk [tilespmem:v7+s6+$0x0], $0xffff;
	s19 =	sadd.s32 $0x10900, s5;
	s25 =	sor.u32 s4, s18;
	[tilespmem:s24+$0x0] =	vst v19  }
0x1fa: {  	v11 =	vld.idx.msk [tilespmem:v11+s6+$0x0], $0xffff;
	v47 =	vadd.s32 $0x360, v5;
	s23 =	sadd.s32 $0x10980, s5;
	s26 =	sor.u32 s4, s19;
	[tilespmem:s25+$0x0] =	vst v40  }
0x1fb: {  	v50 =	vld.idx.msk [tilespmem:v51+s6+$0x0], $0xffff;
	v0 =	vadd.s32 $0x7E0, v5;
	vm12 =	vgt.s32 v10, $0x0;
	s24 =	sor.u32 s4, s23;
	s25 =	sadd.s32 $0x10A00, s5;
	[tilespmem:s26+$0x0] =	vst v39  }
0x1fc: {  	v3 =	vld.idx.msk [tilespmem:v3+s6+$0x0], $0xffff;
	v46 =	vadd.s32 $0xFC0, v5;
	v10 =	vnsel vm12, $0x0, v10;
	s26 =	sadd.s32 $0x10A80, s5;
	[tilespmem:s24+$0x0] =	vst v38;
	s24 =	sor.u32 s4, s25  }
0x1fd: {  	s28 =	sadd.s32 $0x10B00, s5;
	v12 =	vld.idx.msk [tilespmem:v12+s6+$0x0], $0xffff;
	v5 =	vadd.s32 $0x10E0, v5;
	v10 =	vmin.u32 v10, $0x6;
	[tilespmem:s24+$0x0] =	vst v24;
	s24 =	sor.u32 s4, s26  }
0x1fe: {  	s29 =	sadd.s32 $0x10B80, s5;
	v51 =	vld.idx.msk [tilespmem:v52+s6+$0x0], $0xffff;
	v10 =	vshll.u32 v10, $0x4;
	[tilespmem:s24+$0x0] =	vst v23;
	s24 =	sor.u32 s4, s28  }
0x1ff: {  	s30 =	sadd.s32 $0x10C00, s5;
	v6 =	vld.idx.msk [tilespmem:v47+s6+$0x0], $0xffff;
	v47 =	vor.u32 v15, v10;
	[tilespmem:s24+$0x0] =	vst v22;
	s24 =	sor.u32 s4, s29  }
0x200: {  	s31 =	sor.u32 s4, s30;
	v0 =	vld.idx.msk [tilespmem:v0+s6+$0x0], $0xffff;
	v19 =	vadd.s32 v54, v10;
	[tilespmem:s24+$0x0] =	vst v21;
	s24 =	sadd.s32 $0x10C80, s5;
	s5 =	simm.s32 $0x0  }
0x201: {  	v52 =	vld.idx.msk [tilespmem:v46+s6+$0x0], $0xffff;
	v40 =	vadd.s32 v63, v10;
	[tilespmem:s31+$0x0] =	vst v20;
	s31 =	sor.u32 s4, s24;
	s4 =	sand.u32 $0x60, s5  }
0x202: {  	s11 =	simm.s32 $0x1D30;
	v5 =	vld.idx.msk [tilespmem:v5+s6+$0x0], $0xffff;
	v38 =	vadd.s32 v31, v10;
	[tilespmem:s31+$0x0] =	vst v30;
	s1 =	sor.u32 s4, s1  }
0x203: {  	v24 =	vadd.s32 v61, v10;
	v22 =	vld [tilespmem:s11+$0x0];
	[tilespmem:s1+$0x200] =	vst v4  }
0x204: {  	v47 =	vld.idx.msk [tilespmem:v47+s6+$0x0], $0xffff;
	v23 =	vadd.s32 v59, v10;
	[tilespmem:s1+$0x80] =	vst v8  }
0x205: {  	v16 =	vld.idx.msk [tilespmem:v19+s6+$0x0], $0xffff;
	v21 =	vadd.s32 v13, v10;
	s31 =	sand.u32 $0x3, s0;
	[tilespmem:s1+$0x100] =	vst v9  }
0x206: {  	v43 =	vld.idx.msk [tilespmem:v40+s6+$0x0], $0xffff;
	v20 =	vadd.s32 v14, v10;
	s31 =	sshll.u32 s31, $0x5;
	[tilespmem:s1+$0x180] =	vst v6  }
0x207: {  	v46 =	vld.idx.msk [tilespmem:v38+s6+$0x0], $0xffff;
	v38 =	vor.u32 v55, v10;
	[tilespmem:s1+$0x280] =	vst v3;
	s31 =	sadd.s32 $0x0, s31  }
0x208: {  	v45 =	vld.idx.msk [tilespmem:v24+s6+$0x0], $0xffff;
	s0 =	sor.u32 s5, s0;
	v9 =	vadd.s32 v57, v10;
	[tilespmem:s1+$0x0] =	vst v2;
	v8 =	vmul.f32 $2.880000000e+02, v22;
	s5 =	sor.u32 $0x300, s31  }
0x209: {  	v44 =	vld.idx.msk [tilespmem:v23+s6+$0x0], $0xffff;
	v2 =	vadd.s32 v62, v10;
	s0 =	sor.u32 $0x380, s0;
	[tilespmem:s5+$0xA900] =	vst v7  }
0x20a: {  	s2 =	sor.u32 s4, s2;
	v4 =	vadd.s32 v53, v10;
	v40 =	vld.idx.msk [tilespmem:v21+s6+$0x0], $0xffff;
	v39 =	vtrunc.f32 v8;
	[tilespmem:s0+$0xA900] =	vst v0  }
0x20b: {  	v22 =	vadd.s32 v56, v10;
	v42 =	vld.idx.msk [tilespmem:v20+s6+$0x0], $0xffff;
	s5 =	sor.u32 s4, s3;
	v3 =	vcvt.f32.s32 v39;
	[tilespmem:s2+$0x0] =	vst v49  }
0x20c: {  	s7 =	sor.u32 s4, s7;
	v6 =	vadd.s32 v60, v10;
	v39 =	vld.idx.msk [tilespmem:v38+s6+$0x0], $0xffff;
	[tilespmem:s5+$0x0] =	vst v11  }
0x20d: {  	s8 =	sor.u32 s4, s8;
	v8 =	vadd.s32 v58, v10;
	v23 =	vld.idx.msk [tilespmem:v9+s6+$0x0], $0xffff;
	vm13 =	vgt.s32 v3, $0x0;
	[tilespmem:s7+$0x0] =	vst v12  }
0x20e: {  	s9 =	sor.u32 s4, s9;
	v21 =	vld.idx.msk [tilespmem:v2+s6+$0x0], $0xffff;
	v0 =	vnsel vm13, $0x0, v3;
	v3 =	vadd.s32 v41, v10;
	[tilespmem:s8+$0x0] =	vst v50  }
0x20f: {  	s10 =	sor.u32 s4, s10;
	v19 =	vld.idx.msk [tilespmem:v4+s6+$0x0], $0xffff;
	v0 =	vmin.u32 v0, $0x11F;
	[tilespmem:s9+$0x0] =	vst v1  }
0x210: {  	s12 =	sor.u32 s4, s12;
	v38 =	vld.idx.msk [tilespmem:v22+s6+$0x0], $0xffff;
	v7 =	vadd.s32 $0x120, v0;
	[tilespmem:s10+$0x0] =	vst v51  }
0x211: {  	s13 =	sor.u32 s4, s13;
	v22 =	vld.idx.msk [tilespmem:v6+s6+$0x0], $0xffff;
	v49 =	vadd.s32 $0x240, v0;
	[tilespmem:s12+$0x0] =	vst v52  }
0x212: {  	s14 =	sor.u32 s4, s14;
	v24 =	vld.idx.msk [tilespmem:v8+s6+$0x0], $0xffff;
	v2 =	vadd.s32 $0x360, v0;
	[tilespmem:s13+$0x0] =	vst v5  }
0x213: {  	s15 =	sor.u32 s4, s15;
	v1 =	vadd.s32 $0x5A0, v0;
	v20 =	vld.idx.msk [tilespmem:v3+s6+$0x0], $0xffff;
	[tilespmem:s14+$0x0] =	vst v37  }
0x214: {  	s2 =	sor.u32 s4, s16;
	v8 =	vadd.s32 $0x7E0, v0;
	v3 =	vld.idx.msk [tilespmem:v0+s6+$0x0], $0xffff;
	[tilespmem:s15+$0x0] =	vst v36  }
0x215: {  	s3 =	sor.u32 s4, s20;
	v9 =	vadd.s32 $0xB40, v0;
	v7 =	vld.idx.msk [tilespmem:v7+s6+$0x0], $0xffff;
	[tilespmem:s2+$0x0] =	vst v34  }
0x216: {  	s5 =	sor.u32 s4, s22;
	v10 =	vadd.s32 $0xC60, v0;
	v5 =	vld.idx.msk [tilespmem:v49+s6+$0x0], $0xffff;
	[tilespmem:s3+$0x0] =	vst v35  }
0x217: {  	s7 =	sor.u32 s4, s21;
	v51 =	vadd.s32 $0x6C0, v0;
	v2 =	vld.idx.msk [tilespmem:v2+s6+$0x0], $0xffff;
	[tilespmem:s5+$0x0] =	vst v33  }
0x218: {  	s8 =	sor.u32 s4, s17;
	v52 =	vadd.s32 $0xA20, v0;
	v1 =	vld.idx.msk [tilespmem:v1+s6+$0x0], $0xffff;
	[tilespmem:s7+$0x0] =	vst v32  }
0x219: {  	v11 =	vadd.s32 $0xEA0, v0;
	v12 =	vadd.s32 $0x480, v0;
	s9 =	sor.u32 s4, s18;
	v8 =	vld.idx.msk [tilespmem:v8+s6+$0x0], $0xffff;
	[tilespmem:s8+$0x0] =	vst v28  }
0x21a: {  	v50 =	vand.u32 $0x7F, v0;
	v12 =	vand.u32 $0x780, v12;
	s10 =	sor.u32 s4, s19;
	v9 =	vld.idx.msk [tilespmem:v9+s6+$0x0], $0xffff;
	[tilespmem:s9+$0x0] =	vst v26  }
0x21b: {  	vm14 =	vgt.s32 v48, $0x0;
	v12 =	vor.u32 v50, v12;
	s12 =	sor.u32 s4, s23;
	v10 =	vld.idx.msk [tilespmem:v10+s6+$0x0], $0xffff;
	[tilespmem:s10+$0x0] =	vst v25  }
0x21c: {  	s13 =	sor.u32 s4, s25;
	v49 =	vadd.s32 $0x10E0, v0;
	v4 =	vld.idx.msk [tilespmem:v51+s6+$0x0], $0xffff;
	v51 =	vadd.s32 $0x900, v0;
	v28 =	vnsel vm14, $0x0, v48;
	[tilespmem:s12+$0x0] =	vst v29  }
0x21d: {  	s14 =	sor.u32 s4, s26;
	v34 =	vadd.s32 $0xFC0, v0;
	v6 =	vld.idx.msk [tilespmem:v52+s6+$0x0], $0xffff;
	v52 =	vand.u32 $0xB80, v51;
	v28 =	vmin.u32 v28, $0x6;
	[tilespmem:s13+$0x0] =	vst v27  }
0x21e: {  	v11 =	vld.idx.msk [tilespmem:v11+s6+$0x0], $0xffff;
	v0 =	vadd.s32 $0xD80, v0;
	v30 =	vor.u32 v50, v52;
	v48 =	vshll.u32 v28, $0x4;
	[tilespmem:s14+$0x0] =	vst v17  }
0x21f: {  	v0 =	vand.u32 $0xF80, v0;
	v25 =	vor.u32 v15, v48;
	v15 =	vld [tilespmem:$0x1FEB0]  }
0x220: {  	v12 =	vld.idx.msk [tilespmem:v12+s6+$0x0], $0xffff;
	v0 =	vor.u32 v50, v0  }
0x221: {  	s17 =	simm.s32 $0x100;
	v37 =	vld.idx.msk [tilespmem:v49+s6+$0x0], $0xffff  }
0x222: {  	s20 =	sor.u32 s4, s29;
	s1 =	sand.u32 $0x1C00, s17;
	v36 =	vld.idx.msk [tilespmem:v34+s6+$0x0], $0xffff  }
0x223: {  	s18 =	simm.s32 $0x30;
	s15 =	sor.u32 s4, s28;
	v30 =	vld.idx.msk [tilespmem:v30+s6+$0x0], $0xffff;
	[dreg:$0x6] =	wrdreg s20  }
0x224: {  	s22 =	sor.u32 s4, s30;
	s16 =	sadd.s32 $0xA900, s1;
	s5 =	sand.u32 $0x70, s18;
	[tilespmem:s15+$0x0] =	vst v15  }
0x225: {  	s21 =	sor.u32 s5, s16;
	v0 =	vld.idx.msk [tilespmem:v0+s6+$0x0], $0xffff;
	[dreg:$0x8] =	wrdreg s22  }
0x226: {  	s19 =	simm.s32 $0x1;
	s4 =	sor.u32 s4, s24;
	[tilespmem:s21+$0x0] =	vst v3  }
0x227: {  	s23 =	sand.u32 $0x3, s19;
	[dreg:$0x9] =	wrdreg s4  }
0x228: {  	s0 =	sshll.u32 s23, $0x5;
	[tilespmem:s21+$0x80] =	vst v7  }
0x229: {  	s0 =	sadd.s32 $0x100, s0;
	v26 =	vadd.s32 v31, v48;
	s20 =	simm.s32 $0x2;
	[tilespmem:s21+$0x100] =	vst v5  }
0x22a: {  	s26 =	simm.s32 $0x20;
	s0 =	sor.u32 $0x300, s0;
	s25 =	sand.u32 $0x7, s20;
	v3 =	vadd.s32 v61, v48;
	[tilespmem:s21+$0x180] =	vst v2  }
0x22b: {  	s7 =	sor.u32 s26, s17;
	v35 =	vadd.s32 v59, v48;
	s4 =	sshll.u32 s25, $0x4;
	v29 =	vld [tilespmem:s11+$0xFFFFFFF0];
	[dreg:$0xb] =	wrdreg s0  }
0x22c: {  	s7 =	sor.u32 $0x380, s7;
	s4 =	sadd.s32 $0x100, s4;
	[tilespmem:s21+$0x280] =	vst v1  }
0x22d: {  	s4 =	sadd.s32 $0x10, s4;
	v25 =	vld.idx.msk [tilespmem:v25+s6+$0x0], $0xffff;
	[dreg:$0xd] =	wrdreg s7  }
0x22e: {  	s31 =	sand.u32 $0x60, s26;
	s9 =	sadd.s32 $0xC900, s1;
	v49 =	vadd.s32 v63, v48;
	s0 =	sor.u32 $0x300, s4;
	v26 =	vld.idx.msk [tilespmem:v26+s6+$0x0], $0xffff;
	[tilespmem:s21+$0x200] =	vst v12  }
0x22f: {  	s8 =	sor.u32 s18, s17;
	s13 =	sor.u32 s31, s9;
	v2 =	vadd.s32 v13, v48;
	v27 =	vld.idx.msk [tilespmem:v3+s6+$0x0], $0xffff;
	[tilespmem:s0+$0xA900] =	vst v4  }
0x230: {  	s10 =	sor.u32 $0x380, s8;
	s12 =	sadd.s32 $0xC980, s1;
	v28 =	vld.idx.msk [tilespmem:v35+s6+$0x0], $0xffff;
	[dreg:$0xf] =	wrdreg s13  }
0x231: {  	s24 =	sor.u32 s31, s16;
	s15 =	sor.u32 s31, s12;
	v1 =	vadd.s32 v14, v48;
	[tilespmem:s10+$0xA900] =	vst v8  }
0x232: {  	s16 =	sadd.s32 $0xCA00, s1;
	s14 =	sor.u32 s5, s9;
	v12 =	vadd.s32 v54, v48;
	[dreg:$0x11] =	wrdreg s15  }
0x233: {  	s22 =	sor.u32 s31, s16;
	v3 =	vor.u32 v55, v48;
	v50 =	vmul.f32 $2.880000000e+02, v29;
	v15 =	vld.idx.msk [tilespmem:v49+s6+$0x0], $0xffff;
	[tilespmem:s14+$0x0] =	vst v30  }
0x234: {  	v51 =	vadd.s32 v56, v48;
	s2 =	sor.u32 s5, s12;
	v29 =	vld.idx.msk [tilespmem:v2+s6+$0x0], $0xffff;
	[dreg:$0x13] =	wrdreg s22  }
0x235: {  	s23 =	sor.u32 s5, s16;
	s9 =	sadd.s32 $0xCC00, s1;
	s21 =	sadd.s32 $0xCA80, s1;
	v54 =	vadd.s32 v58, v48;
	v2 =	vtrunc.f32 v50;
	[tilespmem:s2+$0x0] =	vst v6  }
0x236: {  	s28 =	sor.u32 s31, s9;
	s25 =	sadd.s32 $0xCB00, s1;
	v55 =	vadd.s32 v62, v48;
	s26 =	sor.u32 s5, s21;
	v33 =	vld.idx.msk [tilespmem:v1+s6+$0x0], $0xffff;
	v1 =	vcvt.f32.s32 v2;
	[tilespmem:s23+$0x0] =	vst v9  }
0x237: {  	v52 =	vadd.s32 v57, v48;
	s12 =	sadd.s32 $0xCC80, s1;
	s8 =	sor.u32 s5, s25;
	s0 =	sadd.s32 $0xCB80, s1;
	v34 =	vld.idx.msk [tilespmem:v12+s6+$0x0], $0xffff;
	[tilespmem:s26+$0x0] =	vst v10  }
0x238: {  	s29 =	sor.u32 s31, s12;
	s16 =	sadd.s32 $0xE980, s1;
	s10 =	sor.u32 s5, s0;
	v2 =	vadd.s32 v60, v48;
	v35 =	vld.idx.msk [tilespmem:v3+s6+$0x0], $0xffff;
	vm15 =	vgt.s32 v1, $0x0;
	[tilespmem:s8+$0x0] =	vst v0  }
0x239: {  	s3 =	sor.u32 s31, s21;
	s21 =	sor.u32 s31, s25;
	s13 =	sor.u32 s5, s9;
	v12 =	vld.idx.msk [tilespmem:v51+s6+$0x0], $0xffff;
	v0 =	vadd.s32 v53, v48;
	v1 =	vnsel vm15, $0x0, v1;
	[tilespmem:s10+$0x0] =	vst v11  }
0x23a: {  	s25 =	sor.u32 s5, s16;
	s15 =	sor.u32 s5, s12;
	s14 =	sadd.s32 $0xE900, s1;
	v13 =	vld.idx.msk [tilespmem:v54+s6+$0x0], $0xffff;
	v3 =	vmin.u32 v1, $0x11F;
	[tilespmem:s13+$0x0] =	vst v36  }
0x23b: {  	s22 =	sor.u32 s31, s0;
	s12 =	sor.u32 s31, s14;
	v50 =	vld.idx.msk [tilespmem:v55+s6+$0x0], $0xffff;
	s23 =	sor.u32 s5, s14;
	v1 =	vadd.s32 v41, v48;
	v56 =	vadd.s32 $0x480, v3;
	v8 =	vadd.s32 $0xD80, v3;
	[tilespmem:s15+$0x0] =	vst v37  }
0x23c: {  	s0 =	sadd.s32 $0xEA80, s1;
	s2 =	simm.s32 $0x2;
	s26 =	sadd.s32 $0xEA00, s1;
	v11 =	vld.idx.msk [tilespmem:v52+s6+$0x0], $0xffff;
	v58 =	vadd.s32 $0x120, v3;
	v60 =	vand.u32 $0x7F, v3;
	v61 =	vand.u32 $0xF80, v8;
	[tilespmem:s23+$0x0] =	vst v47  }
0x23d: {  	s14 =	sor.u32 s31, s26;
	s9 =	sor.u32 s5, s26;
	s8 =	sor.u32 s31, s0;
	v57 =	vadd.s32 $0x900, v3;
	v14 =	vld.idx.msk [tilespmem:v2+s6+$0x0], $0xffff;
	v2 =	vand.u32 $0x780, v56;
	v62 =	vor.u32 v60, v61;
	[tilespmem:s25+$0x0] =	vst v46  }
0x23e: {  	s26 =	sadd.s32 $0xEC00, s1;
	s10 =	sor.u32 s5, s0;
	v5 =	vand.u32 $0xB80, v57;
	s15 =	sadd.s32 $0xEB00, s1;
	v2 =	vor.u32 v60, v2;
	v51 =	vld.idx.msk [tilespmem:v0+s6+$0x0], $0xffff;
	[tilespmem:s9+$0x0] =	vst v45  }
0x23f: {  	s13 =	sor.u32 s31, s16;
	s16 =	sadd.s32 $0xEB80, s1;
	s23 =	sor.u32 s5, s15;
	v0 =	vor.u32 v60, v5;
	v48 =	vld.idx.msk [tilespmem:v3+s6+$0x0], $0xffff;
	[tilespmem:s10+$0x0] =	vst v44  }
0x240: {  	s0 =	sadd.s32 $0xEC80, s1;
	v63 =	vadd.s32 $0x240, v3;
	s25 =	sor.u32 s5, s16;
	s9 =	sor.u32 s31, s15;
	v45 =	vld.idx.msk [tilespmem:v1+s6+$0x0], $0xffff;
	[tilespmem:s23+$0x0] =	vst v43  }
0x241: {  	s15 =	sor.u32 s31, s26;
	s10 =	sor.u32 s31, s16;
	v43 =	vld.idx.msk [tilespmem:v58+s6+$0x0], $0xffff;
	s23 =	sor.u32 s5, s26;
	[tilespmem:s25+$0x0] =	vst v40  }
0x242: {  	v55 =	vadd.s32 $0x360, v3;
	s16 =	sor.u32 s31, s0;
	s26 =	sadd.s32 $0x10900, s1;
	s25 =	sor.u32 s5, s0;
	v54 =	vld.idx.msk [tilespmem:v62+s6+$0x0], $0xffff;
	[tilespmem:s23+$0x0] =	vst v42  }
0x243: {  	v53 =	vadd.s32 $0x5A0, v3;
	v52 =	vadd.s32 $0x6C0, v3;
	v49 =	vadd.s32 $0x7E0, v3;
	s0 =	sadd.s32 $0x10980, s1;
	s4 =	sor.u32 s31, s26;
	s7 =	sor.u32 s5, s26;
	v42 =	vld.idx.msk [tilespmem:v2+s6+$0x0], $0xffff;
	[tilespmem:s25+$0x0] =	vst v16  }
0x244: {  	v47 =	vadd.s32 $0xA20, v3;
	v46 =	vadd.s32 $0xB40, v3;
	v1 =	vadd.s32 $0xFC0, v3;
	v57 =	vld.idx.msk [tilespmem:v0+s6+$0x0], $0xffff;
	s23 =	sor.u32 s31, s0;
	s26 =	sor.u32 s5, s0;
	s25 =	sadd.s32 $0x10A00, s1;
	[tilespmem:s7+$0x0] =	vst v39  }
0x245: {  	v44 =	vadd.s32 $0x10E0, v3;
	v2 =	vadd.s32 $0xC60, v3;
	v0 =	vadd.s32 $0xEA0, v3;
	s30 =	sor.u32 s5, s25;
	s7 =	simm.s32 $0x2550;
	[tilespmem:s26+$0x0] =	vst v38;
	v38 =	vld.idx.msk [tilespmem:v63+s6+$0x0], $0xffff;
	s26 =	sadd.s32 $0x10A80, s1  }
.LBB2_5:
0x246: {  	v3 =	vld [tilespmem:s7+$0x0]  }
0x247: {  	v4 =	vld [tilespmem:s7+$0xFFFFFFF0]  }
0x248: {  	s0 =	sadd.s32 $0x10B00, s1;
	[tilespmem:s30+$0x0] =	vst v23;
	s30 =	sor.u32 s5, s26;
	s26 =	sor.u32 s31, s26;
	v5 =	vld.idx.msk [tilespmem:v55+s6+$0x0], $0xffff  }
0x249: {  	v10 =	vld [tilespmem:$0x1FE80];
	[dreg:$0x17] =	wrdreg s26;
	[tilespmem:s30+$0x0] =	vst v24;
	s30 =	sor.u32 s5, s0;
	s0 =	sor.u32 s31, s0  }
0x24a: {  	s25 =	sor.u32 s31, s25;
	v6 =	vld.idx.msk [tilespmem:v53+s6+$0x0], $0xffff;
	s26 =	sadd.s32 $0x10B80, s1;
	[dreg:$0x18] =	wrdreg s0  }
0x24b: {  	v7 =	vld.idx.msk [tilespmem:v52+s6+$0x0], $0xffff;
	s0 =	sadd.s32 $0x10C00, s1;
	[tilespmem:s30+$0x0] =	vst v22;
	s30 =	sor.u32 s5, s26;
	s26 =	sor.u32 s31, s26  }
0x24c: {  	v8 =	vld.idx.msk [tilespmem:v49+s6+$0x0], $0xffff;
	s1 =	sadd.s32 $0x10C80, s1;
	[tilespmem:s30+$0x0] =	vst v21;
	s30 =	sor.u32 s5, s0;
	s0 =	sor.u32 s31, s0  }
0x24d: {  	v9 =	vld.idx.msk [tilespmem:v47+s6+$0x0], $0xffff;
	s31 =	sor.u32 s31, s1;
	s1 =	sor.u32 s5, s1;
	s5 =	rddreg [dreg:$0x6]  }
0x24e: {  	v31 =	vmov v15;
	v15 =	vld [tilespmem:$0x1FF10];
	[tilespmem:s5+$0x0] =	vst v10;
	v10 =	vmov v50  }
0x24f: {  	[tilespmem:$0x1FE80] =	vst v10;
	v10 =	vld.idx.msk [tilespmem:v46+s6+$0x0], $0xffff  }
0x250: {  	v46 =	vmov v11;
	v11 =	vld [tilespmem:$0x1FE90]  }
0x251: {  	v16 =	vld [tilespmem:$0x1FF30]  }
0x252: {  	v18 =	vld [tilespmem:$0x1FF40]  }
0x253: {  	v17 =	vld [tilespmem:$0x1FF90]  }
0x254: {  	v39 =	vld [tilespmem:$0x1FFA0];
	s5 =	smov.u32 s26;
	s26 =	rddreg [dreg:$0x8]  }
0x255: {  	v40 =	vld [tilespmem:$0x1FFC0];
	[tilespmem:s26+$0x0] =	vst v11;
	v11 =	vmov v51  }
0x256: {  	vm0 =	vgt.s32 v3, $0x0;
	[tilespmem:$0x1FE90] =	vst v11;
	v11 =	vld.idx.msk [tilespmem:v2+s6+$0x0], $0xffff  }
0x257: {  	v3 =	vnsel vm0, $0x0, v3;
	v2 =	vld [tilespmem:$0x1FEA0]  }
0x258: {  	v41 =	vld [tilespmem:$0x1FFD0];
	vm1 =	vgt.s32 v4, $0x0;
	v3 =	vmin.u32 v3, $0x6  }
0x259: {  	v32 =	vmovc v29;
	v29 =	vmovc v27;
	v27 =	vmov v25;
	v25 =	vld [tilespmem:$0x1FFE0];
	[tilespmem:s30+$0x0] =	vst v19;
	v4 =	vnsel vm1, $0x0, v4;
	v3 =	vshll.u32 v3, $0x4  }
0x25a: {  	s11 =	sadd.s32 $0x20, s11;
	v24 =	vld [tilespmem:$0x1FF50];
	[tilespmem:s1+$0x0] =	vst v20;
	v4 =	vmin.u32 v4, $0x6;
	v19 =	vadd.s32 v15, v3  }
0x25b: {  	v22 =	vld [tilespmem:s11+$0x0];
	v4 =	vshll.u32 v4, $0x4;
	s26 =	rddreg [dreg:$0x9]  }
0x25c: {  	[tilespmem:s26+$0x0] =	vst v2;
	v2 =	vmov v45;
	v45 =	vadd.s32 v15, v4;
	v15 =	vld [tilespmem:$0x1FF80]  }
0x25d: {  	v62 =	vadd.s32 v16, v4;
	v23 =	vadd.s32 v16, v3;
	v16 =	vld [tilespmem:$0x1FFB0]  }
0x25e: {  	[tilespmem:$0x1FEA0] =	vst v2;
	v2 =	vld [tilespmem:$0x1FF00]  }
0x25f: {  	v21 =	vadd.s32 v59, v3;
	v47 =	vld.idx.msk [tilespmem:v19+s6+$0x0], $0xffff  }
0x260: {  	v60 =	vadd.s32 v24, v4;
	v19 =	vadd.s32 v24, v3;
	v24 =	vld [tilespmem:$0x1FF60]  }
0x261: {  	v37 =	vmov v13;
	v13 =	vld.idx.msk [tilespmem:v0+s6+$0x0], $0xffff;
	v20 =	vadd.s32 v15, v3  }
0x262: {  	v0 =	vmov v14;
	v14 =	vld.idx.msk [tilespmem:v1+s6+$0x0], $0xffff  }
0x263: {  	v36 =	vmov v12;
	v1 =	vadd.s32 v15, v4;
	v15 =	vld.idx.msk [tilespmem:v44+s6+$0x0], $0xffff;
	[tilespmem:s24+$0x200] =	vst v42;
	v12 =	vor.u32 v2, v3  }
0x264: {  	[tilespmem:s24+$0x80] =	vst v43;
	v44 =	vld.idx.msk [tilespmem:v21+s6+$0x0], $0xffff  }
0x265: {  	v56 =	vadd.s32 v16, v4;
	v21 =	vmul.f32 $2.880000000e+02, v22;
	v22 =	vadd.s32 v16, v3;
	[tilespmem:s24+$0x100] =	vst v38;
	v16 =	vld.idx.msk [tilespmem:v19+s6+$0x0], $0xffff  }
0x266: {  	[dreg:$0x6] =	wrdreg s5;
	s5 =	smov.u32 s0;
	v63 =	vadd.s32 v59, v4;
	[tilespmem:s24+$0x180] =	vst v5;
	v42 =	vld.idx.msk [tilespmem:v20+s6+$0x0], $0xffff  }
0x267: {  	[dreg:$0x8] =	wrdreg s5;
	v59 =	vadd.s32 v17, v4;
	v19 =	vadd.s32 v41, v3;
	[tilespmem:s24+$0x280] =	vst v6;
	v20 =	vadd.s32 v17, v3;
	v17 =	vld [tilespmem:$0x1FF70]  }
0x268: {  	s5 =	rddreg [dreg:$0xb];
	[tilespmem:s24+$0x0] =	vst v48;
	v49 =	vld.idx.msk [tilespmem:v12+s6+$0x0], $0xffff;
	v12 =	vadd.s32 v18, v3  }
0x269: {  	v61 =	vadd.s32 v18, v4;
	[tilespmem:s5+$0xA900] =	vst v7;
	v7 =	vadd.s32 v24, v3;
	v18 =	vld [tilespmem:$0x1FFF0]  }
0x26a: {  	v58 =	vor.u32 v39, v4  }
0x26b: {  	v55 =	vadd.s32 v40, v4;
	v53 =	vadd.s32 v41, v4;
	v52 =	vadd.s32 v25, v4  }
0x26c: {  	v51 =	vadd.s32 v24, v4;
	v6 =	vadd.s32 v25, v3;
	v2 =	vor.u32 v2, v4;
	v24 =	vld.idx.msk [tilespmem:v19+s6+$0x0], $0xffff  }
0x26d: {  	s1 =	smov.u32 s31;
	v43 =	vadd.s32 v17, v4;
	v38 =	vld.idx.msk [tilespmem:v12+s6+$0x0], $0xffff;
	v12 =	vadd.s32 v40, v3;
	v40 =	vtrunc.f32 v21  }
0x26e: {  	[dreg:$0x9] =	wrdreg s1;
	v19 =	vld.idx.msk [tilespmem:v7+s6+$0x0], $0xffff;
	v50 =	vadd.s32 v18, v4;
	v4 =	vor.u32 v39, v3;
	v5 =	vcvt.f32.s32 v40  }
0x26f: {  	s24 =	rddreg [dreg:$0xd];
	v39 =	vld.idx.msk [tilespmem:v23+s6+$0x0], $0xffff  }
0x270: {  	s26 =	rddreg [dreg:$0xf];
	[tilespmem:s24+$0xA900] =	vst v8;
	v48 =	vadd.s32 v18, v3;
	v18 =	vld.idx.msk [tilespmem:v22+s6+$0x0], $0xffff;
	vm14 =	vgt.s32 v5, $0x0  }
0x271: {  	s1 =	rddreg [dreg:$0x11];
	[tilespmem:s26+$0x0] =	vst v57;
	v3 =	vadd.s32 v17, v3;
	v22 =	vld.idx.msk [tilespmem:v6+s6+$0x0], $0xffff;
	v5 =	vnsel vm14, $0x0, v5  }
0x272: {  	s5 =	rddreg [dreg:$0x13];
	[tilespmem:s1+$0x0] =	vst v9;
	v40 =	vld.idx.msk [tilespmem:v20+s6+$0x0], $0xffff;
	v5 =	vmin.u32 v5, $0x11F  }
0x273: {  	[tilespmem:s5+$0x0] =	vst v10;
	v41 =	vld.idx.msk [tilespmem:v4+s6+$0x0], $0xffff;
	v8 =	vadd.s32 $0x120, v5  }
0x274: {  	[tilespmem:s3+$0x0] =	vst v11;
	v23 =	vld.idx.msk [tilespmem:v12+s6+$0x0], $0xffff;
	v6 =	vadd.s32 $0x240, v5  }
0x275: {  	[tilespmem:s21+$0x0] =	vst v54;
	v21 =	vld.idx.msk [tilespmem:v48+s6+$0x0], $0xffff;
	v48 =	vadd.s32 $0x360, v5  }
0x276: {  	[tilespmem:s22+$0x0] =	vst v13;
	v20 =	vld.idx.msk [tilespmem:v3+s6+$0x0], $0xffff;
	v57 =	vadd.s32 $0x5A0, v5  }
0x277: {  	[tilespmem:s28+$0x0] =	vst v14;
	v9 =	vadd.s32 $0x6C0, v5;
	v3 =	vld.idx.msk [tilespmem:v5+s6+$0x0], $0xffff  }
0x278: {  	[tilespmem:s29+$0x0] =	vst v15;
	v10 =	vadd.s32 $0x7E0, v5;
	v8 =	vld.idx.msk [tilespmem:v8+s6+$0x0], $0xffff  }
0x279: {  	[tilespmem:s12+$0x0] =	vst v27;
	v11 =	vadd.s32 $0xA20, v5;
	v6 =	vld.idx.msk [tilespmem:v6+s6+$0x0], $0xffff  }
0x27a: {  	[tilespmem:s13+$0x0] =	vst v26;
	v12 =	vadd.s32 $0xB40, v5;
	v4 =	vld.idx.msk [tilespmem:v48+s6+$0x0], $0xffff  }
0x27b: {  	[tilespmem:s14+$0x0] =	vst v29;
	v13 =	vadd.s32 $0xC60, v5;
	v7 =	vld.idx.msk [tilespmem:v57+s6+$0x0], $0xffff  }
0x27c: {  	[tilespmem:s8+$0x0] =	vst v28;
	v14 =	vadd.s32 $0xEA0, v5;
	v9 =	vld.idx.msk [tilespmem:v9+s6+$0x0], $0xffff  }
0x27d: {  	[tilespmem:s9+$0x0] =	vst v31;
	v15 =	vadd.s32 $0x480, v5;
	v25 =	vadd.s32 $0xFC0, v5;
	v26 =	vadd.s32 $0x10E0, v5;
	v10 =	vld.idx.msk [tilespmem:v10+s6+$0x0], $0xffff  }
0x27e: {  	[tilespmem:s10+$0x0] =	vst v32;
	v27 =	vand.u32 $0x7F, v5;
	v28 =	vadd.s32 $0x900, v5;
	v15 =	vand.u32 $0x780, v15;
	v11 =	vld.idx.msk [tilespmem:v11+s6+$0x0], $0xffff  }
0x27f: {  	[tilespmem:s15+$0x0] =	vst v33;
	v28 =	vand.u32 $0xB80, v28;
	v15 =	vor.u32 v27, v15;
	v5 =	vadd.s32 $0xD80, v5;
	v12 =	vld.idx.msk [tilespmem:v12+s6+$0x0], $0xffff  }
0x280: {  	[tilespmem:s16+$0x0] =	vst v34;
	v28 =	vor.u32 v27, v28;
	v13 =	vld.idx.msk [tilespmem:v13+s6+$0x0], $0xffff;
	v5 =	vand.u32 $0xF80, v5  }
0x281: {  	s19 =	sadd.s32 $0x1, s19;
	s17 =	sadd.s32 $0x100, s17;
	[tilespmem:s4+$0x0] =	vst v35;
	v14 =	vld.idx.msk [tilespmem:v14+s6+$0x0], $0xffff;
	v5 =	vor.u32 v27, v5  }
0x282: {  	s18 =	sadd.s32 $0x20, s18;
	s20 =	sadd.s32 $0x2, s20;
	s24 =	rddreg [dreg:$0x17];
	[tilespmem:s23+$0x0] =	vst v36;
	v48 =	vld.idx.msk [tilespmem:v25+s6+$0x0], $0xffff  }
0x283: {  	s2 =	sadd.s32 $0x2, s2;
	s26 =	rddreg [dreg:$0x18];
	s1 =	sand.u32 $0x1C00, s17;
	[tilespmem:s25+$0x0] =	vst v46;
	v36 =	vld.idx.msk [tilespmem:v26+s6+$0x0], $0xffff  }
0x284: {  	s5 =	sand.u32 $0x70, s18;
	s21 =	sand.u32 $0x3, s19;
	s23 =	sadd.s32 $0xA900, s1;
	[tilespmem:s24+$0x0] =	vst v37;
	v15 =	vld.idx.msk [tilespmem:v15+s6+$0x0], $0xffff  }
0x285: {  	s7 =	sadd.s32 $0x20, s7;
	s0 =	sshll.u32 s21, $0x5;
	s25 =	sor.u32 s5, s23;
	[tilespmem:s26+$0x0] =	vst v0;
	v57 =	vld.idx.msk [tilespmem:v28+s6+$0x0], $0xffff  }
0x286: {  	p0 =	slt.u32 s2, $0x3E;
	s22 =	sadd.s32 $0xFFFFFFF0, s18;
	s0 =	sadd.s32 s0, s17;
	v5 =	vld.idx.msk [tilespmem:v5+s6+$0x0], $0xffff;
	[tilespmem:s25+$0x0] =	vst v3  }
0x287: {  	s31 =	sand.u32 $0x60, s22;
	s0 =	sor.u32 $0x300, s0;
	s4 =	sand.u32 $0x7, s20;
	[tilespmem:s25+$0x80] =	vst v8  }
0x288: {  	s3 =	sor.u32 s22, s17;
	[dreg:$0xb] =	wrdreg s0;
	s0 =	sshll.u32 s4, $0x4;
	v25 =	vld.idx.msk [tilespmem:v2+s6+$0x0], $0xffff;
	[tilespmem:s25+$0x100] =	vst v6  }
0x289: {  	s3 =	sor.u32 $0x380, s3;
	s13 =	sadd.s32 $0xC980, s1;
	s0 =	sadd.s32 s17, s0;
	v3 =	vld [tilespmem:s11+$0xFFFFFFF0];
	[tilespmem:s25+$0x180] =	vst v4  }
0x28a: {  	[dreg:$0xd] =	wrdreg s3;
	s21 =	sor.u32 s5, s13;
	s0 =	sadd.s32 $0x10, s0;
	v26 =	vld.idx.msk [tilespmem:v45+s6+$0x0], $0xffff;
	[tilespmem:s25+$0x280] =	vst v7  }
0x28b: {  	s8 =	sor.u32 s18, s17;
	s9 =	sadd.s32 $0xC900, s1;
	s0 =	sor.u32 $0x300, s0;
	v27 =	vld.idx.msk [tilespmem:v1+s6+$0x0], $0xffff;
	[tilespmem:s25+$0x200] =	vst v15  }
0x28c: {  	s10 =	sor.u32 $0x380, s8;
	s12 =	sor.u32 s31, s9;
	s14 =	sor.u32 s5, s9;
	v28 =	vld.idx.msk [tilespmem:v63+s6+$0x0], $0xffff;
	[tilespmem:s0+$0xA900] =	vst v9  }
0x28d: {  	[dreg:$0xf] =	wrdreg s12;
	s15 =	sor.u32 s31, s13;
	s13 =	sadd.s32 $0xCC00, s1;
	v29 =	vld.idx.msk [tilespmem:v61+s6+$0x0], $0xffff;
	[tilespmem:s10+$0xA900] =	vst v10  }
0x28e: {  	[dreg:$0x11] =	wrdreg s15;
	s16 =	sadd.s32 $0xCA00, s1;
	s28 =	sor.u32 s31, s13;
	v33 =	vld.idx.msk [tilespmem:v60+s6+$0x0], $0xffff;
	[tilespmem:s14+$0x0] =	vst v57;
	v0 =	vmul.f32 $2.880000000e+02, v3  }
0x28f: {  	s24 =	sor.u32 s31, s23;
	s23 =	sadd.s32 $0xCA80, s1;
	v34 =	vld.idx.msk [tilespmem:v59+s6+$0x0], $0xffff;
	s25 =	sor.u32 s5, s16;
	[tilespmem:s21+$0x0] =	vst v11  }
0x290: {  	s15 =	sadd.s32 $0xCC80, s1;
	s26 =	sadd.s32 $0xCB00, s1;
	s9 =	sor.u32 s5, s23;
	v59 =	vld [tilespmem:$0x1FF20];
	[tilespmem:s25+$0x0] =	vst v12;
	v0 =	vtrunc.f32 v0  }
0x291: {  	s22 =	sor.u32 s31, s16;
	v35 =	vld.idx.msk [tilespmem:v58+s6+$0x0], $0xffff;
	s12 =	sor.u32 s5, s26;
	s10 =	sadd.s32 $0xCB80, s1;
	[tilespmem:s9+$0x0] =	vst v13;
	v0 =	vcvt.f32.s32 v0  }
0x292: {  	s29 =	sor.u32 s31, s15;
	[dreg:$0x13] =	wrdreg s22;
	v50 =	vld.idx.msk [tilespmem:v50+s6+$0x0], $0xffff;
	s14 =	sor.u32 s5, s10;
	[tilespmem:s12+$0x0] =	vst v5  }
0x293: {  	s3 =	sor.u32 s31, s23;
	s23 =	sadd.s32 $0xE900, s1;
	v51 =	vld.idx.msk [tilespmem:v51+s6+$0x0], $0xffff;
	s16 =	sor.u32 s5, s13;
	[tilespmem:s14+$0x0] =	vst v14;
	vm15 =	vgt.s32 v0, $0x0  }
0x294: {  	v45 =	vld.idx.msk [tilespmem:v43+s6+$0x0], $0xffff;
	s21 =	sor.u32 s31, s26;
	s26 =	sadd.s32 $0xE980, s1;
	s25 =	sor.u32 s5, s15;
	[tilespmem:s16+$0x0] =	vst v48;
	v0 =	vnsel vm15, $0x0, v0  }
0x295: {  	s4 =	sor.u32 s5, s23;
	v15 =	vld.idx.msk [tilespmem:v62+s6+$0x0], $0xffff;
	s22 =	sor.u32 s31, s10;
	s13 =	sor.u32 s31, s26;
	[tilespmem:s25+$0x0] =	vst v36;
	v3 =	vmin.u32 v0, $0x11F  }
0x296: {  	v11 =	vld.idx.msk [tilespmem:v55+s6+$0x0], $0xffff;
	s10 =	sor.u32 s5, s26;
	s15 =	sadd.s32 $0xEA80, s1;
	s9 =	sadd.s32 $0xEA00, s1;
	[tilespmem:s4+$0x0] =	vst v49;
	v0 =	vadd.s32 $0x480, v3;
	v1 =	vadd.s32 $0x900, v3;
	v60 =	vadd.s32 $0x120, v3  }
0x297: {  	v12 =	vld.idx.msk [tilespmem:v56+s6+$0x0], $0xffff;
	s26 =	sadd.s32 $0xEB80, s1;
	s8 =	sor.u32 s31, s15;
	s16 =	sor.u32 s5, s9;
	v61 =	vadd.s32 $0x240, v3;
	v62 =	vand.u32 $0x7F, v3;
	[tilespmem:s10+$0x0] =	vst v47;
	v0 =	vand.u32 $0x780, v0  }
0x298: {  	v13 =	vld.idx.msk [tilespmem:v53+s6+$0x0], $0xffff;
	s12 =	sor.u32 s31, s23;
	s23 =	sadd.s32 $0xEB00, s1;
	s25 =	sor.u32 s5, s15;
	v2 =	vadd.s32 $0xD80, v3;
	v1 =	vand.u32 $0xB80, v1;
	[tilespmem:s16+$0x0] =	vst v42;
	v63 =	vor.u32 v62, v0  }
0x299: {  	v14 =	vld.idx.msk [tilespmem:v52+s6+$0x0], $0xffff;
	s14 =	sor.u32 s31, s9;
	s9 =	sor.u32 s31, s23;
	v2 =	vand.u32 $0xF80, v2;
	s16 =	sor.u32 s5, s23;
	v8 =	vor.u32 v62, v1;
	[tilespmem:s25+$0x0] =	vst v44  }
0x29a: {  	s10 =	sor.u32 s31, s26;
	s23 =	sadd.s32 $0xEC00, s1;
	v6 =	vor.u32 v62, v2;
	s25 =	sor.u32 s5, s26;
	[tilespmem:s16+$0x0] =	vst v39;
	v48 =	vld.idx.msk [tilespmem:v3+s6+$0x0], $0xffff  }
.Ltmp3:
0x29b: {  	s26 =	sadd.s32 $0xEC80, s1;
	s4 =	sor.u32 s5, s23;
	[tilespmem:s25+$0x0] =	vst v38;
	v43 =	vld.idx.msk [tilespmem:v60+s6+$0x0], $0xffff;
	(pc) =	sbr.rel @p0 .LBB2_5-.Ltmp3, $4  }
0x29c: {  	v55 =	vadd.s32 $0x360, v3;
	s15 =	sor.u32 s31, s23;
	s23 =	sor.u32 s5, s26;
	s25 =	sadd.s32 $0x10900, s1;
	[tilespmem:s4+$0x0] =	vst v16;
	v38 =	vld.idx.msk [tilespmem:v61+s6+$0x0], $0xffff  }
0x29d: {  	v53 =	vadd.s32 $0x5A0, v3;
	v52 =	vadd.s32 $0x6C0, v3;
	v49 =	vadd.s32 $0x7E0, v3;
	s16 =	sor.u32 s31, s26;
	s26 =	sadd.s32 $0x10980, s1;
	s0 =	sor.u32 s5, s25;
	[tilespmem:s23+$0x0] =	vst v40;
	v42 =	vld.idx.msk [tilespmem:v63+s6+$0x0], $0xffff  }
0x29e: {  	v47 =	vadd.s32 $0xA20, v3;
	v46 =	vadd.s32 $0xB40, v3;
	v2 =	vadd.s32 $0xC60, v3;
	s4 =	sor.u32 s31, s25;
	s25 =	sadd.s32 $0x10A00, s1;
	v57 =	vld.idx.msk [tilespmem:v8+s6+$0x0], $0xffff;
	[tilespmem:s0+$0x0] =	vst v41;
	s0 =	sor.u32 s5, s26  }
0x29f: {  	v0 =	vadd.s32 $0xEA0, v3;
	v1 =	vadd.s32 $0xFC0, v3;
	v44 =	vadd.s32 $0x10E0, v3;
	s23 =	sor.u32 s31, s26;
	s30 =	sor.u32 s5, s25;
	v54 =	vld.idx.msk [tilespmem:v6+s6+$0x0], $0xffff;
	s26 =	sadd.s32 $0x10A80, s1;
	[tilespmem:s0+$0x0] =	vst v18  }
0x2a0: {  	v60 =	vld [tilespmem:$0x1FF70]  }
0x2a1: {  	v58 =	vld [tilespmem:$0x1FF60]  }
0x2a2: {  	v63 =	vld [tilespmem:$0x1FFF0]  }
0x2a3: {  	v56 =	vld [tilespmem:$0x1FFE0]  }
0x2a4: {  	v41 =	vld [tilespmem:$0x1FFD0]  }
0x2a5: {  	v40 =	vld [tilespmem:$0x1FFC0]  }
0x2a6: {  	v39 =	vld [tilespmem:$0x1FFB0]  }
0x2a7: {  	v17 =	vld [tilespmem:$0x1FFA0]  }
0x2a8: {  	v16 =	vld [tilespmem:$0x1FF90]  }
0x2a9: {  	v10 =	vld [tilespmem:$0x1FF80];
	[tilespmem:s30+$0x0] =	vst v23;
	s0 =	sadd.s32 $0x10B00, s1;
	s2 =	sor.u32 s5, s26  }
0x2aa: {  	[tilespmem:s2+$0x0] =	vst v24;
	s2 =	sadd.s32 $0x10B80, s1;
	s7 =	sor.u32 s5, s0  }
0x2ab: {  	[tilespmem:s7+$0x0] =	vst v22;
	s7 =	sadd.s32 $0x10C00, s1;
	s11 =	sor.u32 s5, s2  }
0x2ac: {  	s30 =	sadd.s32 $0x10C80, s1;
	[tilespmem:s11+$0x0] =	vst v21;
	s17 =	sor.u32 s5, s7  }
0x2ad: {  	s18 =	sor.u32 s5, s30;
	[tilespmem:s17+$0x0] =	vst v19  }
0x2ae: {  	[tilespmem:s18+$0x0] =	vst v20  }
0x2af: {  	v9 =	vld [tilespmem:$0x1FE80];
	_ =	sdelay $0x3  }
0x2b0: {  	s5 =	rddreg [dreg:$0x6]  }
0x2b1: {  	[tilespmem:s5+$0x0] =	vst v9  }
0x2b2: {  	v9 =	vld [tilespmem:$0x1FE90];
	_ =	sdelay $0x1  }
0x2b3: {  	v3 =	vld.idx.msk [tilespmem:v55+s6+$0x0], $0xffff  }
0x2b4: {  	v4 =	vld.idx.msk [tilespmem:v53+s6+$0x0], $0xffff  }
0x2b5: {  	v5 =	vld.idx.msk [tilespmem:v52+s6+$0x0], $0xffff;
	s5 =	rddreg [dreg:$0x8]  }
0x2b6: {  	v6 =	vld.idx.msk [tilespmem:v49+s6+$0x0], $0xffff;
	[tilespmem:s5+$0x0] =	vst v9  }
0x2b7: {  	v9 =	vld [tilespmem:$0x1FEA0]  }
0x2b8: {  	v7 =	vld.idx.msk [tilespmem:v47+s6+$0x0], $0xffff  }
0x2b9: {  	v8 =	vld.idx.msk [tilespmem:v46+s6+$0x0], $0xffff  }
0x2ba: {  	v2 =	vld.idx.msk [tilespmem:v2+s6+$0x0], $0xffff  }
0x2bb: {  	v0 =	vld.idx.msk [tilespmem:v0+s6+$0x0], $0xffff;
	s5 =	rddreg [dreg:$0x9]  }
0x2bc: {  	v1 =	vld.idx.msk [tilespmem:v1+s6+$0x0], $0xffff;
	[tilespmem:s5+$0x0] =	vst v9  }
0x2bd: {  	v9 =	vld.idx.msk [tilespmem:v44+s6+$0x0], $0xffff;
	[tilespmem:s24+$0x200] =	vst v42  }
0x2be: {  	[tilespmem:s24+$0x80] =	vst v43  }
0x2bf: {  	[tilespmem:s24+$0x100] =	vst v38  }
0x2c0: {  	[tilespmem:s24+$0x180] =	vst v3  }
0x2c1: {  	[tilespmem:s24+$0x280] =	vst v4  }
0x2c2: {  	[tilespmem:s24+$0x0] =	vst v48  }
0x2c3: {  	s5 =	rddreg [dreg:$0xb]  }
0x2c4: {  	[tilespmem:s5+$0xA900] =	vst v5  }
0x2c5: {  	s5 =	rddreg [dreg:$0xd]  }
0x2c6: {  	[tilespmem:s5+$0xA900] =	vst v6  }
0x2c7: {  	s5 =	rddreg [dreg:$0xf]  }
0x2c8: {  	[tilespmem:s5+$0x0] =	vst v57  }
0x2c9: {  	s5 =	rddreg [dreg:$0x11]  }
0x2ca: {  	[tilespmem:s5+$0x0] =	vst v7  }
0x2cb: {  	s5 =	rddreg [dreg:$0x13]  }
0x2cc: {  	[tilespmem:s5+$0x0] =	vst v8  }
0x2cd: {  	[tilespmem:s3+$0x0] =	vst v2  }
0x2ce: {  	[tilespmem:s21+$0x0] =	vst v54  }
0x2cf: {  	[tilespmem:s22+$0x0] =	vst v0  }
0x2d0: {  	[tilespmem:s28+$0x0] =	vst v1  }
0x2d1: {  	[tilespmem:s29+$0x0] =	vst v9  }
0x2d2: {  	[tilespmem:s12+$0x0] =	vst v25  }
0x2d3: {  	[tilespmem:s13+$0x0] =	vst v26  }
0x2d4: {  	[tilespmem:s14+$0x0] =	vst v27  }
0x2d5: {  	[tilespmem:s8+$0x0] =	vst v28  }
0x2d6: {  	[tilespmem:s9+$0x0] =	vst v15  }
0x2d7: {  	[tilespmem:s10+$0x0] =	vst v29  }
0x2d8: {  	[tilespmem:s15+$0x0] =	vst v33  }
0x2d9: {  	[tilespmem:s16+$0x0] =	vst v34  }
0x2da: {  	[tilespmem:s4+$0x0] =	vst v35  }
0x2db: {  	s19 =	sor.u32 s31, s25;
	[tilespmem:s23+$0x0] =	vst v12  }
0x2dc: {  	s20 =	sor.u32 s31, s26;
	[tilespmem:s19+$0x0] =	vst v11  }
0x2dd: {  	s0 =	sor.u32 s31, s0;
	[tilespmem:s20+$0x0] =	vst v13  }
0x2de: {  	s21 =	sor.u32 s31, s2;
	[tilespmem:s0+$0x0] =	vst v14  }
0x2df: {  	s22 =	sor.u32 s31, s7;
	[tilespmem:s21+$0x0] =	vst v50  }
0x2e0: {  	[tilespmem:s22+$0x0] =	vst v51  }
0x2e1: {  	s0 =	sld [smem:$0x7F8];
	_ =	sdelay $0x1  }
0x2e2: {  	s1 =	sor.u32 s31, s30  }
0x2e3: {  	s23 =	rddreg [dreg:$0x3];
	[tilespmem:s1+$0x0] =	vst v45;
	s0 =	sor.u32 $0x400, s0  }
0x2e4: {  	s24 =	simm.s32 $0xA900;
	s25 =	rddreg [dreg:$0x1e];
	s1 =	sadd.s32 s23, s0  }
0x2e5: {  	[hbm4b:s1+s6] =	stream.linear.scatter [tilespmem:s24], [sflag:$0x6], $0x2000, $0x38;
	[tilespmem:$0x12900] =	vst v63  }
0x2e6: {  	s26 =	simm.s32 $0xC900;
	s28 =	rddreg [dreg:$0x1f];
	s1 =	sadd.s32 s0, s25  }
0x2e7: {  	[hbm4b:s1+s6] =	stream.linear.scatter [tilespmem:s26], [sflag:$0x6], $0x2000, $0x38;
	[tilespmem:$0x12900] =	vst v63  }
.Ltmp4:
0x2e8: {  	s30 =	sld [smem:$0x7FC];
	(pc) =	sbr.rel @p1 .LBB2_8-.Ltmp4, $4  }
0x2e9: {  	s29 =	simm.s32 $0xE900;
	s1 =	sadd.s32 s0, s28  }
0x2ea: {  	[hbm4b:s1+s6] =	stream.linear.scatter [tilespmem:s29], [sflag:$0x6], $0x2000, $0x38;
	[tilespmem:$0x12900] =	vst v63  }
0x2eb: {  	s31 =	simm.s32 $0x10900;
	s0 =	sadd.s32 s0, s30  }
0x2ec: {  	[hbm4b:s0+s6] =	stream.linear.scatter [tilespmem:s31], [sflag:$0x6], $0x2000, $0x38;
	[tilespmem:$0x12900] =	vst v63  }
0x2ed: {  	s0 =	sld [smem:$0x7FA];
	_ =	sdelay $0x2  }
0x2ee: {  	s1 =	rddreg [dreg:$0x0];
	s0 =	sshll.u32 s0, $0x7  }
.Ltmp5:
0x2ef: {  	s31 =	sld [smem:$0x7F9];
	s0 =	sadd.s32 $0x180, s0;
	(pc) =	sbr.rel .LBB2_2-.Ltmp5, $4  }
0x2f0: {  	s2 =	simm.s32 $0x1D00;
	s29 =	rddreg [dreg:$0x1];
	s1 =	sadd.s32 s1, s0  }
0x2f1: {  	v3 =	vmov v10;
	v10 =	vld [tilespmem:$0x1FF30];
	[tilespmem:s2], [sflag:$0x2] =	stream.linear.gather [hbm4b:s1+s6], $0x400, $0x38  }
0x2f2: {  	s30 =	simm.s32 $0x2500;
	v11 =	vld [tilespmem:$0x1FF40];
	v5 =	vmov v16;
	s0 =	sadd.s32 s29, s0;
	s1 =	sadd.s32 $0x1, s31  }
0x2f3: {  	v12 =	vld [tilespmem:$0x1FF50];
	v6 =	vmovc v17;
	v7 =	vmovc v39;
	v8 =	vmov v40;
	v9 =	vmov v41;
	v4 =	vmov v58;
	[tilespmem:s30], [sflag:$0x4] =	stream.linear.gather [hbm4b:s0+s6], $0x400, $0x38  }
.LBB2_9:
0x2f4: {  	_ =	sfence.sel $0x180000  }
0x2f5: {  	[bflag:$0x0] =	sbarrier.arrive $0xFFFF  }
0x2f6: {  	_ =	strace $0x90000047  }
0x2f7: {  	s0 =	stileid.u32;
	[bflag:$0x2] =	sbarrier.arrive $0xFFFF  }
0x2f8: {  	p0 =	sne.s32 s0, $0x0;
	s0 =	rddreg [dreg:$0x4]  }
0x2f9: {  	s0 =	sadd.s32 @!p0 $0x100000, s0  }
0x2fa: {  	[sflag:s0] =	ssyncadd.tile.s32 @!p0 $0x1;
	_ =	shalt  }
.Lfunc_end2:
_tile_overlayer_lowered:
.L_overlay_start_2:
0x2fb: {  	(tag) =	ssettag $0x2  }
0x2fc: {  	s0 =	rddreg [dreg:$0x0];
	s2 =	stileid.u32  }
0x2fd: {  	s1 =	rddreg [dreg:$0x1];
	p0 =	sne.s32 s2, $0x0  }
0x2fe: {  	s3 =	rddreg [dreg:$0x2];
	[bflag:$0x3] =	sbarrier.arrive $0xFFFF;
	s2 =	simm.s32 @!p0 $0x1C07  }
0x2ff: {  	[timem:s3], [sflag:s2] =	dma.local @!p0 [hbm:s0], s1  }
0x300: {  	s0 =	simm.s32 @!p0 $0x7  }
0x301: {  	_ =	swait.ge @!p0 [sflag:s0], s1  }
0x302: {  	s1 =	ssub.s32 @!p0 $0x0, s1;
	[sflag:s0] =	ssyncset.done @!p0 $0x0  }
0x303: {  	[sflag:s0] =	ssyncadd.s32 @!p0 s1  }
0x304: {  	[bflag:$0x3] =	sbarrier.arrive $0xFFFF  }
0x305: {  	_ =	shalt  }

</sc_bundles>
